<compile_context>
chip_gen: v7x
topology: tpu7x:2x2x1
jax: 0.10.2.dev20260603
libtpu: 0.0.44.dev20260713+nightly
codegen_flags: <defaults>
</compile_context>

<pallas_src>
import functools

import jax
import jax.numpy as jnp
from jax import lax
from jax.experimental import pallas as pl
from jax.experimental.pallas import tpu as pltpu
from jax.experimental.pallas import tpu_sc as plsc

B = 16
DIM = 4096
NOUT = 4096
BLKD = 512
NT = DIM // BLKD



def _q_copies(xr_hbm, qb, sem, tt, slot):
    return [
        pltpu.make_async_copy(
            xr_hbm.at[pl.ds(tt * BLKD, BLKD), 2 * m],
            qb.at[slot, m],
            sem.at[slot, m],
        )
        for m in range(32)
    ]


def _sample_body(sr_ref, si_ref, g_ref, xr_hbm, out_ref, qb, racc, iacc, sem):
    t = pl.program_id(0)
    slot = lax.rem(t, 2)

    @pl.when(t == 0)
    def _():
        for c in _q_copies(xr_hbm, qb, sem, 0, 0):
            c.start()

    @pl.when(t + 1 < NT)
    def _():
        for c in _q_copies(xr_hbm, qb, sem, t + 1, lax.rem(t + 1, 2)):
            c.start()

    for c in _q_copies(xr_hbm, qb, sem, t, slot):
        c.wait()

    sr = sr_ref[...]
    si = si_ref[...]
    pr = []
    pi = []
    for m in range(32):
        q = qb[slot, m]
        pr.append(jnp.dot(sr, q, preferred_element_type=jnp.float32))
        pi.append(jnp.dot(si, q, preferred_element_type=jnp.float32))
    pr = jnp.concatenate(pr, axis=1)
    pi = jnp.concatenate(pi, axis=1)

    @pl.when(t == 0)
    def _():
        racc[...] = pr
        iacc[...] = pi

    @pl.when(t > 0)
    def _():
        racc[...] += pr
        iacc[...] += pi

    @pl.when(t == NT - 1)
    def _():
        re = racc[...]
        im = iacc[...]
        probs = re * re + im * im
        scores = g_ref[...] + jnp.log(probs + 1e-10)
        a = jnp.argmax(scores, axis=1).astype(jnp.int32)
        out_ref[...] = a.reshape(B, 1)


def _sample(sr, si, xr, g):
    return pl.pallas_call(
        _sample_body,
        grid=(NT,),
        in_specs=[
            pl.BlockSpec((B, BLKD), lambda t: (0, t)),
            pl.BlockSpec((B, BLKD), lambda t: (0, t)),
            pl.BlockSpec((B, NOUT), lambda t: (0, 0)),
            pl.BlockSpec(memory_space=pl.ANY),
        ],
        out_specs=pl.BlockSpec((B, 1), lambda t: (0, 0)),
        out_shape=jax.ShapeDtypeStruct((B, 1), jnp.int32),
        scratch_shapes=[
            pltpu.VMEM((2, 32, BLKD, 128), jnp.float32),
            pltpu.VMEM((B, NOUT), jnp.float32),
            pltpu.VMEM((B, NOUT), jnp.float32),
            pltpu.SemaphoreType.DMA((2, 32)),
        ],
    )(sr, si, g, xr)



_NC = 2
_NS = 16
_NW = _NC * _NS
_CHUNK = B * DIM // _NW
_DMA = 128
_NDMA = _CHUNK // _DMA


def _gather_body(flat_hbm, oc_hbm, out_hbm, oc_v, idx_v, val_v, sem):
    wid = lax.axis_index("s") * _NC + lax.axis_index("c")
    b = wid // 2
    d0 = (wid % 2) * _CHUNK
    pltpu.sync_copy(oc_hbm, oc_v)
    oc = oc_v[...]
    o_b = jnp.sum(jnp.where(lax.iota(jnp.int32, 16) == b, oc, 0))
    obase = (o_b // 128) * 256 + (o_b % 128)

    def fill(k, _):
        d = lax.iota(jnp.int32, 16) + (d0 + k * 16)
        idx_v[pl.ds(k * 16, 16)] = d * (2 * NOUT) + obase
        return 0

    lax.fori_loop(0, _CHUNK // 16, fill, 0)

    copies = [
        pltpu.make_async_copy(
            flat_hbm.at[idx_v.at[pl.ds(r * _DMA, _DMA)]],
            val_v.at[pl.ds(r * _DMA, _DMA)],
            sem,
        )
        for r in range(_NDMA)
    ]
    for c in copies:
        c.start()
    for c in copies:
        c.wait()
    pltpu.sync_copy(val_v, out_hbm.at[b, pl.ds(d0, _CHUNK)])


@functools.cache
def _gather():
    return functools.partial(
        pl.kernel,
        out_type=jax.ShapeDtypeStruct((B, DIM), jnp.float32),
        mesh=plsc.VectorSubcoreMesh(core_axis_name="c", subcore_axis_name="s"),
        compiler_params=pltpu.CompilerParams(needs_layout_passes=False),
        scratch_types=[
            pltpu.VMEM((16,), jnp.int32),
            pltpu.VMEM((_CHUNK,), jnp.int32),
            pltpu.VMEM((_CHUNK,), jnp.float32),
            pltpu.SemaphoreType.DMA,
        ],
    )(_gather_body)




def kernel(state, basis):
    sr = state[..., 0]
    si = state[..., 1]
    g = jax.random.gumbel(jax.random.key(42), (B, NOUT), jnp.float32)
    xr = basis.reshape(DIM, 32, 128, 2).transpose(0, 1, 3, 2)
    flat = xr.reshape(-1)
    xr = xr.reshape(DIM, 64, 128)
    outcome = _sample(sr, si, xr, g).reshape(B)
    real = _gather()(flat, outcome)
    collapsed = jnp.stack([real, jnp.zeros_like(real)], axis=-1)
    return outcome, collapsed

# --- scband reference (transcript-rebuilt; emitter-appended) ---
"""Pipeline reference for scband-projective-measurement-24043226923419 (READ-ONLY COPY).

The authoritative reference and input builder live on the scoring server;
editing this copy changes nothing except your own understanding.
"""

import jax, jax.numpy as jnp
import numpy as np

B, DIM, NUM_OUTCOMES = 16, 4096, 4096


def setup_inputs(seed: int = 0) -> dict:
    key = jax.random.key(seed)
    k1, k2 = jax.random.split(key)
    state = jax.random.normal(k1, (B, DIM, 2), dtype=jnp.float32)
    A = jax.random.normal(k2, (DIM, NUM_OUTCOMES), dtype=jnp.float32)
    Q, _ = jnp.linalg.qr(A)
    basis = jnp.stack([Q, jnp.zeros_like(Q)], axis=-1)  # [dim, num_outcomes, 2]
    return {"state": state, "basis": basis}


def _probabilities(state, basis):
    # P(i) = |<e_i|psi>|^2, complex inner product split into real/imag parts
    inner_real = (jnp.einsum('bd,do->bo', state[..., 0], basis[..., 0])
                  + jnp.einsum('bd,do->bo', state[..., 1], basis[..., 1]))
    inner_imag = (jnp.einsum('bd,do->bo', state[..., 1], basis[..., 0])
                  - jnp.einsum('bd,do->bo', state[..., 0], basis[..., 1]))
    return inner_real ** 2 + inner_imag ** 2


def reference(state, basis):
    # measure(state, return_collapsed=True)
    probs = _probabilities(state, basis)
    key = jax.random.key(42)
    # torch.multinomial(probs + 1e-10, 1) -> categorical sample over outcomes
    outcome = jax.random.categorical(key, jnp.log(probs + 1e-10), axis=-1)  # [B]
    # collapsed[b] = basis[:, outcome[b]]  -> gather columns of basis
    collapsed = jnp.transpose(basis, (1, 0, 2))[outcome]  # [B, dim, 2]
    return (outcome, collapsed)

if __name__ == "__main__":
    import jax
    _d = setup_inputs()
    print(jax.jit(kernel)(*tuple(_d.values())))

</pallas_src>

<mosaic_0001>
#map = affine_map<(d0, d1) -> (0)>
#map1 = affine_map<(d0, d1) -> (0, 0)>
module attributes {stable_mosaic.version = 14 : i64} {
  func.func @_gather_body(%arg0: i32, %arg1: i32, %arg2: memref<33554432xf32, #tpu.memory_space<hbm>>, %arg3: memref<16xi32, #tpu.memory_space<hbm>>, %arg4: memref<16x4096xf32, #tpu.memory_space<hbm>>, %arg5: memref<16xi32, #tpu.memory_space<vmem>>, %arg6: memref<2048xi32, #tpu.memory_space<vmem>>, %arg7: memref<2048xf32, #tpu.memory_space<vmem>>, %arg8: memref<!tpu.dma_semaphore, #tpu.memory_space<semaphore_mem>>) attributes {dimension_semantics = [#tpu.dimension_semantics<core_parallel>, #tpu.dimension_semantics<subcore_parallel>], iteration_bounds = array<i64: 2, 16>, scalar_prefetch = 0 : i64, scratch_operands = 4 : i64, tpu.core_type = #tpu.core_type<sc_vector_subcore>, window_params = [{transform_indices = #map}, {transform_indices = #map}, {transform_indices = #map1}]} {
    %mul3A = arith.constant 2 : i32
    %mul3A_0 = arith.muli %arg1, %mul3A : i32
    %add3A = arith.addi %mul3A_0, %arg0 : i32
    %jit3A = arith.constant 2 : i32
    %div3A = arith.divsi %add3A, %jit3A : i32
    %sign3A = arith.constant 0 : i32
    %sign3A_1 = arith.cmpi sgt, %add3A, %sign3A : i32
    %sign3A_2 = arith.extui %sign3A_1 : i1 to i32
    %sign3A_3 = arith.constant 0 : i32
    %sign3A_4 = arith.cmpi slt, %add3A, %sign3A_3 : i32
    %sign3A_5 = arith.extui %sign3A_4 : i1 to i32
    %sign3A_6 = arith.subi %sign3A_2, %sign3A_5 : i32
    %sign3A_7 = arith.constant 0 : i32
    %sign3A_8 = arith.cmpi sgt, %jit3A, %sign3A_7 : i32
    %sign3A_9 = arith.extui %sign3A_8 : i1 to i32
    %sign3A_10 = arith.constant 0 : i32
    %sign3A_11 = arith.cmpi slt, %jit3A, %sign3A_10 : i32
    %sign3A_12 = arith.extui %sign3A_11 : i1 to i32
    %sign3A_13 = arith.subi %sign3A_9, %sign3A_12 : i32
    %ne3A = arith.cmpi ne, %sign3A_6, %sign3A_13 : i32
    %rem3A = arith.remsi %add3A, %jit3A : i32
    %ne3A_14 = arith.constant 0 : i32
    %ne3A_15 = arith.cmpi ne, %rem3A, %ne3A_14 : i32
    %and3A = arith.andi %ne3A, %ne3A_15 : i1
    %sub3A = arith.constant 1 : i32
    %sub3A_16 = arith.subi %div3A, %sub3A : i32
    %select_n3A = arith.select %and3A, %sub3A_16, %div3A : i32
    %jit3A_17 = arith.constant 2 : i32
    %eq3A = arith.constant 0 : i32
    %eq3A_18 = arith.cmpi eq, %jit3A_17, %eq3A : i32
    %jit3A_19 = arith.constant 1 : i32
    %select_n3A_20 = arith.select %eq3A_18, %jit3A_19, %jit3A_17 : i32
    %rem3A_21 = arith.remsi %add3A, %select_n3A_20 : i32
    %ne3A_22 = arith.constant 0 : i32
    %ne3A_23 = arith.cmpi ne, %rem3A_21, %ne3A_22 : i32
    %lt3A = arith.constant 0 : i32
    %lt3A_24 = arith.cmpi slt, %rem3A_21, %lt3A : i32
    %lt3A_25 = arith.constant 0 : i32
    %lt3A_26 = arith.cmpi slt, %select_n3A_20, %lt3A_25 : i32
    %ne3A_27 = arith.xori %lt3A_24, %lt3A_26 : i1
    %and3A_28 = arith.andi %ne3A_27, %ne3A_23 : i1
    %add3A_29 = arith.addi %rem3A_21, %select_n3A_20 : i32
    %select_n3A_30 = arith.select %and3A_28, %add3A_29, %rem3A_21 : i32
    %mul3A_31 = arith.constant 2048 : i32
    %mul3A_32 = arith.muli %select_n3A_30, %mul3A_31 : i32
    "tpu.region"() ({
      %run_scoped3A = tpu.sem_alloc : memref<!tpu.dma_semaphore, #tpu.memory_space<semaphore_mem>>
      tpu.enqueue_dma source(%arg3 : memref<16xi32, #tpu.memory_space<hbm>>) target(%arg5 : memref<16xi32, #tpu.memory_space<vmem>>) target_semaphore(%run_scoped3A : memref<!tpu.dma_semaphore, #tpu.memory_space<semaphore_mem>>)
      tpu.wait_dma2 semaphore(%run_scoped3A : memref<!tpu.dma_semaphore, #tpu.memory_space<semaphore_mem>>) src(%arg3 : memref<16xi32, #tpu.memory_space<hbm>>) dst(%arg5 : memref<16xi32, #tpu.memory_space<vmem>>)
      tpu.yield
    }) : () -> ()
    %get3A = arith.constant 0 : index
    %get3A_33 = tpu.vector_load %arg5[%get3A] {strides = array<i32>} : memref<16xi32, #tpu.memory_space<vmem>>, vector<16xi32>,
    %iota3A = tpu.iota {dimensions = array<i32: 0>} : vector<16xi32>
    %eq3A_34 = vector.broadcast %select_n3A : i32 to vector<16xi32>
    %eq3A_35 = arith.cmpi eq, %iota3A, %eq3A_34 : vector<16xi32>
    %jit3A_36 = arith.constant 0 : i32
    %broadcast_in_dim3A = vector.broadcast %jit3A_36 : i32 to vector<16xi32>
    %select_n3A_37 = arith.select %eq3A_35, %get3A_33, %broadcast_in_dim3A : vector<16xi1>, vector<16xi32>
    %reduce_sum3A = arith.constant true
    %reduce_sum3A_38 = vector.broadcast %reduce_sum3A : i1 to vector<16xi1>
    %reduce_sum3A_39 = tpu.scan <sum>, %select_n3A_37 masked %reduce_sum3A_38 : vector<16xi32>, vector<16xi1> -> vector<16xi32>
    %reduce_sum3A_40 = vector.extract %reduce_sum3A_39[15] : i32 from vector<16xi32>
    %jit3A_41 = arith.constant 128 : i32
    %div3A_42 = arith.divsi %reduce_sum3A_40, %jit3A_41 : i32
    %sign3A_43 = arith.constant 0 : i32
    %sign3A_44 = arith.cmpi sgt, %reduce_sum3A_40, %sign3A_43 : i32
    %sign3A_45 = arith.extui %sign3A_44 : i1 to i32
    %sign3A_46 = arith.constant 0 : i32
    %sign3A_47 = arith.cmpi slt, %reduce_sum3A_40, %sign3A_46 : i32
    %sign3A_48 = arith.extui %sign3A_47 : i1 to i32
    %sign3A_49 = arith.subi %sign3A_45, %sign3A_48 : i32
    %sign3A_50 = arith.constant 0 : i32
    %sign3A_51 = arith.cmpi sgt, %jit3A_41, %sign3A_50 : i32
    %sign3A_52 = arith.extui %sign3A_51 : i1 to i32
    %sign3A_53 = arith.constant 0 : i32
    %sign3A_54 = arith.cmpi slt, %jit3A_41, %sign3A_53 : i32
    %sign3A_55 = arith.extui %sign3A_54 : i1 to i32
    %sign3A_56 = arith.subi %sign3A_52, %sign3A_55 : i32
    %ne3A_57 = arith.cmpi ne, %sign3A_49, %sign3A_56 : i32
    %rem3A_58 = arith.remsi %reduce_sum3A_40, %jit3A_41 : i32
    %ne3A_59 = arith.constant 0 : i32
    %ne3A_60 = arith.cmpi ne, %rem3A_58, %ne3A_59 : i32
    %and3A_61 = arith.andi %ne3A_57, %ne3A_60 : i1
    %sub3A_62 = arith.constant 1 : i32
    %sub3A_63 = arith.subi %div3A_42, %sub3A_62 : i32
    %select_n3A_64 = arith.select %and3A_61, %sub3A_63, %div3A_42 : i32
    %mul3A_65 = arith.constant 256 : i32
    %mul3A_66 = arith.muli %select_n3A_64, %mul3A_65 : i32
    %jit3A_67 = arith.constant 128 : i32
    %eq3A_68 = arith.constant 0 : i32
    %eq3A_69 = arith.cmpi eq, %jit3A_67, %eq3A_68 : i32
    %jit3A_70 = arith.constant 1 : i32
    %select_n3A_71 = arith.select %eq3A_69, %jit3A_70, %jit3A_67 : i32
    %rem3A_72 = arith.remsi %reduce_sum3A_40, %select_n3A_71 : i32
    %ne3A_73 = arith.constant 0 : i32
    %ne3A_74 = arith.cmpi ne, %rem3A_72, %ne3A_73 : i32
    %lt3A_75 = arith.constant 0 : i32
    %lt3A_76 = arith.cmpi slt, %rem3A_72, %lt3A_75 : i32
    %lt3A_77 = arith.constant 0 : i32
    %lt3A_78 = arith.cmpi slt, %select_n3A_71, %lt3A_77 : i32
    %ne3A_79 = arith.xori %lt3A_76, %lt3A_78 : i1
    %and3A_80 = arith.andi %ne3A_79, %ne3A_74 : i1
    %add3A_81 = arith.addi %rem3A_72, %select_n3A_71 : i32
    %select_n3A_82 = arith.select %and3A_80, %add3A_81, %rem3A_72 : i32
    %add3A_83 = arith.addi %mul3A_66, %select_n3A_82 : i32
    %scan3A = arith.constant 0 : i32
    %scan3A_84 = arith.constant 0 : i32
    %scan3A_85 = arith.constant 128 : i32
    %scan3A_86 = arith.addi %scan3A_84, %scan3A_85 : i32
    %scan3A_87 = arith.constant 1 : i32
    %scan3A_88 = scf.for %scan3A_280 = %scan3A_84 to %scan3A_86 step %scan3A_87 iter_args(%scan3A_281 = %scan3A) -> (i32)  : i32 {
      %iota3A_282 = tpu.iota {dimensions = array<i32: 0>} : vector<16xi32>
      %mul3A_283 = arith.constant 16 : i32
      %mul3A_284 = arith.muli %scan3A_280, %mul3A_283 : i32
      %add3A_285 = arith.addi %mul3A_32, %mul3A_284 : i32
      %add3A_286 = vector.broadcast %add3A_285 : i32 to vector<16xi32>
      %add3A_287 = arith.addi %iota3A_282, %add3A_286 : vector<16xi32>
      %mul3A_288 = arith.constant 8192 : i32
      %mul3A_289 = vector.broadcast %mul3A_288 : i32 to vector<16xi32>
      %mul3A_290 = arith.muli %add3A_287, %mul3A_289 : vector<16xi32>
      %add3A_291 = vector.broadcast %add3A_83 : i32 to vector<16xi32>
      %add3A_292 = arith.addi %mul3A_290, %add3A_291 : vector<16xi32>
      %mul3A_293 = arith.constant 16 : i32
      %mul3A_294 = arith.muli %scan3A_280, %mul3A_293 : i32
      %swap3A = arith.index_cast %mul3A_294 : i32 to index
      %swap3A_295 = tpu.vector_load %arg6[%swap3A] {strides = array<i32>} : memref<2048xi32, #tpu.memory_space<vmem>>, vector<16xi32>,
      tpu.vector_store %arg6[%swap3A], %add3A_292 {strides = array<i32>} : memref<2048xi32, #tpu.memory_space<vmem>>, vector<16xi32>,
      %scan3A_296 = arith.constant 0 : i32
      scf.yield %scan3A_296 : i32
    }
    %scan3A_89 = arith.constant 128 : i32
    %dma_start3A = arith.constant 0 : i32
    %dma_start3A_90 = tpu.memref_slice %arg7[%dma_start3A] : memref<2048xf32, #tpu.memory_space<vmem>> -> memref<128xf32, #tpu.memory_space<vmem>>
    %dma_start3A_91 = arith.constant 0 : i32
    %dma_start3A_92 = tpu.memref_slice %arg6[%dma_start3A_91] : memref<2048xi32, #tpu.memory_space<vmem>> -> memref<128xi32, #tpu.memory_space<vmem>>
    %dma_start3A_93 = arith.constant 0 : i32
    %dma_start3A_94 = tpu.memref_slice %arg2[%dma_start3A_93] : memref<33554432xf32, #tpu.memory_space<hbm>> -> memref<33554432xf32, #tpu.memory_space<hbm>>
    tpu.enqueue_indirect_dma source(%dma_start3A_94 : memref<33554432xf32, #tpu.memory_space<hbm>>) target(%dma_start3A_90 : memref<128xf32, #tpu.memory_space<vmem>>) offsets(%dma_start3A_92 : memref<128xi32, #tpu.memory_space<vmem>>) semaphore(%arg8 : memref<!tpu.dma_semaphore, #tpu.memory_space<semaphore_mem>>)
    %dma_start3A_95 = arith.constant 128 : i32
    %dma_start3A_96 = tpu.memref_slice %arg7[%dma_start3A_95] : memref<2048xf32, #tpu.memory_space<vmem>> -> memref<128xf32, #tpu.memory_space<vmem>>
    %dma_start3A_97 = arith.constant 128 : i32
    %dma_start3A_98 = tpu.memref_slice %arg6[%dma_start3A_97] : memref<2048xi32, #tpu.memory_space<vmem>> -> memref<128xi32, #tpu.memory_space<vmem>>
    %dma_start3A_99 = arith.constant 0 : i32
    %dma_start3A_100 = tpu.memref_slice %arg2[%dma_start3A_99] : memref<33554432xf32, #tpu.memory_space<hbm>> -> memref<33554432xf32, #tpu.memory_space<hbm>>
    tpu.enqueue_indirect_dma source(%dma_start3A_100 : memref<33554432xf32, #tpu.memory_space<hbm>>) target(%dma_start3A_96 : memref<128xf32, #tpu.memory_space<vmem>>) offsets(%dma_start3A_98 : memref<128xi32, #tpu.memory_space<vmem>>) semaphore(%arg8 : memref<!tpu.dma_semaphore, #tpu.memory_space<semaphore_mem>>)
    %dma_start3A_101 = arith.constant 256 : i32
    %dma_start3A_102 = tpu.memref_slice %arg7[%dma_start3A_101] : memref<2048xf32, #tpu.memory_space<vmem>> -> memref<128xf32, #tpu.memory_space<vmem>>
    %dma_start3A_103 = arith.constant 256 : i32
    %dma_start3A_104 = tpu.memref_slice %arg6[%dma_start3A_103] : memref<2048xi32, #tpu.memory_space<vmem>> -> memref<128xi32, #tpu.memory_space<vmem>>
    %dma_start3A_105 = arith.constant 0 : i32
    %dma_start3A_106 = tpu.memref_slice %arg2[%dma_start3A_105] : memref<33554432xf32, #tpu.memory_space<hbm>> -> memref<33554432xf32, #tpu.memory_space<hbm>>
    tpu.enqueue_indirect_dma source(%dma_start3A_106 : memref<33554432xf32, #tpu.memory_space<hbm>>) target(%dma_start3A_102 : memref<128xf32, #tpu.memory_space<vmem>>) offsets(%dma_start3A_104 : memref<128xi32, #tpu.memory_space<vmem>>) semaphore(%arg8 : memref<!tpu.dma_semaphore, #tpu.memory_space<semaphore_mem>>)
    %dma_start3A_107 = arith.constant 384 : i32
    %dma_start3A_108 = tpu.memref_slice %arg7[%dma_start3A_107] : memref<2048xf32, #tpu.memory_space<vmem>> -> memref<128xf32, #tpu.memory_space<vmem>>
    %dma_start3A_109 = arith.constant 384 : i32
    %dma_start3A_110 = tpu.memref_slice %arg6[%dma_start3A_109] : memref<2048xi32, #tpu.memory_space<vmem>> -> memref<128xi32, #tpu.memory_space<vmem>>
    %dma_start3A_111 = arith.constant 0 : i32
    %dma_start3A_112 = tpu.memref_slice %arg2[%dma_start3A_111] : memref<33554432xf32, #tpu.memory_space<hbm>> -> memref<33554432xf32, #tpu.memory_space<hbm>>
    tpu.enqueue_indirect_dma source(%dma_start3A_112 : memref<33554432xf32, #tpu.memory_space<hbm>>) target(%dma_start3A_108 : memref<128xf32, #tpu.memory_space<vmem>>) offsets(%dma_start3A_110 : memref<128xi32, #tpu.memory_space<vmem>>) semaphore(%arg8 : memref<!tpu.dma_semaphore, #tpu.memory_space<semaphore_mem>>)
    %dma_start3A_113 = arith.constant 512 : i32
    %dma_start3A_114 = tpu.memref_slice %arg7[%dma_start3A_113] : memref<2048xf32, #tpu.memory_space<vmem>> -> memref<128xf32, #tpu.memory_space<vmem>>
    %dma_start3A_115 = arith.constant 512 : i32
    %dma_start3A_116 = tpu.memref_slice %arg6[%dma_start3A_115] : memref<2048xi32, #tpu.memory_space<vmem>> -> memref<128xi32, #tpu.memory_space<vmem>>
    %dma_start3A_117 = arith.constant 0 : i32
    %dma_start3A_118 = tpu.memref_slice %arg2[%dma_start3A_117] : memref<33554432xf32, #tpu.memory_space<hbm>> -> memref<33554432xf32, #tpu.memory_space<hbm>>
    tpu.enqueue_indirect_dma source(%dma_start3A_118 : memref<33554432xf32, #tpu.memory_space<hbm>>) target(%dma_start3A_114 : memref<128xf32, #tpu.memory_space<vmem>>) offsets(%dma_start3A_116 : memref<128xi32, #tpu.memory_space<vmem>>) semaphore(%arg8 : memref<!tpu.dma_semaphore, #tpu.memory_space<semaphore_mem>>)
    %dma_start3A_119 = arith.constant 640 : i32
    %dma_start3A_120 = tpu.memref_slice %arg7[%dma_start3A_119] : memref<2048xf32, #tpu.memory_space<vmem>> -> memref<128xf32, #tpu.memory_space<vmem>>
    %dma_start3A_121 = arith.constant 640 : i32
    %dma_start3A_122 = tpu.memref_slice %arg6[%dma_start3A_121] : memref<2048xi32, #tpu.memory_space<vmem>> -> memref<128xi32, #tpu.memory_space<vmem>>
    %dma_start3A_123 = arith.constant 0 : i32
    %dma_start3A_124 = tpu.memref_slice %arg2[%dma_start3A_123] : memref<33554432xf32, #tpu.memory_space<hbm>> -> memref<33554432xf32, #tpu.memory_space<hbm>>
    tpu.enqueue_indirect_dma source(%dma_start3A_124 : memref<33554432xf32, #tpu.memory_space<hbm>>) target(%dma_start3A_120 : memref<128xf32, #tpu.memory_space<vmem>>) offsets(%dma_start3A_122 : memref<128xi32, #tpu.memory_space<vmem>>) semaphore(%arg8 : memref<!tpu.dma_semaphore, #tpu.memory_space<semaphore_mem>>)
    %dma_start3A_125 = arith.constant 768 : i32
    %dma_start3A_126 = tpu.memref_slice %arg7[%dma_start3A_125] : memref<2048xf32, #tpu.memory_space<vmem>> -> memref<128xf32, #tpu.memory_space<vmem>>
    %dma_start3A_127 = arith.constant 768 : i32
    %dma_start3A_128 = tpu.memref_slice %arg6[%dma_start3A_127] : memref<2048xi32, #tpu.memory_space<vmem>> -> memref<128xi32, #tpu.memory_space<vmem>>
    %dma_start3A_129 = arith.constant 0 : i32
    %dma_start3A_130 = tpu.memref_slice %arg2[%dma_start3A_129] : memref<33554432xf32, #tpu.memory_space<hbm>> -> memref<33554432xf32, #tpu.memory_space<hbm>>
    tpu.enqueue_indirect_dma source(%dma_start3A_130 : memref<33554432xf32, #tpu.memory_space<hbm>>) target(%dma_start3A_126 : memref<128xf32, #tpu.memory_space<vmem>>) offsets(%dma_start3A_128 : memref<128xi32, #tpu.memory_space<vmem>>) semaphore(%arg8 : memref<!tpu.dma_semaphore, #tpu.memory_space<semaphore_mem>>)
    %dma_start3A_131 = arith.constant 896 : i32
    %dma_start3A_132 = tpu.memref_slice %arg7[%dma_start3A_131] : memref<2048xf32, #tpu.memory_space<vmem>> -> memref<128xf32, #tpu.memory_space<vmem>>
    %dma_start3A_133 = arith.constant 896 : i32
    %dma_start3A_134 = tpu.memref_slice %arg6[%dma_start3A_133] : memref<2048xi32, #tpu.memory_space<vmem>> -> memref<128xi32, #tpu.memory_space<vmem>>
    %dma_start3A_135 = arith.constant 0 : i32
    %dma_start3A_136 = tpu.memref_slice %arg2[%dma_start3A_135] : memref<33554432xf32, #tpu.memory_space<hbm>> -> memref<33554432xf32, #tpu.memory_space<hbm>>
    tpu.enqueue_indirect_dma source(%dma_start3A_136 : memref<33554432xf32, #tpu.memory_space<hbm>>) target(%dma_start3A_132 : memref<128xf32, #tpu.memory_space<vmem>>) offsets(%dma_start3A_134 : memref<128xi32, #tpu.memory_space<vmem>>) semaphore(%arg8 : memref<!tpu.dma_semaphore, #tpu.memory_space<semaphore_mem>>)
    %dma_start3A_137 = arith.constant 1024 : i32
    %dma_start3A_138 = tpu.memref_slice %arg7[%dma_start3A_137] : memref<2048xf32, #tpu.memory_space<vmem>> -> memref<128xf32, #tpu.memory_space<vmem>>
    %dma_start3A_139 = arith.constant 1024 : i32
    %dma_start3A_140 = tpu.memref_slice %arg6[%dma_start3A_139] : memref<2048xi32, #tpu.memory_space<vmem>> -> memref<128xi32, #tpu.memory_space<vmem>>
    %dma_start3A_141 = arith.constant 0 : i32
    %dma_start3A_142 = tpu.memref_slice %arg2[%dma_start3A_141] : memref<33554432xf32, #tpu.memory_space<hbm>> -> memref<33554432xf32, #tpu.memory_space<hbm>>
    tpu.enqueue_indirect_dma source(%dma_start3A_142 : memref<33554432xf32, #tpu.memory_space<hbm>>) target(%dma_start3A_138 : memref<128xf32, #tpu.memory_space<vmem>>) offsets(%dma_start3A_140 : memref<128xi32, #tpu.memory_space<vmem>>) semaphore(%arg8 : memref<!tpu.dma_semaphore, #tpu.memory_space<semaphore_mem>>)
    %dma_start3A_143 = arith.constant 1152 : i32
    %dma_start3A_144 = tpu.memref_slice %arg7[%dma_start3A_143] : memref<2048xf32, #tpu.memory_space<vmem>> -> memref<128xf32, #tpu.memory_space<vmem>>
    %dma_start3A_145 = arith.constant 1152 : i32
    %dma_start3A_146 = tpu.memref_slice %arg6[%dma_start3A_145] : memref<2048xi32, #tpu.memory_space<vmem>> -> memref<128xi32, #tpu.memory_space<vmem>>
    %dma_start3A_147 = arith.constant 0 : i32
    %dma_start3A_148 = tpu.memref_slice %arg2[%dma_start3A_147] : memref<33554432xf32, #tpu.memory_space<hbm>> -> memref<33554432xf32, #tpu.memory_space<hbm>>
    tpu.enqueue_indirect_dma source(%dma_start3A_148 : memref<33554432xf32, #tpu.memory_space<hbm>>) target(%dma_start3A_144 : memref<128xf32, #tpu.memory_space<vmem>>) offsets(%dma_start3A_146 : memref<128xi32, #tpu.memory_space<vmem>>) semaphore(%arg8 : memref<!tpu.dma_semaphore, #tpu.memory_space<semaphore_mem>>)
    %dma_start3A_149 = arith.constant 1280 : i32
    %dma_start3A_150 = tpu.memref_slice %arg7[%dma_start3A_149] : memref<2048xf32, #tpu.memory_space<vmem>> -> memref<128xf32, #tpu.memory_space<vmem>>
    %dma_start3A_151 = arith.constant 1280 : i32
    %dma_start3A_152 = tpu.memref_slice %arg6[%dma_start3A_151] : memref<2048xi32, #tpu.memory_space<vmem>> -> memref<128xi32, #tpu.memory_space<vmem>>
    %dma_start3A_153 = arith.constant 0 : i32
    %dma_start3A_154 = tpu.memref_slice %arg2[%dma_start3A_153] : memref<33554432xf32, #tpu.memory_space<hbm>> -> memref<33554432xf32, #tpu.memory_space<hbm>>
    tpu.enqueue_indirect_dma source(%dma_start3A_154 : memref<33554432xf32, #tpu.memory_space<hbm>>) target(%dma_start3A_150 : memref<128xf32, #tpu.memory_space<vmem>>) offsets(%dma_start3A_152 : memref<128xi32, #tpu.memory_space<vmem>>) semaphore(%arg8 : memref<!tpu.dma_semaphore, #tpu.memory_space<semaphore_mem>>)
    %dma_start3A_155 = arith.constant 1408 : i32
    %dma_start3A_156 = tpu.memref_slice %arg7[%dma_start3A_155] : memref<2048xf32, #tpu.memory_space<vmem>> -> memref<128xf32, #tpu.memory_space<vmem>>
    %dma_start3A_157 = arith.constant 1408 : i32
    %dma_start3A_158 = tpu.memref_slice %arg6[%dma_start3A_157] : memref<2048xi32, #tpu.memory_space<vmem>> -> memref<128xi32, #tpu.memory_space<vmem>>
    %dma_start3A_159 = arith.constant 0 : i32
    %dma_start3A_160 = tpu.memref_slice %arg2[%dma_start3A_159] : memref<33554432xf32, #tpu.memory_space<hbm>> -> memref<33554432xf32, #tpu.memory_space<hbm>>
    tpu.enqueue_indirect_dma source(%dma_start3A_160 : memref<33554432xf32, #tpu.memory_space<hbm>>) target(%dma_start3A_156 : memref<128xf32, #tpu.memory_space<vmem>>) offsets(%dma_start3A_158 : memref<128xi32, #tpu.memory_space<vmem>>) semaphore(%arg8 : memref<!tpu.dma_semaphore, #tpu.memory_space<semaphore_mem>>)
    %dma_start3A_161 = arith.constant 1536 : i32
    %dma_start3A_162 = tpu.memref_slice %arg7[%dma_start3A_161] : memref<2048xf32, #tpu.memory_space<vmem>> -> memref<128xf32, #tpu.memory_space<vmem>>
    %dma_start3A_163 = arith.constant 1536 : i32
    %dma_start3A_164 = tpu.memref_slice %arg6[%dma_start3A_163] : memref<2048xi32, #tpu.memory_space<vmem>> -> memref<128xi32, #tpu.memory_space<vmem>>
    %dma_start3A_165 = arith.constant 0 : i32
    %dma_start3A_166 = tpu.memref_slice %arg2[%dma_start3A_165] : memref<33554432xf32, #tpu.memory_space<hbm>> -> memref<33554432xf32, #tpu.memory_space<hbm>>
    tpu.enqueue_indirect_dma source(%dma_start3A_166 : memref<33554432xf32, #tpu.memory_space<hbm>>) target(%dma_start3A_162 : memref<128xf32, #tpu.memory_space<vmem>>) offsets(%dma_start3A_164 : memref<128xi32, #tpu.memory_space<vmem>>) semaphore(%arg8 : memref<!tpu.dma_semaphore, #tpu.memory_space<semaphore_mem>>)
    %dma_start3A_167 = arith.constant 1664 : i32
    %dma_start3A_168 = tpu.memref_slice %arg7[%dma_start3A_167] : memref<2048xf32, #tpu.memory_space<vmem>> -> memref<128xf32, #tpu.memory_space<vmem>>
    %dma_start3A_169 = arith.constant 1664 : i32
    %dma_start3A_170 = tpu.memref_slice %arg6[%dma_start3A_169] : memref<2048xi32, #tpu.memory_space<vmem>> -> memref<128xi32, #tpu.memory_space<vmem>>
    %dma_start3A_171 = arith.constant 0 : i32
    %dma_start3A_172 = tpu.memref_slice %arg2[%dma_start3A_171] : memref<33554432xf32, #tpu.memory_space<hbm>> -> memref<33554432xf32, #tpu.memory_space<hbm>>
    tpu.enqueue_indirect_dma source(%dma_start3A_172 : memref<33554432xf32, #tpu.memory_space<hbm>>) target(%dma_start3A_168 : memref<128xf32, #tpu.memory_space<vmem>>) offsets(%dma_start3A_170 : memref<128xi32, #tpu.memory_space<vmem>>) semaphore(%arg8 : memref<!tpu.dma_semaphore, #tpu.memory_space<semaphore_mem>>)
    %dma_start3A_173 = arith.constant 1792 : i32
    %dma_start3A_174 = tpu.memref_slice %arg7[%dma_start3A_173] : memref<2048xf32, #tpu.memory_space<vmem>> -> memref<128xf32, #tpu.memory_space<vmem>>
    %dma_start3A_175 = arith.constant 1792 : i32
    %dma_start3A_176 = tpu.memref_slice %arg6[%dma_start3A_175] : memref<2048xi32, #tpu.memory_space<vmem>> -> memref<128xi32, #tpu.memory_space<vmem>>
    %dma_start3A_177 = arith.constant 0 : i32
    %dma_start3A_178 = tpu.memref_slice %arg2[%dma_start3A_177] : memref<33554432xf32, #tpu.memory_space<hbm>> -> memref<33554432xf32, #tpu.memory_space<hbm>>
    tpu.enqueue_indirect_dma source(%dma_start3A_178 : memref<33554432xf32, #tpu.memory_space<hbm>>) target(%dma_start3A_174 : memref<128xf32, #tpu.memory_space<vmem>>) offsets(%dma_start3A_176 : memref<128xi32, #tpu.memory_space<vmem>>) semaphore(%arg8 : memref<!tpu.dma_semaphore, #tpu.memory_space<semaphore_mem>>)
    %dma_start3A_179 = arith.constant 1920 : i32
    %dma_start3A_180 = tpu.memref_slice %arg7[%dma_start3A_179] : memref<2048xf32, #tpu.memory_space<vmem>> -> memref<128xf32, #tpu.memory_space<vmem>>
    %dma_start3A_181 = arith.constant 1920 : i32
    %dma_start3A_182 = tpu.memref_slice %arg6[%dma_start3A_181] : memref<2048xi32, #tpu.memory_space<vmem>> -> memref<128xi32, #tpu.memory_space<vmem>>
    %dma_start3A_183 = arith.constant 0 : i32
    %dma_start3A_184 = tpu.memref_slice %arg2[%dma_start3A_183] : memref<33554432xf32, #tpu.memory_space<hbm>> -> memref<33554432xf32, #tpu.memory_space<hbm>>
    tpu.enqueue_indirect_dma source(%dma_start3A_184 : memref<33554432xf32, #tpu.memory_space<hbm>>) target(%dma_start3A_180 : memref<128xf32, #tpu.memory_space<vmem>>) offsets(%dma_start3A_182 : memref<128xi32, #tpu.memory_space<vmem>>) semaphore(%arg8 : memref<!tpu.dma_semaphore, #tpu.memory_space<semaphore_mem>>)
    %dma_wait3A = arith.constant 0 : i32
    %dma_wait3A_185 = tpu.memref_slice %arg7[%dma_wait3A] : memref<2048xf32, #tpu.memory_space<vmem>> -> memref<128xf32, #tpu.memory_space<vmem>>
    %dma_wait3A_186 = arith.constant 0 : i32
    %dma_wait3A_187 = tpu.memref_slice %arg6[%dma_wait3A_186] : memref<2048xi32, #tpu.memory_space<vmem>> -> memref<128xi32, #tpu.memory_space<vmem>>
    %dma_wait3A_188 = arith.constant 0 : i32
    %dma_wait3A_189 = tpu.memref_slice %arg2[%dma_wait3A_188] : memref<33554432xf32, #tpu.memory_space<hbm>> -> memref<33554432xf32, #tpu.memory_space<hbm>>
    tpu.wait_indirect_dma semaphore(%arg8 : memref<!tpu.dma_semaphore, #tpu.memory_space<semaphore_mem>>) src(%dma_wait3A_189 : memref<33554432xf32, #tpu.memory_space<hbm>>) dst(%dma_wait3A_185 : memref<128xf32, #tpu.memory_space<vmem>>)
    %dma_wait3A_190 = arith.constant 128 : i32
    %dma_wait3A_191 = tpu.memref_slice %arg7[%dma_wait3A_190] : memref<2048xf32, #tpu.memory_space<vmem>> -> memref<128xf32, #tpu.memory_space<vmem>>
    %dma_wait3A_192 = arith.constant 128 : i32
    %dma_wait3A_193 = tpu.memref_slice %arg6[%dma_wait3A_192] : memref<2048xi32, #tpu.memory_space<vmem>> -> memref<128xi32, #tpu.memory_space<vmem>>
    %dma_wait3A_194 = arith.constant 0 : i32
    %dma_wait3A_195 = tpu.memref_slice %arg2[%dma_wait3A_194] : memref<33554432xf32, #tpu.memory_space<hbm>> -> memref<33554432xf32, #tpu.memory_space<hbm>>
    tpu.wait_indirect_dma semaphore(%arg8 : memref<!tpu.dma_semaphore, #tpu.memory_space<semaphore_mem>>) src(%dma_wait3A_195 : memref<33554432xf32, #tpu.memory_space<hbm>>) dst(%dma_wait3A_191 : memref<128xf32, #tpu.memory_space<vmem>>)
    %dma_wait3A_196 = arith.constant 256 : i32
    %dma_wait3A_197 = tpu.memref_slice %arg7[%dma_wait3A_196] : memref<2048xf32, #tpu.memory_space<vmem>> -> memref<128xf32, #tpu.memory_space<vmem>>
    %dma_wait3A_198 = arith.constant 256 : i32
    %dma_wait3A_199 = tpu.memref_slice %arg6[%dma_wait3A_198] : memref<2048xi32, #tpu.memory_space<vmem>> -> memref<128xi32, #tpu.memory_space<vmem>>
    %dma_wait3A_200 = arith.constant 0 : i32
    %dma_wait3A_201 = tpu.memref_slice %arg2[%dma_wait3A_200] : memref<33554432xf32, #tpu.memory_space<hbm>> -> memref<33554432xf32, #tpu.memory_space<hbm>>
    tpu.wait_indirect_dma semaphore(%arg8 : memref<!tpu.dma_semaphore, #tpu.memory_space<semaphore_mem>>) src(%dma_wait3A_201 : memref<33554432xf32, #tpu.memory_space<hbm>>) dst(%dma_wait3A_197 : memref<128xf32, #tpu.memory_space<vmem>>)
    %dma_wait3A_202 = arith.constant 384 : i32
    %dma_wait3A_203 = tpu.memref_slice %arg7[%dma_wait3A_202] : memref<2048xf32, #tpu.memory_space<vmem>> -> memref<128xf32, #tpu.memory_space<vmem>>
    %dma_wait3A_204 = arith.constant 384 : i32
    %dma_wait3A_205 = tpu.memref_slice %arg6[%dma_wait3A_204] : memref<2048xi32, #tpu.memory_space<vmem>> -> memref<128xi32, #tpu.memory_space<vmem>>
    %dma_wait3A_206 = arith.constant 0 : i32
    %dma_wait3A_207 = tpu.memref_slice %arg2[%dma_wait3A_206] : memref<33554432xf32, #tpu.memory_space<hbm>> -> memref<33554432xf32, #tpu.memory_space<hbm>>
    tpu.wait_indirect_dma semaphore(%arg8 : memref<!tpu.dma_semaphore, #tpu.memory_space<semaphore_mem>>) src(%dma_wait3A_207 : memref<33554432xf32, #tpu.memory_space<hbm>>) dst(%dma_wait3A_203 : memref<128xf32, #tpu.memory_space<vmem>>)
    %dma_wait3A_208 = arith.constant 512 : i32
    %dma_wait3A_209 = tpu.memref_slice %arg7[%dma_wait3A_208] : memref<2048xf32, #tpu.memory_space<vmem>> -> memref<128xf32, #tpu.memory_space<vmem>>
    %dma_wait3A_210 = arith.constant 512 : i32
    %dma_wait3A_211 = tpu.memref_slice %arg6[%dma_wait3A_210] : memref<2048xi32, #tpu.memory_space<vmem>> -> memref<128xi32, #tpu.memory_space<vmem>>
    %dma_wait3A_212 = arith.constant 0 : i32
    %dma_wait3A_213 = tpu.memref_slice %arg2[%dma_wait3A_212] : memref<33554432xf32, #tpu.memory_space<hbm>> -> memref<33554432xf32, #tpu.memory_space<hbm>>
    tpu.wait_indirect_dma semaphore(%arg8 : memref<!tpu.dma_semaphore, #tpu.memory_space<semaphore_mem>>) src(%dma_wait3A_213 : memref<33554432xf32, #tpu.memory_space<hbm>>) dst(%dma_wait3A_209 : memref<128xf32, #tpu.memory_space<vmem>>)
    %dma_wait3A_214 = arith.constant 640 : i32
    %dma_wait3A_215 = tpu.memref_slice %arg7[%dma_wait3A_214] : memref<2048xf32, #tpu.memory_space<vmem>> -> memref<128xf32, #tpu.memory_space<vmem>>
    %dma_wait3A_216 = arith.constant 640 : i32
    %dma_wait3A_217 = tpu.memref_slice %arg6[%dma_wait3A_216] : memref<2048xi32, #tpu.memory_space<vmem>> -> memref<128xi32, #tpu.memory_space<vmem>>
    %dma_wait3A_218 = arith.constant 0 : i32
    %dma_wait3A_219 = tpu.memref_slice %arg2[%dma_wait3A_218] : memref<33554432xf32, #tpu.memory_space<hbm>> -> memref<33554432xf32, #tpu.memory_space<hbm>>
    tpu.wait_indirect_dma semaphore(%arg8 : memref<!tpu.dma_semaphore, #tpu.memory_space<semaphore_mem>>) src(%dma_wait3A_219 : memref<33554432xf32, #tpu.memory_space<hbm>>) dst(%dma_wait3A_215 : memref<128xf32, #tpu.memory_space<vmem>>)
    %dma_wait3A_220 = arith.constant 768 : i32
    %dma_wait3A_221 = tpu.memref_slice %arg7[%dma_wait3A_220] : memref<2048xf32, #tpu.memory_space<vmem>> -> memref<128xf32, #tpu.memory_space<vmem>>
    %dma_wait3A_222 = arith.constant 768 : i32
    %dma_wait3A_223 = tpu.memref_slice %arg6[%dma_wait3A_222] : memref<2048xi32, #tpu.memory_space<vmem>> -> memref<128xi32, #tpu.memory_space<vmem>>
    %dma_wait3A_224 = arith.constant 0 : i32
    %dma_wait3A_225 = tpu.memref_slice %arg2[%dma_wait3A_224] : memref<33554432xf32, #tpu.memory_space<hbm>> -> memref<33554432xf32, #tpu.memory_space<hbm>>
    tpu.wait_indirect_dma semaphore(%arg8 : memref<!tpu.dma_semaphore, #tpu.memory_space<semaphore_mem>>) src(%dma_wait3A_225 : memref<33554432xf32, #tpu.memory_space<hbm>>) dst(%dma_wait3A_221 : memref<128xf32, #tpu.memory_space<vmem>>)
    %dma_wait3A_226 = arith.constant 896 : i32
    %dma_wait3A_227 = tpu.memref_slice %arg7[%dma_wait3A_226] : memref<2048xf32, #tpu.memory_space<vmem>> -> memref<128xf32, #tpu.memory_space<vmem>>
    %dma_wait3A_228 = arith.constant 896 : i32
    %dma_wait3A_229 = tpu.memref_slice %arg6[%dma_wait3A_228] : memref<2048xi32, #tpu.memory_space<vmem>> -> memref<128xi32, #tpu.memory_space<vmem>>
    %dma_wait3A_230 = arith.constant 0 : i32
    %dma_wait3A_231 = tpu.memref_slice %arg2[%dma_wait3A_230] : memref<33554432xf32, #tpu.memory_space<hbm>> -> memref<33554432xf32, #tpu.memory_space<hbm>>
    tpu.wait_indirect_dma semaphore(%arg8 : memref<!tpu.dma_semaphore, #tpu.memory_space<semaphore_mem>>) src(%dma_wait3A_231 : memref<33554432xf32, #tpu.memory_space<hbm>>) dst(%dma_wait3A_227 : memref<128xf32, #tpu.memory_space<vmem>>)
    %dma_wait3A_232 = arith.constant 1024 : i32
    %dma_wait3A_233 = tpu.memref_slice %arg7[%dma_wait3A_232] : memref<2048xf32, #tpu.memory_space<vmem>> -> memref<128xf32, #tpu.memory_space<vmem>>
    %dma_wait3A_234 = arith.constant 1024 : i32
    %dma_wait3A_235 = tpu.memref_slice %arg6[%dma_wait3A_234] : memref<2048xi32, #tpu.memory_space<vmem>> -> memref<128xi32, #tpu.memory_space<vmem>>
    %dma_wait3A_236 = arith.constant 0 : i32
    %dma_wait3A_237 = tpu.memref_slice %arg2[%dma_wait3A_236] : memref<33554432xf32, #tpu.memory_space<hbm>> -> memref<33554432xf32, #tpu.memory_space<hbm>>
    tpu.wait_indirect_dma semaphore(%arg8 : memref<!tpu.dma_semaphore, #tpu.memory_space<semaphore_mem>>) src(%dma_wait3A_237 : memref<33554432xf32, #tpu.memory_space<hbm>>) dst(%dma_wait3A_233 : memref<128xf32, #tpu.memory_space<vmem>>)
    %dma_wait3A_238 = arith.constant 1152 : i32
    %dma_wait3A_239 = tpu.memref_slice %arg7[%dma_wait3A_238] : memref<2048xf32, #tpu.memory_space<vmem>> -> memref<128xf32, #tpu.memory_space<vmem>>
    %dma_wait3A_240 = arith.constant 1152 : i32
    %dma_wait3A_241 = tpu.memref_slice %arg6[%dma_wait3A_240] : memref<2048xi32, #tpu.memory_space<vmem>> -> memref<128xi32, #tpu.memory_space<vmem>>
    %dma_wait3A_242 = arith.constant 0 : i32
    %dma_wait3A_243 = tpu.memref_slice %arg2[%dma_wait3A_242] : memref<33554432xf32, #tpu.memory_space<hbm>> -> memref<33554432xf32, #tpu.memory_space<hbm>>
    tpu.wait_indirect_dma semaphore(%arg8 : memref<!tpu.dma_semaphore, #tpu.memory_space<semaphore_mem>>) src(%dma_wait3A_243 : memref<33554432xf32, #tpu.memory_space<hbm>>) dst(%dma_wait3A_239 : memref<128xf32, #tpu.memory_space<vmem>>)
    %dma_wait3A_244 = arith.constant 1280 : i32
    %dma_wait3A_245 = tpu.memref_slice %arg7[%dma_wait3A_244] : memref<2048xf32, #tpu.memory_space<vmem>> -> memref<128xf32, #tpu.memory_space<vmem>>
    %dma_wait3A_246 = arith.constant 1280 : i32
    %dma_wait3A_247 = tpu.memref_slice %arg6[%dma_wait3A_246] : memref<2048xi32, #tpu.memory_space<vmem>> -> memref<128xi32, #tpu.memory_space<vmem>>
    %dma_wait3A_248 = arith.constant 0 : i32
    %dma_wait3A_249 = tpu.memref_slice %arg2[%dma_wait3A_248] : memref<33554432xf32, #tpu.memory_space<hbm>> -> memref<33554432xf32, #tpu.memory_space<hbm>>
    tpu.wait_indirect_dma semaphore(%arg8 : memref<!tpu.dma_semaphore, #tpu.memory_space<semaphore_mem>>) src(%dma_wait3A_249 : memref<33554432xf32, #tpu.memory_space<hbm>>) dst(%dma_wait3A_245 : memref<128xf32, #tpu.memory_space<vmem>>)
    %dma_wait3A_250 = arith.constant 1408 : i32
    %dma_wait3A_251 = tpu.memref_slice %arg7[%dma_wait3A_250] : memref<2048xf32, #tpu.memory_space<vmem>> -> memref<128xf32, #tpu.memory_space<vmem>>
    %dma_wait3A_252 = arith.constant 1408 : i32
    %dma_wait3A_253 = tpu.memref_slice %arg6[%dma_wait3A_252] : memref<2048xi32, #tpu.memory_space<vmem>> -> memref<128xi32, #tpu.memory_space<vmem>>
    %dma_wait3A_254 = arith.constant 0 : i32
    %dma_wait3A_255 = tpu.memref_slice %arg2[%dma_wait3A_254] : memref<33554432xf32, #tpu.memory_space<hbm>> -> memref<33554432xf32, #tpu.memory_space<hbm>>
    tpu.wait_indirect_dma semaphore(%arg8 : memref<!tpu.dma_semaphore, #tpu.memory_space<semaphore_mem>>) src(%dma_wait3A_255 : memref<33554432xf32, #tpu.memory_space<hbm>>) dst(%dma_wait3A_251 : memref<128xf32, #tpu.memory_space<vmem>>)
    %dma_wait3A_256 = arith.constant 1536 : i32
    %dma_wait3A_257 = tpu.memref_slice %arg7[%dma_wait3A_256] : memref<2048xf32, #tpu.memory_space<vmem>> -> memref<128xf32, #tpu.memory_space<vmem>>
    %dma_wait3A_258 = arith.constant 1536 : i32
    %dma_wait3A_259 = tpu.memref_slice %arg6[%dma_wait3A_258] : memref<2048xi32, #tpu.memory_space<vmem>> -> memref<128xi32, #tpu.memory_space<vmem>>
    %dma_wait3A_260 = arith.constant 0 : i32
    %dma_wait3A_261 = tpu.memref_slice %arg2[%dma_wait3A_260] : memref<33554432xf32, #tpu.memory_space<hbm>> -> memref<33554432xf32, #tpu.memory_space<hbm>>
    tpu.wait_indirect_dma semaphore(%arg8 : memref<!tpu.dma_semaphore, #tpu.memory_space<semaphore_mem>>) src(%dma_wait3A_261 : memref<33554432xf32, #tpu.memory_space<hbm>>) dst(%dma_wait3A_257 : memref<128xf32, #tpu.memory_space<vmem>>)
    %dma_wait3A_262 = arith.constant 1664 : i32
    %dma_wait3A_263 = tpu.memref_slice %arg7[%dma_wait3A_262] : memref<2048xf32, #tpu.memory_space<vmem>> -> memref<128xf32, #tpu.memory_space<vmem>>
    %dma_wait3A_264 = arith.constant 1664 : i32
    %dma_wait3A_265 = tpu.memref_slice %arg6[%dma_wait3A_264] : memref<2048xi32, #tpu.memory_space<vmem>> -> memref<128xi32, #tpu.memory_space<vmem>>
    %dma_wait3A_266 = arith.constant 0 : i32
    %dma_wait3A_267 = tpu.memref_slice %arg2[%dma_wait3A_266] : memref<33554432xf32, #tpu.memory_space<hbm>> -> memref<33554432xf32, #tpu.memory_space<hbm>>
    tpu.wait_indirect_dma semaphore(%arg8 : memref<!tpu.dma_semaphore, #tpu.memory_space<semaphore_mem>>) src(%dma_wait3A_267 : memref<33554432xf32, #tpu.memory_space<hbm>>) dst(%dma_wait3A_263 : memref<128xf32, #tpu.memory_space<vmem>>)
    %dma_wait3A_268 = arith.constant 1792 : i32
    %dma_wait3A_269 = tpu.memref_slice %arg7[%dma_wait3A_268] : memref<2048xf32, #tpu.memory_space<vmem>> -> memref<128xf32, #tpu.memory_space<vmem>>
    %dma_wait3A_270 = arith.constant 1792 : i32
    %dma_wait3A_271 = tpu.memref_slice %arg6[%dma_wait3A_270] : memref<2048xi32, #tpu.memory_space<vmem>> -> memref<128xi32, #tpu.memory_space<vmem>>
    %dma_wait3A_272 = arith.constant 0 : i32
    %dma_wait3A_273 = tpu.memref_slice %arg2[%dma_wait3A_272] : memref<33554432xf32, #tpu.memory_space<hbm>> -> memref<33554432xf32, #tpu.memory_space<hbm>>
    tpu.wait_indirect_dma semaphore(%arg8 : memref<!tpu.dma_semaphore, #tpu.memory_space<semaphore_mem>>) src(%dma_wait3A_273 : memref<33554432xf32, #tpu.memory_space<hbm>>) dst(%dma_wait3A_269 : memref<128xf32, #tpu.memory_space<vmem>>)
    %dma_wait3A_274 = arith.constant 1920 : i32
    %dma_wait3A_275 = tpu.memref_slice %arg7[%dma_wait3A_274] : memref<2048xf32, #tpu.memory_space<vmem>> -> memref<128xf32, #tpu.memory_space<vmem>>
    %dma_wait3A_276 = arith.constant 1920 : i32
    %dma_wait3A_277 = tpu.memref_slice %arg6[%dma_wait3A_276] : memref<2048xi32, #tpu.memory_space<vmem>> -> memref<128xi32, #tpu.memory_space<vmem>>
    %dma_wait3A_278 = arith.constant 0 : i32
    %dma_wait3A_279 = tpu.memref_slice %arg2[%dma_wait3A_278] : memref<33554432xf32, #tpu.memory_space<hbm>> -> memref<33554432xf32, #tpu.memory_space<hbm>>
    tpu.wait_indirect_dma semaphore(%arg8 : memref<!tpu.dma_semaphore, #tpu.memory_space<semaphore_mem>>) src(%dma_wait3A_279 : memref<33554432xf32, #tpu.memory_space<hbm>>) dst(%dma_wait3A_275 : memref<128xf32, #tpu.memory_space<vmem>>)
    "tpu.region"() ({
      %run_scoped3A = tpu.sem_alloc : memref<!tpu.dma_semaphore, #tpu.memory_space<semaphore_mem>>
      %dma_start3A_280 = tpu.memref_slice %arg4[%select_n3A, %mul3A_32] : memref<16x4096xf32, #tpu.memory_space<hbm>> -> memref<1x2048xf32, #tpu.memory_space<hbm>>
      %dma_start3A_281 = tpu.memref_squeeze %dma_start3A_280 : memref<1x2048xf32, #tpu.memory_space<hbm>> -> memref<2048xf32, #tpu.memory_space<hbm>>
      %dma_start3A_282 = tpu.memref_slice %arg4[%select_n3A, %mul3A_32] : memref<16x4096xf32, #tpu.memory_space<hbm>> -> memref<1x2048xf32, #tpu.memory_space<hbm>>
      %dma_start3A_283 = tpu.memref_squeeze %dma_start3A_282 : memref<1x2048xf32, #tpu.memory_space<hbm>> -> memref<2048xf32, #tpu.memory_space<hbm>>
      tpu.enqueue_dma source(%arg7 : memref<2048xf32, #tpu.memory_space<vmem>>) target(%dma_start3A_283 : memref<2048xf32, #tpu.memory_space<hbm>>) target_semaphore(%run_scoped3A : memref<!tpu.dma_semaphore, #tpu.memory_space<semaphore_mem>>)
      %dma_wait3A_284 = tpu.memref_slice %arg4[%select_n3A, %mul3A_32] : memref<16x4096xf32, #tpu.memory_space<hbm>> -> memref<1x2048xf32, #tpu.memory_space<hbm>>
      %dma_wait3A_285 = tpu.memref_squeeze %dma_wait3A_284 : memref<1x2048xf32, #tpu.memory_space<hbm>> -> memref<2048xf32, #tpu.memory_space<hbm>>
      %dma_wait3A_286 = tpu.memref_slice %arg4[%select_n3A, %mul3A_32] : memref<16x4096xf32, #tpu.memory_space<hbm>> -> memref<1x2048xf32, #tpu.memory_space<hbm>>
      %dma_wait3A_287 = tpu.memref_squeeze %dma_wait3A_286 : memref<1x2048xf32, #tpu.memory_space<hbm>> -> memref<2048xf32, #tpu.memory_space<hbm>>
      tpu.wait_dma2 semaphore(%run_scoped3A : memref<!tpu.dma_semaphore, #tpu.memory_space<semaphore_mem>>) src(%arg7 : memref<2048xf32, #tpu.memory_space<vmem>>) dst(%dma_wait3A_287 : memref<2048xf32, #tpu.memory_space<hbm>>)
      tpu.yield
    }) : () -> ()
    return
  }
}

module attributes {stable_mosaic.version = 14 : i64} {
  func.func @_sample_body(%arg0: i32, %arg1: memref<16x512xf32, #tpu.memory_space<vmem>>, %arg2: memref<16x512xf32, #tpu.memory_space<vmem>>, %arg3: memref<16x4096xf32, #tpu.memory_space<vmem>>, %arg4: memref<4096x64x128xf32, #tpu.memory_space<any>>, %arg5: memref<16x1xi32, #tpu.memory_space<vmem>>, %arg6: memref<2x32x512x128xf32, #tpu.memory_space<vmem>>, %arg7: memref<16x4096xf32, #tpu.memory_space<vmem>>, %arg8: memref<16x4096xf32, #tpu.memory_space<vmem>>, %arg9: memref<2x32x!tpu.dma_semaphore, #tpu.memory_space<semaphore_mem>>) attributes {dimension_semantics = [#tpu.dimension_semantics<arbitrary>], iteration_bounds = array<i64: 8>, scalar_prefetch = 0 : i64, scratch_operands = 4 : i64, tpu.core_type = #tpu.core_type<tc>, window_params = [{transform_indices = @transform_0, window_bounds = array<i64: 16, 512>}, {transform_indices = @transform_1, window_bounds = array<i64: 16, 512>}, {pipeline_mode = #tpu.pipeline_mode<synchronous>, transform_indices = @transform_2, window_bounds = array<i64: 16, 4096>}, {}, {pipeline_mode = #tpu.pipeline_mode<synchronous>, transform_indices = @transform_4, window_bounds = array<i64: 16, 1>}]} {
    %rem3A = arith.constant 2 : i32
    %rem3A_0 = arith.remsi %arg0, %rem3A : i32
    %eq3A = arith.constant 0 : i32
    %eq3A_1 = arith.cmpi eq, %arg0, %eq3A : i32
    %convert_element_type3A = arith.extui %eq3A_1 : i1 to i32
    %cond3A = arith.constant 0 : i32
    %cond3A_2 = arith.cmpi ne, %convert_element_type3A, %cond3A : i32
    scf.if %cond3A_2 {
      %dma_start3A = arith.constant 0 : i32
      %dma_start3A_793 = arith.constant 0 : i32
      %dma_start3A_794 = arith.constant 0 : i32
      %dma_start3A_795 = arith.constant 0 : i32
      %dma_start3A_796 = arith.constant 0 : i32
      %dma_start3A_797 = tpu.memref_slice %arg9[%dma_start3A_795, %dma_start3A_796] : memref<2x32x!tpu.dma_semaphore, #tpu.memory_space<semaphore_mem>> -> memref<1x1x!tpu.dma_semaphore, #tpu.memory_space<semaphore_mem>>
      %dma_start3A_798 = tpu.memref_squeeze %dma_start3A_797 : memref<1x1x!tpu.dma_semaphore, #tpu.memory_space<semaphore_mem>> -> memref<!tpu.dma_semaphore, #tpu.memory_space<semaphore_mem>>
      %dma_start3A_799 = arith.constant 0 : i32
      %dma_start3A_800 = arith.constant 0 : i32
      %dma_start3A_801 = tpu.memref_slice %arg6[%dma_start3A_793, %dma_start3A_794, %dma_start3A_799, %dma_start3A_800] : memref<2x32x512x128xf32, #tpu.memory_space<vmem>> -> memref<1x1x512x128xf32, #tpu.memory_space<vmem>>
      %dma_start3A_802 = tpu.memref_squeeze %dma_start3A_801 : memref<1x1x512x128xf32, #tpu.memory_space<vmem>> -> memref<512x128xf32, #tpu.memory_space<vmem>>
      %dma_start3A_803 = arith.constant 0 : i32
      %dma_start3A_804 = arith.constant 0 : i32
      %dma_start3A_805 = tpu.memref_slice %arg4[%dma_start3A_803, %dma_start3A, %dma_start3A_804] : memref<4096x64x128xf32, #tpu.memory_space<any>> -> memref<512x1x128xf32, #tpu.memory_space<any>>
      %dma_start3A_806 = tpu.memref_squeeze %dma_start3A_805 : memref<512x1x128xf32, #tpu.memory_space<any>> -> memref<512x128xf32, #tpu.memory_space<any>>
      tpu.enqueue_dma source(%dma_start3A_806 : memref<512x128xf32, #tpu.memory_space<any>>) target(%dma_start3A_802 : memref<512x128xf32, #tpu.memory_space<vmem>>) target_semaphore(%dma_start3A_798 : memref<!tpu.dma_semaphore, #tpu.memory_space<semaphore_mem>>)
      %dma_start3A_807 = arith.constant 2 : i32
      %dma_start3A_808 = arith.constant 0 : i32
      %dma_start3A_809 = arith.constant 1 : i32
      %dma_start3A_810 = arith.constant 0 : i32
      %dma_start3A_811 = arith.constant 1 : i32
      %dma_start3A_812 = tpu.memref_slice %arg9[%dma_start3A_810, %dma_start3A_811] : memref<2x32x!tpu.dma_semaphore, #tpu.memory_space<semaphore_mem>> -> memref<1x1x!tpu.dma_semaphore, #tpu.memory_space<semaphore_mem>>
      %dma_start3A_813 = tpu.memref_squeeze %dma_start3A_812 : memref<1x1x!tpu.dma_semaphore, #tpu.memory_space<semaphore_mem>> -> memref<!tpu.dma_semaphore, #tpu.memory_space<semaphore_mem>>
      %dma_start3A_814 = arith.constant 0 : i32
      %dma_start3A_815 = arith.constant 0 : i32
      %dma_start3A_816 = tpu.memref_slice %arg6[%dma_start3A_808, %dma_start3A_809, %dma_start3A_814, %dma_start3A_815] : memref<2x32x512x128xf32, #tpu.memory_space<vmem>> -> memref<1x1x512x128xf32, #tpu.memory_space<vmem>>
      %dma_start3A_817 = tpu.memref_squeeze %dma_start3A_816 : memref<1x1x512x128xf32, #tpu.memory_space<vmem>> -> memref<512x128xf32, #tpu.memory_space<vmem>>
      %dma_start3A_818 = arith.constant 0 : i32
      %dma_start3A_819 = arith.constant 0 : i32
      %dma_start3A_820 = tpu.memref_slice %arg4[%dma_start3A_818, %dma_start3A_807, %dma_start3A_819] : memref<4096x64x128xf32, #tpu.memory_space<any>> -> memref<512x1x128xf32, #tpu.memory_space<any>>
      %dma_start3A_821 = tpu.memref_squeeze %dma_start3A_820 : memref<512x1x128xf32, #tpu.memory_space<any>> -> memref<512x128xf32, #tpu.memory_space<any>>
      tpu.enqueue_dma source(%dma_start3A_821 : memref<512x128xf32, #tpu.memory_space<any>>) target(%dma_start3A_817 : memref<512x128xf32, #tpu.memory_space<vmem>>) target_semaphore(%dma_start3A_813 : memref<!tpu.dma_semaphore, #tpu.memory_space<semaphore_mem>>)
      %dma_start3A_822 = arith.constant 4 : i32
      %dma_start3A_823 = arith.constant 0 : i32
      %dma_start3A_824 = arith.constant 2 : i32
      %dma_start3A_825 = arith.constant 0 : i32
      %dma_start3A_826 = arith.constant 2 : i32
      %dma_start3A_827 = tpu.memref_slice %arg9[%dma_start3A_825, %dma_start3A_826] : memref<2x32x!tpu.dma_semaphore, #tpu.memory_space<semaphore_mem>> -> memref<1x1x!tpu.dma_semaphore, #tpu.memory_space<semaphore_mem>>
      %dma_start3A_828 = tpu.memref_squeeze %dma_start3A_827 : memref<1x1x!tpu.dma_semaphore, #tpu.memory_space<semaphore_mem>> -> memref<!tpu.dma_semaphore, #tpu.memory_space<semaphore_mem>>
      %dma_start3A_829 = arith.constant 0 : i32
      %dma_start3A_830 = arith.constant 0 : i32
      %dma_start3A_831 = tpu.memref_slice %arg6[%dma_start3A_823, %dma_start3A_824, %dma_start3A_829, %dma_start3A_830] : memref<2x32x512x128xf32, #tpu.memory_space<vmem>> -> memref<1x1x512x128xf32, #tpu.memory_space<vmem>>
      %dma_start3A_832 = tpu.memref_squeeze %dma_start3A_831 : memref<1x1x512x128xf32, #tpu.memory_space<vmem>> -> memref<512x128xf32, #tpu.memory_space<vmem>>
      %dma_start3A_833 = arith.constant 0 : i32
      %dma_start3A_834 = arith.constant 0 : i32
      %dma_start3A_835 = tpu.memref_slice %arg4[%dma_start3A_833, %dma_start3A_822, %dma_start3A_834] : memref<4096x64x128xf32, #tpu.memory_space<any>> -> memref<512x1x128xf32, #tpu.memory_space<any>>
      %dma_start3A_836 = tpu.memref_squeeze %dma_start3A_835 : memref<512x1x128xf32, #tpu.memory_space<any>> -> memref<512x128xf32, #tpu.memory_space<any>>
      tpu.enqueue_dma source(%dma_start3A_836 : memref<512x128xf32, #tpu.memory_space<any>>) target(%dma_start3A_832 : memref<512x128xf32, #tpu.memory_space<vmem>>) target_semaphore(%dma_start3A_828 : memref<!tpu.dma_semaphore, #tpu.memory_space<semaphore_mem>>)
      %dma_start3A_837 = arith.constant 6 : i32
      %dma_start3A_838 = arith.constant 0 : i32
      %dma_start3A_839 = arith.constant 3 : i32
      %dma_start3A_840 = arith.constant 0 : i32
      %dma_start3A_841 = arith.constant 3 : i32
      %dma_start3A_842 = tpu.memref_slice %arg9[%dma_start3A_840, %dma_start3A_841] : memref<2x32x!tpu.dma_semaphore, #tpu.memory_space<semaphore_mem>> -> memref<1x1x!tpu.dma_semaphore, #tpu.memory_space<semaphore_mem>>
      %dma_start3A_843 = tpu.memref_squeeze %dma_start3A_842 : memref<1x1x!tpu.dma_semaphore, #tpu.memory_space<semaphore_mem>> -> memref<!tpu.dma_semaphore, #tpu.memory_space<semaphore_mem>>
      %dma_start3A_844 = arith.constant 0 : i32
      %dma_start3A_845 = arith.constant 0 : i32
      %dma_start3A_846 = tpu.memref_slice %arg6[%dma_start3A_838, %dma_start3A_839, %dma_start3A_844, %dma_start3A_845] : memref<2x32x512x128xf32, #tpu.memory_space<vmem>> -> memref<1x1x512x128xf32, #tpu.memory_space<vmem>>
      %dma_start3A_847 = tpu.memref_squeeze %dma_start3A_846 : memref<1x1x512x128xf32, #tpu.memory_space<vmem>> -> memref<512x128xf32, #tpu.memory_space<vmem>>
      %dma_start3A_848 = arith.constant 0 : i32
      %dma_start3A_849 = arith.constant 0 : i32
      %dma_start3A_850 = tpu.memref_slice %arg4[%dma_start3A_848, %dma_start3A_837, %dma_start3A_849] : memref<4096x64x128xf32, #tpu.memory_space<any>> -> memref<512x1x128xf32, #tpu.memory_space<any>>
      %dma_start3A_851 = tpu.memref_squeeze %dma_start3A_850 : memref<512x1x128xf32, #tpu.memory_space<any>> -> memref<512x128xf32, #tpu.memory_space<any>>
      tpu.enqueue_dma source(%dma_start3A_851 : memref<512x128xf32, #tpu.memory_space<any>>) target(%dma_start3A_847 : memref<512x128xf32, #tpu.memory_space<vmem>>) target_semaphore(%dma_start3A_843 : memref<!tpu.dma_semaphore, #tpu.memory_space<semaphore_mem>>)
      %dma_start3A_852 = arith.constant 8 : i32
      %dma_start3A_853 = arith.constant 0 : i32
      %dma_start3A_854 = arith.constant 4 : i32
      %dma_start3A_855 = arith.constant 0 : i32
      %dma_start3A_856 = arith.constant 4 : i32
      %dma_start3A_857 = tpu.memref_slice %arg9[%dma_start3A_855, %dma_start3A_856] : memref<2x32x!tpu.dma_semaphore, #tpu.memory_space<semaphore_mem>> -> memref<1x1x!tpu.dma_semaphore, #tpu.memory_space<semaphore_mem>>
      %dma_start3A_858 = tpu.memref_squeeze %dma_start3A_857 : memref<1x1x!tpu.dma_semaphore, #tpu.memory_space<semaphore_mem>> -> memref<!tpu.dma_semaphore, #tpu.memory_space<semaphore_mem>>
      %dma_start3A_859 = arith.constant 0 : i32
      %dma_start3A_860 = arith.constant 0 : i32
      %dma_start3A_861 = tpu.memref_slice %arg6[%dma_start3A_853, %dma_start3A_854, %dma_start3A_859, %dma_start3A_860] : memref<2x32x512x128xf32, #tpu.memory_space<vmem>> -> memref<1x1x512x128xf32, #tpu.memory_space<vmem>>
      %dma_start3A_862 = tpu.memref_squeeze %dma_start3A_861 : memref<1x1x512x128xf32, #tpu.memory_space<vmem>> -> memref<512x128xf32, #tpu.memory_space<vmem>>
      %dma_start3A_863 = arith.constant 0 : i32
      %dma_start3A_864 = arith.constant 0 : i32
      %dma_start3A_865 = tpu.memref_slice %arg4[%dma_start3A_863, %dma_start3A_852, %dma_start3A_864] : memref<4096x64x128xf32, #tpu.memory_space<any>> -> memref<512x1x128xf32, #tpu.memory_space<any>>
      %dma_start3A_866 = tpu.memref_squeeze %dma_start3A_865 : memref<512x1x128xf32, #tpu.memory_space<any>> -> memref<512x128xf32, #tpu.memory_space<any>>
      tpu.enqueue_dma source(%dma_start3A_866 : memref<512x128xf32, #tpu.memory_space<any>>) target(%dma_start3A_862 : memref<512x128xf32, #tpu.memory_space<vmem>>) target_semaphore(%dma_start3A_858 : memref<!tpu.dma_semaphore, #tpu.memory_space<semaphore_mem>>)
      %dma_start3A_867 = arith.constant 10 : i32
      %dma_start3A_868 = arith.constant 0 : i32
      %dma_start3A_869 = arith.constant 5 : i32
      %dma_start3A_870 = arith.constant 0 : i32
      %dma_start3A_871 = arith.constant 5 : i32
      %dma_start3A_872 = tpu.memref_slice %arg9[%dma_start3A_870, %dma_start3A_871] : memref<2x32x!tpu.dma_semaphore, #tpu.memory_space<semaphore_mem>> -> memref<1x1x!tpu.dma_semaphore, #tpu.memory_space<semaphore_mem>>
      %dma_start3A_873 = tpu.memref_squeeze %dma_start3A_872 : memref<1x1x!tpu.dma_semaphore, #tpu.memory_space<semaphore_mem>> -> memref<!tpu.dma_semaphore, #tpu.memory_space<semaphore_mem>>
      %dma_start3A_874 = arith.constant 0 : i32
      %dma_start3A_875 = arith.constant 0 : i32
      %dma_start3A_876 = tpu.memref_slice %arg6[%dma_start3A_868, %dma_start3A_869, %dma_start3A_874, %dma_start3A_875] : memref<2x32x512x128xf32, #tpu.memory_space<vmem>> -> memref<1x1x512x128xf32, #tpu.memory_space<vmem>>
      %dma_start3A_877 = tpu.memref_squeeze %dma_start3A_876 : memref<1x1x512x128xf32, #tpu.memory_space<vmem>> -> memref<512x128xf32, #tpu.memory_space<vmem>>
      %dma_start3A_878 = arith.constant 0 : i32
      %dma_start3A_879 = arith.constant 0 : i32
      %dma_start3A_880 = tpu.memref_slice %arg4[%dma_start3A_878, %dma_start3A_867, %dma_start3A_879] : memref<4096x64x128xf32, #tpu.memory_space<any>> -> memref<512x1x128xf32, #tpu.memory_space<any>>
      %dma_start3A_881 = tpu.memref_squeeze %dma_start3A_880 : memref<512x1x128xf32, #tpu.memory_space<any>> -> memref<512x128xf32, #tpu.memory_space<any>>
      tpu.enqueue_dma source(%dma_start3A_881 : memref<512x128xf32, #tpu.memory_space<any>>) target(%dma_start3A_877 : memref<512x128xf32, #tpu.memory_space<vmem>>) target_semaphore(%dma_start3A_873 : memref<!tpu.dma_semaphore, #tpu.memory_space<semaphore_mem>>)
      %dma_start3A_882 = arith.constant 12 : i32
      %dma_start3A_883 = arith.constant 0 : i32
      %dma_start3A_884 = arith.constant 6 : i32
      %dma_start3A_885 = arith.constant 0 : i32
      %dma_start3A_886 = arith.constant 6 : i32
      %dma_start3A_887 = tpu.memref_slice %arg9[%dma_start3A_885, %dma_start3A_886] : memref<2x32x!tpu.dma_semaphore, #tpu.memory_space<semaphore_mem>> -> memref<1x1x!tpu.dma_semaphore, #tpu.memory_space<semaphore_mem>>
      %dma_start3A_888 = tpu.memref_squeeze %dma_start3A_887 : memref<1x1x!tpu.dma_semaphore, #tpu.memory_space<semaphore_mem>> -> memref<!tpu.dma_semaphore, #tpu.memory_space<semaphore_mem>>
      %dma_start3A_889 = arith.constant 0 : i32
      %dma_start3A_890 = arith.constant 0 : i32
      %dma_start3A_891 = tpu.memref_slice %arg6[%dma_start3A_883, %dma_start3A_884, %dma_start3A_889, %dma_start3A_890] : memref<2x32x512x128xf32, #tpu.memory_space<vmem>> -> memref<1x1x512x128xf32, #tpu.memory_space<vmem>>
      %dma_start3A_892 = tpu.memref_squeeze %dma_start3A_891 : memref<1x1x512x128xf32, #tpu.memory_space<vmem>> -> memref<512x128xf32, #tpu.memory_space<vmem>>
      %dma_start3A_893 = arith.constant 0 : i32
      %dma_start3A_894 = arith.constant 0 : i32
      %dma_start3A_895 = tpu.memref_slice %arg4[%dma_start3A_893, %dma_start3A_882, %dma_start3A_894] : memref<4096x64x128xf32, #tpu.memory_space<any>> -> memref<512x1x128xf32, #tpu.memory_space<any>>
      %dma_start3A_896 = tpu.memref_squeeze %dma_start3A_895 : memref<512x1x128xf32, #tpu.memory_space<any>> -> memref<512x128xf32, #tpu.memory_space<any>>
      tpu.enqueue_dma source(%dma_start3A_896 : memref<512x128xf32, #tpu.memory_space<any>>) target(%dma_start3A_892 : memref<512x128xf32, #tpu.memory_space<vmem>>) target_semaphore(%dma_start3A_888 : memref<!tpu.dma_semaphore, #tpu.memory_space<semaphore_mem>>)
      %dma_start3A_897 = arith.constant 14 : i32
      %dma_start3A_898 = arith.constant 0 : i32
      %dma_start3A_899 = arith.constant 7 : i32
      %dma_start3A_900 = arith.constant 0 : i32
      %dma_start3A_901 = arith.constant 7 : i32
      %dma_start3A_902 = tpu.memref_slice %arg9[%dma_start3A_900, %dma_start3A_901] : memref<2x32x!tpu.dma_semaphore, #tpu.memory_space<semaphore_mem>> -> memref<1x1x!tpu.dma_semaphore, #tpu.memory_space<semaphore_mem>>
      %dma_start3A_903 = tpu.memref_squeeze %dma_start3A_902 : memref<1x1x!tpu.dma_semaphore, #tpu.memory_space<semaphore_mem>> -> memref<!tpu.dma_semaphore, #tpu.memory_space<semaphore_mem>>
      %dma_start3A_904 = arith.constant 0 : i32
      %dma_start3A_905 = arith.constant 0 : i32
      %dma_start3A_906 = tpu.memref_slice %arg6[%dma_start3A_898, %dma_start3A_899, %dma_start3A_904, %dma_start3A_905] : memref<2x32x512x128xf32, #tpu.memory_space<vmem>> -> memref<1x1x512x128xf32, #tpu.memory_space<vmem>>
      %dma_start3A_907 = tpu.memref_squeeze %dma_start3A_906 : memref<1x1x512x128xf32, #tpu.memory_space<vmem>> -> memref<512x128xf32, #tpu.memory_space<vmem>>
      %dma_start3A_908 = arith.constant 0 : i32
      %dma_start3A_909 = arith.constant 0 : i32
      %dma_start3A_910 = tpu.memref_slice %arg4[%dma_start3A_908, %dma_start3A_897, %dma_start3A_909] : memref<4096x64x128xf32, #tpu.memory_space<any>> -> memref<512x1x128xf32, #tpu.memory_space<any>>
      %dma_start3A_911 = tpu.memref_squeeze %dma_start3A_910 : memref<512x1x128xf32, #tpu.memory_space<any>> -> memref<512x128xf32, #tpu.memory_space<any>>
      tpu.enqueue_dma source(%dma_start3A_911 : memref<512x128xf32, #tpu.memory_space<any>>) target(%dma_start3A_907 : memref<512x128xf32, #tpu.memory_space<vmem>>) target_semaphore(%dma_start3A_903 : memref<!tpu.dma_semaphore, #tpu.memory_space<semaphore_mem>>)
      %dma_start3A_912 = arith.constant 16 : i32
      %dma_start3A_913 = arith.constant 0 : i32
      %dma_start3A_914 = arith.constant 8 : i32
      %dma_start3A_915 = arith.constant 0 : i32
      %dma_start3A_916 = arith.constant 8 : i32
      %dma_start3A_917 = tpu.memref_slice %arg9[%dma_start3A_915, %dma_start3A_916] : memref<2x32x!tpu.dma_semaphore, #tpu.memory_space<semaphore_mem>> -> memref<1x1x!tpu.dma_semaphore, #tpu.memory_space<semaphore_mem>>
      %dma_start3A_918 = tpu.memref_squeeze %dma_start3A_917 : memref<1x1x!tpu.dma_semaphore, #tpu.memory_space<semaphore_mem>> -> memref<!tpu.dma_semaphore, #tpu.memory_space<semaphore_mem>>
      %dma_start3A_919 = arith.constant 0 : i32
      %dma_start3A_920 = arith.constant 0 : i32
      %dma_start3A_921 = tpu.memref_slice %arg6[%dma_start3A_913, %dma_start3A_914, %dma_start3A_919, %dma_start3A_920] : memref<2x32x512x128xf32, #tpu.memory_space<vmem>> -> memref<1x1x512x128xf32, #tpu.memory_space<vmem>>
      %dma_start3A_922 = tpu.memref_squeeze %dma_start3A_921 : memref<1x1x512x128xf32, #tpu.memory_space<vmem>> -> memref<512x128xf32, #tpu.memory_space<vmem>>
      %dma_start3A_923 = arith.constant 0 : i32
      %dma_start3A_924 = arith.constant 0 : i32
      %dma_start3A_925 = tpu.memref_slice %arg4[%dma_start3A_923, %dma_start3A_912, %dma_start3A_924] : memref<4096x64x128xf32, #tpu.memory_space<any>> -> memref<512x1x128xf32, #tpu.memory_space<any>>
      %dma_start3A_926 = tpu.memref_squeeze %dma_start3A_925 : memref<512x1x128xf32, #tpu.memory_space<any>> -> memref<512x128xf32, #tpu.memory_space<any>>
      tpu.enqueue_dma source(%dma_start3A_926 : memref<512x128xf32, #tpu.memory_space<any>>) target(%dma_start3A_922 : memref<512x128xf32, #tpu.memory_space<vmem>>) target_semaphore(%dma_start3A_918 : memref<!tpu.dma_semaphore, #tpu.memory_space<semaphore_mem>>)
      %dma_start3A_927 = arith.constant 18 : i32
      %dma_start3A_928 = arith.constant 0 : i32
      %dma_start3A_929 = arith.constant 9 : i32
      %dma_start3A_930 = arith.constant 0 : i32
      %dma_start3A_931 = arith.constant 9 : i32
      %dma_start3A_932 = tpu.memref_slice %arg9[%dma_start3A_930, %dma_start3A_931] : memref<2x32x!tpu.dma_semaphore, #tpu.memory_space<semaphore_mem>> -> memref<1x1x!tpu.dma_semaphore, #tpu.memory_space<semaphore_mem>>
      %dma_start3A_933 = tpu.memref_squeeze %dma_start3A_932 : memref<1x1x!tpu.dma_semaphore, #tpu.memory_space<semaphore_mem>> -> memref<!tpu.dma_semaphore, #tpu.memory_space<semaphore_mem>>
      %dma_start3A_934 = arith.constant 0 : i32
      %dma_start3A_935 = arith.constant 0 : i32
      %dma_start3A_936 = tpu.memref_slice %arg6[%dma_start3A_928, %dma_start3A_929, %dma_start3A_934, %dma_start3A_935] : memref<2x32x512x128xf32, #tpu.memory_space<vmem>> -> memref<1x1x512x128xf32, #tpu.memory_space<vmem>>
      %dma_start3A_937 = tpu.memref_squeeze %dma_start3A_936 : memref<1x1x512x128xf32, #tpu.memory_space<vmem>> -> memref<512x128xf32, #tpu.memory_space<vmem>>
      %dma_start3A_938 = arith.constant 0 : i32
      %dma_start3A_939 = arith.constant 0 : i32
      %dma_start3A_940 = tpu.memref_slice %arg4[%dma_start3A_938, %dma_start3A_927, %dma_start3A_939] : memref<4096x64x128xf32, #tpu.memory_space<any>> -> memref<512x1x128xf32, #tpu.memory_space<any>>
      %dma_start3A_941 = tpu.memref_squeeze %dma_start3A_940 : memref<512x1x128xf32, #tpu.memory_space<any>> -> memref<512x128xf32, #tpu.memory_space<any>>
      tpu.enqueue_dma source(%dma_start3A_941 : memref<512x128xf32, #tpu.memory_space<any>>) target(%dma_start3A_937 : memref<512x128xf32, #tpu.memory_space<vmem>>) target_semaphore(%dma_start3A_933 : memref<!tpu.dma_semaphore, #tpu.memory_space<semaphore_mem>>)
      %dma_start3A_942 = arith.constant 20 : i32
      %dma_start3A_943 = arith.constant 0 : i32
      %dma_start3A_944 = arith.constant 10 : i32
      %dma_start3A_945 = arith.constant 0 : i32
      %dma_start3A_946 = arith.constant 10 : i32
      %dma_start3A_947 = tpu.memref_slice %arg9[%dma_start3A_945, %dma_start3A_946] : memref<2x32x!tpu.dma_semaphore, #tpu.memory_space<semaphore_mem>> -> memref<1x1x!tpu.dma_semaphore, #tpu.memory_space<semaphore_mem>>
      %dma_start3A_948 = tpu.memref_squeeze %dma_start3A_947 : memref<1x1x!tpu.dma_semaphore, #tpu.memory_space<semaphore_mem>> -> memref<!tpu.dma_semaphore, #tpu.memory_space<semaphore_mem>>
      %dma_start3A_949 = arith.constant 0 : i32
      %dma_start3A_950 = arith.constant 0 : i32
      %dma_start3A_951 = tpu.memref_slice %arg6[%dma_start3A_943, %dma_start3A_944, %dma_start3A_949, %dma_start3A_950] : memref<2x32x512x128xf32, #tpu.memory_space<vmem>> -> memref<1x1x512x128xf32, #tpu.memory_space<vmem>>
      %dma_start3A_952 = tpu.memref_squeeze %dma_start3A_951 : memref<1x1x512x128xf32, #tpu.memory_space<vmem>> -> memref<512x128xf32, #tpu.memory_space<vmem>>
      %dma_start3A_953 = arith.constant 0 : i32
      %dma_start3A_954 = arith.constant 0 : i32
      %dma_start3A_955 = tpu.memref_slice %arg4[%dma_start3A_953, %dma_start3A_942, %dma_start3A_954] : memref<4096x64x128xf32, #tpu.memory_space<any>> -> memref<512x1x128xf32, #tpu.memory_space<any>>
      %dma_start3A_956 = tpu.memref_squeeze %dma_start3A_955 : memref<512x1x128xf32, #tpu.memory_space<any>> -> memref<512x128xf32, #tpu.memory_space<any>>
      tpu.enqueue_dma source(%dma_start3A_956 : memref<512x128xf32, #tpu.memory_space<any>>) target(%dma_start3A_952 : memref<512x128xf32, #tpu.memory_space<vmem>>) target_semaphore(%dma_start3A_948 : memref<!tpu.dma_semaphore, #tpu.memory_space<semaphore_mem>>)
      %dma_start3A_957 = arith.constant 22 : i32
      %dma_start3A_958 = arith.constant 0 : i32
      %dma_start3A_959 = arith.constant 11 : i32
      %dma_start3A_960 = arith.constant 0 : i32
      %dma_start3A_961 = arith.constant 11 : i32
      %dma_start3A_962 = tpu.memref_slice %arg9[%dma_start3A_960, %dma_start3A_961] : memref<2x32x!tpu.dma_semaphore, #tpu.memory_space<semaphore_mem>> -> memref<1x1x!tpu.dma_semaphore, #tpu.memory_space<semaphore_mem>>
      %dma_start3A_963 = tpu.memref_squeeze %dma_start3A_962 : memref<1x1x!tpu.dma_semaphore, #tpu.memory_space<semaphore_mem>> -> memref<!tpu.dma_semaphore, #tpu.memory_space<semaphore_mem>>
      %dma_start3A_964 = arith.constant 0 : i32
      %dma_start3A_965 = arith.constant 0 : i32
      %dma_start3A_966 = tpu.memref_slice %arg6[%dma_start3A_958, %dma_start3A_959, %dma_start3A_964, %dma_start3A_965] : memref<2x32x512x128xf32, #tpu.memory_space<vmem>> -> memref<1x1x512x128xf32, #tpu.memory_space<vmem>>
      %dma_start3A_967 = tpu.memref_squeeze %dma_start3A_966 : memref<1x1x512x128xf32, #tpu.memory_space<vmem>> -> memref<512x128xf32, #tpu.memory_space<vmem>>
      %dma_start3A_968 = arith.constant 0 : i32
      %dma_start3A_969 = arith.constant 0 : i32
      %dma_start3A_970 = tpu.memref_slice %arg4[%dma_start3A_968, %dma_start3A_957, %dma_start3A_969] : memref<4096x64x128xf32, #tpu.memory_space<any>> -> memref<512x1x128xf32, #tpu.memory_space<any>>
      %dma_start3A_971 = tpu.memref_squeeze %dma_start3A_970 : memref<512x1x128xf32, #tpu.memory_space<any>> -> memref<512x128xf32, #tpu.memory_space<any>>
      tpu.enqueue_dma source(%dma_start3A_971 : memref<512x128xf32, #tpu.memory_space<any>>) target(%dma_start3A_967 : memref<512x128xf32, #tpu.memory_space<vmem>>) target_semaphore(%dma_start3A_963 : memref<!tpu.dma_semaphore, #tpu.memory_space<semaphore_mem>>)
      %dma_start3A_972 = arith.constant 24 : i32
      %dma_start3A_973 = arith.constant 0 : i32
      %dma_start3A_974 = arith.constant 12 : i32
      %dma_start3A_975 = arith.constant 0 : i32
      %dma_start3A_976 = arith.constant 12 : i32
      %dma_start3A_977 = tpu.memref_slice %arg9[%dma_start3A_975, %dma_start3A_976] : memref<2x32x!tpu.dma_semaphore, #tpu.memory_space<semaphore_mem>> -> memref<1x1x!tpu.dma_semaphore, #tpu.memory_space<semaphore_mem>>
      %dma_start3A_978 = tpu.memref_squeeze %dma_start3A_977 : memref<1x1x!tpu.dma_semaphore, #tpu.memory_space<semaphore_mem>> -> memref<!tpu.dma_semaphore, #tpu.memory_space<semaphore_mem>>
      %dma_start3A_979 = arith.constant 0 : i32
      %dma_start3A_980 = arith.constant 0 : i32
      %dma_start3A_981 = tpu.memref_slice %arg6[%dma_start3A_973, %dma_start3A_974, %dma_start3A_979, %dma_start3A_980] : memref<2x32x512x128xf32, #tpu.memory_space<vmem>> -> memref<1x1x512x128xf32, #tpu.memory_space<vmem>>
      %dma_start3A_982 = tpu.memref_squeeze %dma_start3A_981 : memref<1x1x512x128xf32, #tpu.memory_space<vmem>> -> memref<512x128xf32, #tpu.memory_space<vmem>>
      %dma_start3A_983 = arith.constant 0 : i32
      %dma_start3A_984 = arith.constant 0 : i32
      %dma_start3A_985 = tpu.memref_slice %arg4[%dma_start3A_983, %dma_start3A_972, %dma_start3A_984] : memref<4096x64x128xf32, #tpu.memory_space<any>> -> memref<512x1x128xf32, #tpu.memory_space<any>>
      %dma_start3A_986 = tpu.memref_squeeze %dma_start3A_985 : memref<512x1x128xf32, #tpu.memory_space<any>> -> memref<512x128xf32, #tpu.memory_space<any>>
      tpu.enqueue_dma source(%dma_start3A_986 : memref<512x128xf32, #tpu.memory_space<any>>) target(%dma_start3A_982 : memref<512x128xf32, #tpu.memory_space<vmem>>) target_semaphore(%dma_start3A_978 : memref<!tpu.dma_semaphore, #tpu.memory_space<semaphore_mem>>)
      %dma_start3A_987 = arith.constant 26 : i32
      %dma_start3A_988 = arith.constant 0 : i32
      %dma_start3A_989 = arith.constant 13 : i32
      %dma_start3A_990 = arith.constant 0 : i32
      %dma_start3A_991 = arith.constant 13 : i32
      %dma_start3A_992 = tpu.memref_slice %arg9[%dma_start3A_990, %dma_start3A_991] : memref<2x32x!tpu.dma_semaphore, #tpu.memory_space<semaphore_mem>> -> memref<1x1x!tpu.dma_semaphore, #tpu.memory_space<semaphore_mem>>
      %dma_start3A_993 = tpu.memref_squeeze %dma_start3A_992 : memref<1x1x!tpu.dma_semaphore, #tpu.memory_space<semaphore_mem>> -> memref<!tpu.dma_semaphore, #tpu.memory_space<semaphore_mem>>
      %dma_start3A_994 = arith.constant 0 : i32
      %dma_start3A_995 = arith.constant 0 : i32
      %dma_start3A_996 = tpu.memref_slice %arg6[%dma_start3A_988, %dma_start3A_989, %dma_start3A_994, %dma_start3A_995] : memref<2x32x512x128xf32, #tpu.memory_space<vmem>> -> memref<1x1x512x128xf32, #tpu.memory_space<vmem>>
      %dma_start3A_997 = tpu.memref_squeeze %dma_start3A_996 : memref<1x1x512x128xf32, #tpu.memory_space<vmem>> -> memref<512x128xf32, #tpu.memory_space<vmem>>
      %dma_start3A_998 = arith.constant 0 : i32
      %dma_start3A_999 = arith.constant 0 : i32
      %dma_start3A_1000 = tpu.memref_slice %arg4[%dma_start3A_998, %dma_start3A_987, %dma_start3A_999] : memref<4096x64x128xf32, #tpu.memory_space<any>> -> memref<512x1x128xf32, #tpu.memory_space<any>>
      %dma_start3A_1001 = tpu.memref_squeeze %dma_start3A_1000 : memref<512x1x128xf32, #tpu.memory_space<any>> -> memref<512x128xf32, #tpu.memory_space<any>>
      tpu.enqueue_dma source(%dma_start3A_1001 : memref<512x128xf32, #tpu.memory_space<any>>) target(%dma_start3A_997 : memref<512x128xf32, #tpu.memory_space<vmem>>) target_semaphore(%dma_start3A_993 : memref<!tpu.dma_semaphore, #tpu.memory_space<semaphore_mem>>)
      %dma_start3A_1002 = arith.constant 28 : i32
      %dma_start3A_1003 = arith.constant 0 : i32
      %dma_start3A_1004 = arith.constant 14 : i32
      %dma_start3A_1005 = arith.constant 0 : i32
      %dma_start3A_1006 = arith.constant 14 : i32
      %dma_start3A_1007 = tpu.memref_slice %arg9[%dma_start3A_1005, %dma_start3A_1006] : memref<2x32x!tpu.dma_semaphore, #tpu.memory_space<semaphore_mem>> -> memref<1x1x!tpu.dma_semaphore, #tpu.memory_space<semaphore_mem>>
      %dma_start3A_1008 = tpu.memref_squeeze %dma_start3A_1007 : memref<1x1x!tpu.dma_semaphore, #tpu.memory_space<semaphore_mem>> -> memref<!tpu.dma_semaphore, #tpu.memory_space<semaphore_mem>>
      %dma_start3A_1009 = arith.constant 0 : i32
      %dma_start3A_1010 = arith.constant 0 : i32
      %dma_start3A_1011 = tpu.memref_slice %arg6[%dma_start3A_1003, %dma_start3A_1004, %dma_start3A_1009, %dma_start3A_1010] : memref<2x32x512x128xf32, #tpu.memory_space<vmem>> -> memref<1x1x512x128xf32, #tpu.memory_space<vmem>>
      %dma_start3A_1012 = tpu.memref_squeeze %dma_start3A_1011 : memref<1x1x512x128xf32, #tpu.memory_space<vmem>> -> memref<512x128xf32, #tpu.memory_space<vmem>>
      %dma_start3A_1013 = arith.constant 0 : i32
      %dma_start3A_1014 = arith.constant 0 : i32
      %dma_start3A_1015 = tpu.memref_slice %arg4[%dma_start3A_1013, %dma_start3A_1002, %dma_start3A_1014] : memref<4096x64x128xf32, #tpu.memory_space<any>> -> memref<512x1x128xf32, #tpu.memory_space<any>>
      %dma_start3A_1016 = tpu.memref_squeeze %dma_start3A_1015 : memref<512x1x128xf32, #tpu.memory_space<any>> -> memref<512x128xf32, #tpu.memory_space<any>>
      tpu.enqueue_dma source(%dma_start3A_1016 : memref<512x128xf32, #tpu.memory_space<any>>) target(%dma_start3A_1012 : memref<512x128xf32, #tpu.memory_space<vmem>>) target_semaphore(%dma_start3A_1008 : memref<!tpu.dma_semaphore, #tpu.memory_space<semaphore_mem>>)
      %dma_start3A_1017 = arith.constant 30 : i32
      %dma_start3A_1018 = arith.constant 0 : i32
      %dma_start3A_1019 = arith.constant 15 : i32
      %dma_start3A_1020 = arith.constant 0 : i32
      %dma_start3A_1021 = arith.constant 15 : i32
      %dma_start3A_1022 = tpu.memref_slice %arg9[%dma_start3A_1020, %dma_start3A_1021] : memref<2x32x!tpu.dma_semaphore, #tpu.memory_space<semaphore_mem>> -> memref<1x1x!tpu.dma_semaphore, #tpu.memory_space<semaphore_mem>>
      %dma_start3A_1023 = tpu.memref_squeeze %dma_start3A_1022 : memref<1x1x!tpu.dma_semaphore, #tpu.memory_space<semaphore_mem>> -> memref<!tpu.dma_semaphore, #tpu.memory_space<semaphore_mem>>
      %dma_start3A_1024 = arith.constant 0 : i32
      %dma_start3A_1025 = arith.constant 0 : i32
      %dma_start3A_1026 = tpu.memref_slice %arg6[%dma_start3A_1018, %dma_start3A_1019, %dma_start3A_1024, %dma_start3A_1025] : memref<2x32x512x128xf32, #tpu.memory_space<vmem>> -> memref<1x1x512x128xf32, #tpu.memory_space<vmem>>
      %dma_start3A_1027 = tpu.memref_squeeze %dma_start3A_1026 : memref<1x1x512x128xf32, #tpu.memory_space<vmem>> -> memref<512x128xf32, #tpu.memory_space<vmem>>
      %dma_start3A_1028 = arith.constant 0 : i32
      %dma_start3A_1029 = arith.constant 0 : i32
      %dma_start3A_1030 = tpu.memref_slice %arg4[%dma_start3A_1028, %dma_start3A_1017, %dma_start3A_1029] : memref<4096x64x128xf32, #tpu.memory_space<any>> -> memref<512x1x128xf32, #tpu.memory_space<any>>
      %dma_start3A_1031 = tpu.memref_squeeze %dma_start3A_1030 : memref<512x1x128xf32, #tpu.memory_space<any>> -> memref<512x128xf32, #tpu.memory_space<any>>
      tpu.enqueue_dma source(%dma_start3A_1031 : memref<512x128xf32, #tpu.memory_space<any>>) target(%dma_start3A_1027 : memref<512x128xf32, #tpu.memory_space<vmem>>) target_semaphore(%dma_start3A_1023 : memref<!tpu.dma_semaphore, #tpu.memory_space<semaphore_mem>>)
      %dma_start3A_1032 = arith.constant 32 : i32
      %dma_start3A_1033 = arith.constant 0 : i32
      %dma_start3A_1034 = arith.constant 16 : i32
      %dma_start3A_1035 = arith.constant 0 : i32
      %dma_start3A_1036 = arith.constant 16 : i32
      %dma_start3A_1037 = tpu.memref_slice %arg9[%dma_start3A_1035, %dma_start3A_1036] : memref<2x32x!tpu.dma_semaphore, #tpu.memory_space<semaphore_mem>> -> memref<1x1x!tpu.dma_semaphore, #tpu.memory_space<semaphore_mem>>
      %dma_start3A_1038 = tpu.memref_squeeze %dma_start3A_1037 : memref<1x1x!tpu.dma_semaphore, #tpu.memory_space<semaphore_mem>> -> memref<!tpu.dma_semaphore, #tpu.memory_space<semaphore_mem>>
      %dma_start3A_1039 = arith.constant 0 : i32
      %dma_start3A_1040 = arith.constant 0 : i32
      %dma_start3A_1041 = tpu.memref_slice %arg6[%dma_start3A_1033, %dma_start3A_1034, %dma_start3A_1039, %dma_start3A_1040] : memref<2x32x512x128xf32, #tpu.memory_space<vmem>> -> memref<1x1x512x128xf32, #tpu.memory_space<vmem>>
      %dma_start3A_1042 = tpu.memref_squeeze %dma_start3A_1041 : memref<1x1x512x128xf32, #tpu.memory_space<vmem>> -> memref<512x128xf32, #tpu.memory_space<vmem>>
      %dma_start3A_1043 = arith.constant 0 : i32
      %dma_start3A_1044 = arith.constant 0 : i32
      %dma_start3A_1045 = tpu.memref_slice %arg4[%dma_start3A_1043, %dma_start3A_1032, %dma_start3A_1044] : memref<4096x64x128xf32, #tpu.memory_space<any>> -> memref<512x1x128xf32, #tpu.memory_space<any>>
      %dma_start3A_1046 = tpu.memref_squeeze %dma_start3A_1045 : memref<512x1x128xf32, #tpu.memory_space<any>> -> memref<512x128xf32, #tpu.memory_space<any>>
      tpu.enqueue_dma source(%dma_start3A_1046 : memref<512x128xf32, #tpu.memory_space<any>>) target(%dma_start3A_1042 : memref<512x128xf32, #tpu.memory_space<vmem>>) target_semaphore(%dma_start3A_1038 : memref<!tpu.dma_semaphore, #tpu.memory_space<semaphore_mem>>)
      %dma_start3A_1047 = arith.constant 34 : i32
      %dma_start3A_1048 = arith.constant 0 : i32
      %dma_start3A_1049 = arith.constant 17 : i32
      %dma_start3A_1050 = arith.constant 0 : i32
      %dma_start3A_1051 = arith.constant 17 : i32
      %dma_start3A_1052 = tpu.memref_slice %arg9[%dma_start3A_1050, %dma_start3A_1051] : memref<2x32x!tpu.dma_semaphore, #tpu.memory_space<semaphore_mem>> -> memref<1x1x!tpu.dma_semaphore, #tpu.memory_space<semaphore_mem>>
      %dma_start3A_1053 = tpu.memref_squeeze %dma_start3A_1052 : memref<1x1x!tpu.dma_semaphore, #tpu.memory_space<semaphore_mem>> -> memref<!tpu.dma_semaphore, #tpu.memory_space<semaphore_mem>>
      %dma_start3A_1054 = arith.constant 0 : i32
      %dma_start3A_1055 = arith.constant 0 : i32
      %dma_start3A_1056 = tpu.memref_slice %arg6[%dma_start3A_1048, %dma_start3A_1049, %dma_start3A_1054, %dma_start3A_1055] : memref<2x32x512x128xf32, #tpu.memory_space<vmem>> -> memref<1x1x512x128xf32, #tpu.memory_space<vmem>>
      %dma_start3A_1057 = tpu.memref_squeeze %dma_start3A_1056 : memref<1x1x512x128xf32, #tpu.memory_space<vmem>> -> memref<512x128xf32, #tpu.memory_space<vmem>>
      %dma_start3A_1058 = arith.constant 0 : i32
      %dma_start3A_1059 = arith.constant 0 : i32
      %dma_start3A_1060 = tpu.memref_slice %arg4[%dma_start3A_1058, %dma_start3A_1047, %dma_start3A_1059] : memref<4096x64x128xf32, #tpu.memory_space<any>> -> memref<512x1x128xf32, #tpu.memory_space<any>>
      %dma_start3A_1061 = tpu.memref_squeeze %dma_start3A_1060 : memref<512x1x128xf32, #tpu.memory_space<any>> -> memref<512x128xf32, #tpu.memory_space<any>>
      tpu.enqueue_dma source(%dma_start3A_1061 : memref<512x128xf32, #tpu.memory_space<any>>) target(%dma_start3A_1057 : memref<512x128xf32, #tpu.memory_space<vmem>>) target_semaphore(%dma_start3A_1053 : memref<!tpu.dma_semaphore, #tpu.memory_space<semaphore_mem>>)
      %dma_start3A_1062 = arith.constant 36 : i32
      %dma_start3A_1063 = arith.constant 0 : i32
      %dma_start3A_1064 = arith.constant 18 : i32
      %dma_start3A_1065 = arith.constant 0 : i32
      %dma_start3A_1066 = arith.constant 18 : i32
      %dma_start3A_1067 = tpu.memref_slice %arg9[%dma_start3A_1065, %dma_start3A_1066] : memref<2x32x!tpu.dma_semaphore, #tpu.memory_space<semaphore_mem>> -> memref<1x1x!tpu.dma_semaphore, #tpu.memory_space<semaphore_mem>>
      %dma_start3A_1068 = tpu.memref_squeeze %dma_start3A_1067 : memref<1x1x!tpu.dma_semaphore, #tpu.memory_space<semaphore_mem>> -> memref<!tpu.dma_semaphore, #tpu.memory_space<semaphore_mem>>
      %dma_start3A_1069 = arith.constant 0 : i32
      %dma_start3A_1070 = arith.constant 0 : i32
      %dma_start3A_1071 = tpu.memref_slice %arg6[%dma_start3A_1063, %dma_start3A_1064, %dma_start3A_1069, %dma_start3A_1070] : memref<2x32x512x128xf32, #tpu.memory_space<vmem>> -> memref<1x1x512x128xf32, #tpu.memory_space<vmem>>
      %dma_start3A_1072 = tpu.memref_squeeze %dma_start3A_1071 : memref<1x1x512x128xf32, #tpu.memory_space<vmem>> -> memref<512x128xf32, #tpu.memory_space<vmem>>
      %dma_start3A_1073 = arith.constant 0 : i32
      %dma_start3A_1074 = arith.constant 0 : i32
      %dma_start3A_1075 = tpu.memref_slice %arg4[%dma_start3A_1073, %dma_start3A_1062, %dma_start3A_1074] : memref<4096x64x128xf32, #tpu.memory_space<any>> -> memref<512x1x128xf32, #tpu.memory_space<any>>
      %dma_start3A_1076 = tpu.memref_squeeze %dma_start3A_1075 : memref<512x1x128xf32, #tpu.memory_space<any>> -> memref<512x128xf32, #tpu.memory_space<any>>
      tpu.enqueue_dma source(%dma_start3A_1076 : memref<512x128xf32, #tpu.memory_space<any>>) target(%dma_start3A_1072 : memref<512x128xf32, #tpu.memory_space<vmem>>) target_semaphore(%dma_start3A_1068 : memref<!tpu.dma_semaphore, #tpu.memory_space<semaphore_mem>>)
      %dma_start3A_1077 = arith.constant 38 : i32
      %dma_start3A_1078 = arith.constant 0 : i32
      %dma_start3A_1079 = arith.constant 19 : i32
      %dma_start3A_1080 = arith.constant 0 : i32
      %dma_start3A_1081 = arith.constant 19 : i32
      %dma_start3A_1082 = tpu.memref_slice %arg9[%dma_start3A_1080, %dma_start3A_1081] : memref<2x32x!tpu.dma_semaphore, #tpu.memory_space<semaphore_mem>> -> memref<1x1x!tpu.dma_semaphore, #tpu.memory_space<semaphore_mem>>
      %dma_start3A_1083 = tpu.memref_squeeze %dma_start3A_1082 : memref<1x1x!tpu.dma_semaphore, #tpu.memory_space<semaphore_mem>> -> memref<!tpu.dma_semaphore, #tpu.memory_space<semaphore_mem>>
      %dma_start3A_1084 = arith.constant 0 : i32
      %dma_start3A_1085 = arith.constant 0 : i32
      %dma_start3A_1086 = tpu.memref_slice %arg6[%dma_start3A_1078, %dma_start3A_1079, %dma_start3A_1084, %dma_start3A_1085] : memref<2x32x512x128xf32, #tpu.memory_space<vmem>> -> memref<1x1x512x128xf32, #tpu.memory_space<vmem>>
      %dma_start3A_1087 = tpu.memref_squeeze %dma_start3A_1086 : memref<1x1x512x128xf32, #tpu.memory_space<vmem>> -> memref<512x128xf32, #tpu.memory_space<vmem>>
      %dma_start3A_1088 = arith.constant 0 : i32
      %dma_start3A_1089 = arith.constant 0 : i32
      %dma_start3A_1090 = tpu.memref_slice %arg4[%dma_start3A_1088, %dma_start3A_1077, %dma_start3A_1089] : memref<4096x64x128xf32, #tpu.memory_space<any>> -> memref<512x1x128xf32, #tpu.memory_space<any>>
      %dma_start3A_1091 = tpu.memref_squeeze %dma_start3A_1090 : memref<512x1x128xf32, #tpu.memory_space<any>> -> memref<512x128xf32, #tpu.memory_space<any>>
      tpu.enqueue_dma source(%dma_start3A_1091 : memref<512x128xf32, #tpu.memory_space<any>>) target(%dma_start3A_1087 : memref<512x128xf32, #tpu.memory_space<vmem>>) target_semaphore(%dma_start3A_1083 : memref<!tpu.dma_semaphore, #tpu.memory_space<semaphore_mem>>)
      %dma_start3A_1092 = arith.constant 40 : i32
      %dma_start3A_1093 = arith.constant 0 : i32
      %dma_start3A_1094 = arith.constant 20 : i32
      %dma_start3A_1095 = arith.constant 0 : i32
      %dma_start3A_1096 = arith.constant 20 : i32
      %dma_start3A_1097 = tpu.memref_slice %arg9[%dma_start3A_1095, %dma_start3A_1096] : memref<2x32x!tpu.dma_semaphore, #tpu.memory_space<semaphore_mem>> -> memref<1x1x!tpu.dma_semaphore, #tpu.memory_space<semaphore_mem>>
      %dma_start3A_1098 = tpu.memref_squeeze %dma_start3A_1097 : memref<1x1x!tpu.dma_semaphore, #tpu.memory_space<semaphore_mem>> -> memref<!tpu.dma_semaphore, #tpu.memory_space<semaphore_mem>>
      %dma_start3A_1099 = arith.constant 0 : i32
      %dma_start3A_1100 = arith.constant 0 : i32
      %dma_start3A_1101 = tpu.memref_slice %arg6[%dma_start3A_1093, %dma_start3A_1094, %dma_start3A_1099, %dma_start3A_1100] : memref<2x32x512x128xf32, #tpu.memory_space<vmem>> -> memref<1x1x512x128xf32, #tpu.memory_space<vmem>>
      %dma_start3A_1102 = tpu.memref_squeeze %dma_start3A_1101 : memref<1x1x512x128xf32, #tpu.memory_space<vmem>> -> memref<512x128xf32, #tpu.memory_space<vmem>>
      %dma_start3A_1103 = arith.constant 0 : i32
      %dma_start3A_1104 = arith.constant 0 : i32
      %dma_start3A_1105 = tpu.memref_slice %arg4[%dma_start3A_1103, %dma_start3A_1092, %dma_start3A_1104] : memref<4096x64x128xf32, #tpu.memory_space<any>> -> memref<512x1x128xf32, #tpu.memory_space<any>>
      %dma_start3A_1106 = tpu.memref_squeeze %dma_start3A_1105 : memref<512x1x128xf32, #tpu.memory_space<any>> -> memref<512x128xf32, #tpu.memory_space<any>>
      tpu.enqueue_dma source(%dma_start3A_1106 : memref<512x128xf32, #tpu.memory_space<any>>) target(%dma_start3A_1102 : memref<512x128xf32, #tpu.memory_space<vmem>>) target_semaphore(%dma_start3A_1098 : memref<!tpu.dma_semaphore, #tpu.memory_space<semaphore_mem>>)
      %dma_start3A_1107 = arith.constant 42 : i32
      %dma_start3A_1108 = arith.constant 0 : i32
      %dma_start3A_1109 = arith.constant 21 : i32
      %dma_start3A_1110 = arith.constant 0 : i32
      %dma_start3A_1111 = arith.constant 21 : i32
      %dma_start3A_1112 = tpu.memref_slice %arg9[%dma_start3A_1110, %dma_start3A_1111] : memref<2x32x!tpu.dma_semaphore, #tpu.memory_space<semaphore_mem>> -> memref<1x1x!tpu.dma_semaphore, #tpu.memory_space<semaphore_mem>>
      %dma_start3A_1113 = tpu.memref_squeeze %dma_start3A_1112 : memref<1x1x!tpu.dma_semaphore, #tpu.memory_space<semaphore_mem>> -> memref<!tpu.dma_semaphore, #tpu.memory_space<semaphore_mem>>
      %dma_start3A_1114 = arith.constant 0 : i32
      %dma_start3A_1115 = arith.constant 0 : i32
      %dma_start3A_1116 = tpu.memref_slice %arg6[%dma_start3A_1108, %dma_start3A_1109, %dma_start3A_1114, %dma_start3A_1115] : memref<2x32x512x128xf32, #tpu.memory_space<vmem>> -> memref<1x1x512x128xf32, #tpu.memory_space<vmem>>
      %dma_start3A_1117 = tpu.memref_squeeze %dma_start3A_1116 : memref<1x1x512x128xf32, #tpu.memory_space<vmem>> -> memref<512x128xf32, #tpu.memory_space<vmem>>
      %dma_start3A_1118 = arith.constant 0 : i32
      %dma_start3A_1119 = arith.constant 0 : i32
      %dma_start3A_1120 = tpu.memref_slice %arg4[%dma_start3A_1118, %dma_start3A_1107, %dma_start3A_1119] : memref<4096x64x128xf32, #tpu.memory_space<any>> -> memref<512x1x128xf32, #tpu.memory_space<any>>
      %dma_start3A_1121 = tpu.memref_squeeze %dma_start3A_1120 : memref<512x1x128xf32, #tpu.memory_space<any>> -> memref<512x128xf32, #tpu.memory_space<any>>
      tpu.enqueue_dma source(%dma_start3A_1121 : memref<512x128xf32, #tpu.memory_space<any>>) target(%dma_start3A_1117 : memref<512x128xf32, #tpu.memory_space<vmem>>) target_semaphore(%dma_start3A_1113 : memref<!tpu.dma_semaphore, #tpu.memory_space<semaphore_mem>>)
      %dma_start3A_1122 = arith.constant 44 : i32
      %dma_start3A_1123 = arith.constant 0 : i32
      %dma_start3A_1124 = arith.constant 22 : i32
      %dma_start3A_1125 = arith.constant 0 : i32
      %dma_start3A_1126 = arith.constant 22 : i32
      %dma_start3A_1127 = tpu.memref_slice %arg9[%dma_start3A_1125, %dma_start3A_1126] : memref<2x32x!tpu.dma_semaphore, #tpu.memory_space<semaphore_mem>> -> memref<1x1x!tpu.dma_semaphore, #tpu.memory_space<semaphore_mem>>
      %dma_start3A_1128 = tpu.memref_squeeze %dma_start3A_1127 : memref<1x1x!tpu.dma_semaphore, #tpu.memory_space<semaphore_mem>> -> memref<!tpu.dma_semaphore, #tpu.memory_space<semaphore_mem>>
      %dma_start3A_1129 = arith.constant 0 : i32
      %dma_start3A_1130 = arith.constant 0 : i32
      %dma_start3A_1131 = tpu.memref_slice %arg6[%dma_start3A_1123, %dma_start3A_1124, %dma_start3A_1129, %dma_start3A_1130] : memref<2x32x512x128xf32, #tpu.memory_space<vmem>> -> memref<1x1x512x128xf32, #tpu.memory_space<vmem>>
      %dma_start3A_1132 = tpu.memref_squeeze %dma_start3A_1131 : memref<1x1x512x128xf32, #tpu.memory_space<vmem>> -> memref<512x128xf32, #tpu.memory_space<vmem>>
      %dma_start3A_1133 = arith.constant 0 : i32
      %dma_start3A_1134 = arith.constant 0 : i32
      %dma_start3A_1135 = tpu.memref_slice %arg4[%dma_start3A_1133, %dma_start3A_1122, %dma_start3A_1134] : memref<4096x64x128xf32, #tpu.memory_space<any>> -> memref<512x1x128xf32, #tpu.memory_space<any>>
      %dma_start3A_1136 = tpu.memref_squeeze %dma_start3A_1135 : memref<512x1x128xf32, #tpu.memory_space<any>> -> memref<512x128xf32, #tpu.memory_space<any>>
      tpu.enqueue_dma source(%dma_start3A_1136 : memref<512x128xf32, #tpu.memory_space<any>>) target(%dma_start3A_1132 : memref<512x128xf32, #tpu.memory_space<vmem>>) target_semaphore(%dma_start3A_1128 : memref<!tpu.dma_semaphore, #tpu.memory_space<semaphore_mem>>)
      %dma_start3A_1137 = arith.constant 46 : i32
      %dma_start3A_1138 = arith.constant 0 : i32
      %dma_start3A_1139 = arith.constant 23 : i32
      %dma_start3A_1140 = arith.constant 0 : i32
      %dma_start3A_1141 = arith.constant 23 : i32
      %dma_start3A_1142 = tpu.memref_slice %arg9[%dma_start3A_1140, %dma_start3A_1141] : memref<2x32x!tpu.dma_semaphore, #tpu.memory_space<semaphore_mem>> -> memref<1x1x!tpu.dma_semaphore, #tpu.memory_space<semaphore_mem>>
      %dma_start3A_1143 = tpu.memref_squeeze %dma_start3A_1142 : memref<1x1x!tpu.dma_semaphore, #tpu.memory_space<semaphore_mem>> -> memref<!tpu.dma_semaphore, #tpu.memory_space<semaphore_mem>>
      %dma_start3A_1144 = arith.constant 0 : i32
      %dma_start3A_1145 = arith.constant 0 : i32
      %dma_start3A_1146 = tpu.memref_slice %arg6[%dma_start3A_1138, %dma_start3A_1139, %dma_start3A_1144, %dma_start3A_1145] : memref<2x32x512x128xf32, #tpu.memory_space<vmem>> -> memref<1x1x512x128xf32, #tpu.memory_space<vmem>>
      %dma_start3A_1147 = tpu.memref_squeeze %dma_start3A_1146 : memref<1x1x512x128xf32, #tpu.memory_space<vmem>> -> memref<512x128xf32, #tpu.memory_space<vmem>>
      %dma_start3A_1148 = arith.constant 0 : i32
      %dma_start3A_1149 = arith.constant 0 : i32
      %dma_start3A_1150 = tpu.memref_slice %arg4[%dma_start3A_1148, %dma_start3A_1137, %dma_start3A_1149] : memref<4096x64x128xf32, #tpu.memory_space<any>> -> memref<512x1x128xf32, #tpu.memory_space<any>>
      %dma_start3A_1151 = tpu.memref_squeeze %dma_start3A_1150 : memref<512x1x128xf32, #tpu.memory_space<any>> -> memref<512x128xf32, #tpu.memory_space<any>>
      tpu.enqueue_dma source(%dma_start3A_1151 : memref<512x128xf32, #tpu.memory_space<any>>) target(%dma_start3A_1147 : memref<512x128xf32, #tpu.memory_space<vmem>>) target_semaphore(%dma_start3A_1143 : memref<!tpu.dma_semaphore, #tpu.memory_space<semaphore_mem>>)
      %dma_start3A_1152 = arith.constant 48 : i32
      %dma_start3A_1153 = arith.constant 0 : i32
      %dma_start3A_1154 = arith.constant 24 : i32
      %dma_start3A_1155 = arith.constant 0 : i32
      %dma_start3A_1156 = arith.constant 24 : i32
      %dma_start3A_1157 = tpu.memref_slice %arg9[%dma_start3A_1155, %dma_start3A_1156] : memref<2x32x!tpu.dma_semaphore, #tpu.memory_space<semaphore_mem>> -> memref<1x1x!tpu.dma_semaphore, #tpu.memory_space<semaphore_mem>>
      %dma_start3A_1158 = tpu.memref_squeeze %dma_start3A_1157 : memref<1x1x!tpu.dma_semaphore, #tpu.memory_space<semaphore_mem>> -> memref<!tpu.dma_semaphore, #tpu.memory_space<semaphore_mem>>
      %dma_start3A_1159 = arith.constant 0 : i32
      %dma_start3A_1160 = arith.constant 0 : i32
      %dma_start3A_1161 = tpu.memref_slice %arg6[%dma_start3A_1153, %dma_start3A_1154, %dma_start3A_1159, %dma_start3A_1160] : memref<2x32x512x128xf32, #tpu.memory_space<vmem>> -> memref<1x1x512x128xf32, #tpu.memory_space<vmem>>
      %dma_start3A_1162 = tpu.memref_squeeze %dma_start3A_1161 : memref<1x1x512x128xf32, #tpu.memory_space<vmem>> -> memref<512x128xf32, #tpu.memory_space<vmem>>
      %dma_start3A_1163 = arith.constant 0 : i32
      %dma_start3A_1164 = arith.constant 0 : i32
      %dma_start3A_1165 = tpu.memref_slice %arg4[%dma_start3A_1163, %dma_start3A_1152, %dma_start3A_1164] : memref<4096x64x128xf32, #tpu.memory_space<any>> -> memref<512x1x128xf32, #tpu.memory_space<any>>
      %dma_start3A_1166 = tpu.memref_squeeze %dma_start3A_1165 : memref<512x1x128xf32, #tpu.memory_space<any>> -> memref<512x128xf32, #tpu.memory_space<any>>
      tpu.enqueue_dma source(%dma_start3A_1166 : memref<512x128xf32, #tpu.memory_space<any>>) target(%dma_start3A_1162 : memref<512x128xf32, #tpu.memory_space<vmem>>) target_semaphore(%dma_start3A_1158 : memref<!tpu.dma_semaphore, #tpu.memory_space<semaphore_mem>>)
      %dma_start3A_1167 = arith.constant 50 : i32
      %dma_start3A_1168 = arith.constant 0 : i32
      %dma_start3A_1169 = arith.constant 25 : i32
      %dma_start3A_1170 = arith.constant 0 : i32
      %dma_start3A_1171 = arith.constant 25 : i32
      %dma_start3A_1172 = tpu.memref_slice %arg9[%dma_start3A_1170, %dma_start3A_1171] : memref<2x32x!tpu.dma_semaphore, #tpu.memory_space<semaphore_mem>> -> memref<1x1x!tpu.dma_semaphore, #tpu.memory_space<semaphore_mem>>
      %dma_start3A_1173 = tpu.memref_squeeze %dma_start3A_1172 : memref<1x1x!tpu.dma_semaphore, #tpu.memory_space<semaphore_mem>> -> memref<!tpu.dma_semaphore, #tpu.memory_space<semaphore_mem>>
      %dma_start3A_1174 = arith.constant 0 : i32
      %dma_start3A_1175 = arith.constant 0 : i32
      %dma_start3A_1176 = tpu.memref_slice %arg6[%dma_start3A_1168, %dma_start3A_1169, %dma_start3A_1174, %dma_start3A_1175] : memref<2x32x512x128xf32, #tpu.memory_space<vmem>> -> memref<1x1x512x128xf32, #tpu.memory_space<vmem>>
      %dma_start3A_1177 = tpu.memref_squeeze %dma_start3A_1176 : memref<1x1x512x128xf32, #tpu.memory_space<vmem>> -> memref<512x128xf32, #tpu.memory_space<vmem>>
      %dma_start3A_1178 = arith.constant 0 : i32
      %dma_start3A_1179 = arith.constant 0 : i32
      %dma_start3A_1180 = tpu.memref_slice %arg4[%dma_start3A_1178, %dma_start3A_1167, %dma_start3A_1179] : memref<4096x64x128xf32, #tpu.memory_space<any>> -> memref<512x1x128xf32, #tpu.memory_space<any>>
      %dma_start3A_1181 = tpu.memref_squeeze %dma_start3A_1180 : memref<512x1x128xf32, #tpu.memory_space<any>> -> memref<512x128xf32, #tpu.memory_space<any>>
      tpu.enqueue_dma source(%dma_start3A_1181 : memref<512x128xf32, #tpu.memory_space<any>>) target(%dma_start3A_1177 : memref<512x128xf32, #tpu.memory_space<vmem>>) target_semaphore(%dma_start3A_1173 : memref<!tpu.dma_semaphore, #tpu.memory_space<semaphore_mem>>)
      %dma_start3A_1182 = arith.constant 52 : i32
      %dma_start3A_1183 = arith.constant 0 : i32
      %dma_start3A_1184 = arith.constant 26 : i32
      %dma_start3A_1185 = arith.constant 0 : i32
      %dma_start3A_1186 = arith.constant 26 : i32
      %dma_start3A_1187 = tpu.memref_slice %arg9[%dma_start3A_1185, %dma_start3A_1186] : memref<2x32x!tpu.dma_semaphore, #tpu.memory_space<semaphore_mem>> -> memref<1x1x!tpu.dma_semaphore, #tpu.memory_space<semaphore_mem>>
      %dma_start3A_1188 = tpu.memref_squeeze %dma_start3A_1187 : memref<1x1x!tpu.dma_semaphore, #tpu.memory_space<semaphore_mem>> -> memref<!tpu.dma_semaphore, #tpu.memory_space<semaphore_mem>>
      %dma_start3A_1189 = arith.constant 0 : i32
      %dma_start3A_1190 = arith.constant 0 : i32
      %dma_start3A_1191 = tpu.memref_slice %arg6[%dma_start3A_1183, %dma_start3A_1184, %dma_start3A_1189, %dma_start3A_1190] : memref<2x32x512x128xf32, #tpu.memory_space<vmem>> -> memref<1x1x512x128xf32, #tpu.memory_space<vmem>>
      %dma_start3A_1192 = tpu.memref_squeeze %dma_start3A_1191 : memref<1x1x512x128xf32, #tpu.memory_space<vmem>> -> memref<512x128xf32, #tpu.memory_space<vmem>>
      %dma_start3A_1193 = arith.constant 0 : i32
      %dma_start3A_1194 = arith.constant 0 : i32
      %dma_start3A_1195 = tpu.memref_slice %arg4[%dma_start3A_1193, %dma_start3A_1182, %dma_start3A_1194] : memref<4096x64x128xf32, #tpu.memory_space<any>> -> memref<512x1x128xf32, #tpu.memory_space<any>>
      %dma_start3A_1196 = tpu.memref_squeeze %dma_start3A_1195 : memref<512x1x128xf32, #tpu.memory_space<any>> -> memref<512x128xf32, #tpu.memory_space<any>>
      tpu.enqueue_dma source(%dma_start3A_1196 : memref<512x128xf32, #tpu.memory_space<any>>) target(%dma_start3A_1192 : memref<512x128xf32, #tpu.memory_space<vmem>>) target_semaphore(%dma_start3A_1188 : memref<!tpu.dma_semaphore, #tpu.memory_space<semaphore_mem>>)
      %dma_start3A_1197 = arith.constant 54 : i32
      %dma_start3A_1198 = arith.constant 0 : i32
      %dma_start3A_1199 = arith.constant 27 : i32
      %dma_start3A_1200 = arith.constant 0 : i32
      %dma_start3A_1201 = arith.constant 27 : i32
      %dma_start3A_1202 = tpu.memref_slice %arg9[%dma_start3A_1200, %dma_start3A_1201] : memref<2x32x!tpu.dma_semaphore, #tpu.memory_space<semaphore_mem>> -> memref<1x1x!tpu.dma_semaphore, #tpu.memory_space<semaphore_mem>>
      %dma_start3A_1203 = tpu.memref_squeeze %dma_start3A_1202 : memref<1x1x!tpu.dma_semaphore, #tpu.memory_space<semaphore_mem>> -> memref<!tpu.dma_semaphore, #tpu.memory_space<semaphore_mem>>
      %dma_start3A_1204 = arith.constant 0 : i32
      %dma_start3A_1205 = arith.constant 0 : i32
      %dma_start3A_1206 = tpu.memref_slice %arg6[%dma_start3A_1198, %dma_start3A_1199, %dma_start3A_1204, %dma_start3A_1205] : memref<2x32x512x128xf32, #tpu.memory_space<vmem>> -> memref<1x1x512x128xf32, #tpu.memory_space<vmem>>
      %dma_start3A_1207 = tpu.memref_squeeze %dma_start3A_1206 : memref<1x1x512x128xf32, #tpu.memory_space<vmem>> -> memref<512x128xf32, #tpu.memory_space<vmem>>
      %dma_start3A_1208 = arith.constant 0 : i32
      %dma_start3A_1209 = arith.constant 0 : i32
      %dma_start3A_1210 = tpu.memref_slice %arg4[%dma_start3A_1208, %dma_start3A_1197, %dma_start3A_1209] : memref<4096x64x128xf32, #tpu.memory_space<any>> -> memref<512x1x128xf32, #tpu.memory_space<any>>
      %dma_start3A_1211 = tpu.memref_squeeze %dma_start3A_1210 : memref<512x1x128xf32, #tpu.memory_space<any>> -> memref<512x128xf32, #tpu.memory_space<any>>
      tpu.enqueue_dma source(%dma_start3A_1211 : memref<512x128xf32, #tpu.memory_space<any>>) target(%dma_start3A_1207 : memref<512x128xf32, #tpu.memory_space<vmem>>) target_semaphore(%dma_start3A_1203 : memref<!tpu.dma_semaphore, #tpu.memory_space<semaphore_mem>>)
      %dma_start3A_1212 = arith.constant 56 : i32
      %dma_start3A_1213 = arith.constant 0 : i32
      %dma_start3A_1214 = arith.constant 28 : i32
      %dma_start3A_1215 = arith.constant 0 : i32
      %dma_start3A_1216 = arith.constant 28 : i32
      %dma_start3A_1217 = tpu.memref_slice %arg9[%dma_start3A_1215, %dma_start3A_1216] : memref<2x32x!tpu.dma_semaphore, #tpu.memory_space<semaphore_mem>> -> memref<1x1x!tpu.dma_semaphore, #tpu.memory_space<semaphore_mem>>
      %dma_start3A_1218 = tpu.memref_squeeze %dma_start3A_1217 : memref<1x1x!tpu.dma_semaphore, #tpu.memory_space<semaphore_mem>> -> memref<!tpu.dma_semaphore, #tpu.memory_space<semaphore_mem>>
      %dma_start3A_1219 = arith.constant 0 : i32
      %dma_start3A_1220 = arith.constant 0 : i32
      %dma_start3A_1221 = tpu.memref_slice %arg6[%dma_start3A_1213, %dma_start3A_1214, %dma_start3A_1219, %dma_start3A_1220] : memref<2x32x512x128xf32, #tpu.memory_space<vmem>> -> memref<1x1x512x128xf32, #tpu.memory_space<vmem>>
      %dma_start3A_1222 = tpu.memref_squeeze %dma_start3A_1221 : memref<1x1x512x128xf32, #tpu.memory_space<vmem>> -> memref<512x128xf32, #tpu.memory_space<vmem>>
      %dma_start3A_1223 = arith.constant 0 : i32
      %dma_start3A_1224 = arith.constant 0 : i32
      %dma_start3A_1225 = tpu.memref_slice %arg4[%dma_start3A_1223, %dma_start3A_1212, %dma_start3A_1224] : memref<4096x64x128xf32, #tpu.memory_space<any>> -> memref<512x1x128xf32, #tpu.memory_space<any>>
      %dma_start3A_1226 = tpu.memref_squeeze %dma_start3A_1225 : memref<512x1x128xf32, #tpu.memory_space<any>> -> memref<512x128xf32, #tpu.memory_space<any>>
      tpu.enqueue_dma source(%dma_start3A_1226 : memref<512x128xf32, #tpu.memory_space<any>>) target(%dma_start3A_1222 : memref<512x128xf32, #tpu.memory_space<vmem>>) target_semaphore(%dma_start3A_1218 : memref<!tpu.dma_semaphore, #tpu.memory_space<semaphore_mem>>)
      %dma_start3A_1227 = arith.constant 58 : i32
      %dma_start3A_1228 = arith.constant 0 : i32
      %dma_start3A_1229 = arith.constant 29 : i32
      %dma_start3A_1230 = arith.constant 0 : i32
      %dma_start3A_1231 = arith.constant 29 : i32
      %dma_start3A_1232 = tpu.memref_slice %arg9[%dma_start3A_1230, %dma_start3A_1231] : memref<2x32x!tpu.dma_semaphore, #tpu.memory_space<semaphore_mem>> -> memref<1x1x!tpu.dma_semaphore, #tpu.memory_space<semaphore_mem>>
      %dma_start3A_1233 = tpu.memref_squeeze %dma_start3A_1232 : memref<1x1x!tpu.dma_semaphore, #tpu.memory_space<semaphore_mem>> -> memref<!tpu.dma_semaphore, #tpu.memory_space<semaphore_mem>>
      %dma_start3A_1234 = arith.constant 0 : i32
      %dma_start3A_1235 = arith.constant 0 : i32
      %dma_start3A_1236 = tpu.memref_slice %arg6[%dma_start3A_1228, %dma_start3A_1229, %dma_start3A_1234, %dma_start3A_1235] : memref<2x32x512x128xf32, #tpu.memory_space<vmem>> -> memref<1x1x512x128xf32, #tpu.memory_space<vmem>>
      %dma_start3A_1237 = tpu.memref_squeeze %dma_start3A_1236 : memref<1x1x512x128xf32, #tpu.memory_space<vmem>> -> memref<512x128xf32, #tpu.memory_space<vmem>>
      %dma_start3A_1238 = arith.constant 0 : i32
      %dma_start3A_1239 = arith.constant 0 : i32
      %dma_start3A_1240 = tpu.memref_slice %arg4[%dma_start3A_1238, %dma_start3A_1227, %dma_start3A_1239] : memref<4096x64x128xf32, #tpu.memory_space<any>> -> memref<512x1x128xf32, #tpu.memory_space<any>>
      %dma_start3A_1241 = tpu.memref_squeeze %dma_start3A_1240 : memref<512x1x128xf32, #tpu.memory_space<any>> -> memref<512x128xf32, #tpu.memory_space<any>>
      tpu.enqueue_dma source(%dma_start3A_1241 : memref<512x128xf32, #tpu.memory_space<any>>) target(%dma_start3A_1237 : memref<512x128xf32, #tpu.memory_space<vmem>>) target_semaphore(%dma_start3A_1233 : memref<!tpu.dma_semaphore, #tpu.memory_space<semaphore_mem>>)
      %dma_start3A_1242 = arith.constant 60 : i32
      %dma_start3A_1243 = arith.constant 0 : i32
      %dma_start3A_1244 = arith.constant 30 : i32
      %dma_start3A_1245 = arith.constant 0 : i32
      %dma_start3A_1246 = arith.constant 30 : i32
      %dma_start3A_1247 = tpu.memref_slice %arg9[%dma_start3A_1245, %dma_start3A_1246] : memref<2x32x!tpu.dma_semaphore, #tpu.memory_space<semaphore_mem>> -> memref<1x1x!tpu.dma_semaphore, #tpu.memory_space<semaphore_mem>>
      %dma_start3A_1248 = tpu.memref_squeeze %dma_start3A_1247 : memref<1x1x!tpu.dma_semaphore, #tpu.memory_space<semaphore_mem>> -> memref<!tpu.dma_semaphore, #tpu.memory_space<semaphore_mem>>
      %dma_start3A_1249 = arith.constant 0 : i32
      %dma_start3A_1250 = arith.constant 0 : i32
      %dma_start3A_1251 = tpu.memref_slice %arg6[%dma_start3A_1243, %dma_start3A_1244, %dma_start3A_1249, %dma_start3A_1250] : memref<2x32x512x128xf32, #tpu.memory_space<vmem>> -> memref<1x1x512x128xf32, #tpu.memory_space<vmem>>
      %dma_start3A_1252 = tpu.memref_squeeze %dma_start3A_1251 : memref<1x1x512x128xf32, #tpu.memory_space<vmem>> -> memref<512x128xf32, #tpu.memory_space<vmem>>
      %dma_start3A_1253 = arith.constant 0 : i32
      %dma_start3A_1254 = arith.constant 0 : i32
      %dma_start3A_1255 = tpu.memref_slice %arg4[%dma_start3A_1253, %dma_start3A_1242, %dma_start3A_1254] : memref<4096x64x128xf32, #tpu.memory_space<any>> -> memref<512x1x128xf32, #tpu.memory_space<any>>
      %dma_start3A_1256 = tpu.memref_squeeze %dma_start3A_1255 : memref<512x1x128xf32, #tpu.memory_space<any>> -> memref<512x128xf32, #tpu.memory_space<any>>
      tpu.enqueue_dma source(%dma_start3A_1256 : memref<512x128xf32, #tpu.memory_space<any>>) target(%dma_start3A_1252 : memref<512x128xf32, #tpu.memory_space<vmem>>) target_semaphore(%dma_start3A_1248 : memref<!tpu.dma_semaphore, #tpu.memory_space<semaphore_mem>>)
      %dma_start3A_1257 = arith.constant 62 : i32
      %dma_start3A_1258 = arith.constant 0 : i32
      %dma_start3A_1259 = arith.constant 31 : i32
      %dma_start3A_1260 = arith.constant 0 : i32
      %dma_start3A_1261 = arith.constant 31 : i32
      %dma_start3A_1262 = tpu.memref_slice %arg9[%dma_start3A_1260, %dma_start3A_1261] : memref<2x32x!tpu.dma_semaphore, #tpu.memory_space<semaphore_mem>> -> memref<1x1x!tpu.dma_semaphore, #tpu.memory_space<semaphore_mem>>
      %dma_start3A_1263 = tpu.memref_squeeze %dma_start3A_1262 : memref<1x1x!tpu.dma_semaphore, #tpu.memory_space<semaphore_mem>> -> memref<!tpu.dma_semaphore, #tpu.memory_space<semaphore_mem>>
      %dma_start3A_1264 = arith.constant 0 : i32
      %dma_start3A_1265 = arith.constant 0 : i32
      %dma_start3A_1266 = tpu.memref_slice %arg6[%dma_start3A_1258, %dma_start3A_1259, %dma_start3A_1264, %dma_start3A_1265] : memref<2x32x512x128xf32, #tpu.memory_space<vmem>> -> memref<1x1x512x128xf32, #tpu.memory_space<vmem>>
      %dma_start3A_1267 = tpu.memref_squeeze %dma_start3A_1266 : memref<1x1x512x128xf32, #tpu.memory_space<vmem>> -> memref<512x128xf32, #tpu.memory_space<vmem>>
      %dma_start3A_1268 = arith.constant 0 : i32
      %dma_start3A_1269 = arith.constant 0 : i32
      %dma_start3A_1270 = tpu.memref_slice %arg4[%dma_start3A_1268, %dma_start3A_1257, %dma_start3A_1269] : memref<4096x64x128xf32, #tpu.memory_space<any>> -> memref<512x1x128xf32, #tpu.memory_space<any>>
      %dma_start3A_1271 = tpu.memref_squeeze %dma_start3A_1270 : memref<512x1x128xf32, #tpu.memory_space<any>> -> memref<512x128xf32, #tpu.memory_space<any>>
      tpu.enqueue_dma source(%dma_start3A_1271 : memref<512x128xf32, #tpu.memory_space<any>>) target(%dma_start3A_1267 : memref<512x128xf32, #tpu.memory_space<vmem>>) target_semaphore(%dma_start3A_1263 : memref<!tpu.dma_semaphore, #tpu.memory_space<semaphore_mem>>)
    } else {
    }
    %add3A = arith.constant 1 : i32
    %add3A_3 = arith.addi %arg0, %add3A : i32
    %lt3A = arith.constant 8 : i32
    %lt3A_4 = arith.cmpi slt, %add3A_3, %lt3A : i32
    %convert_element_type3A_5 = arith.extui %lt3A_4 : i1 to i32
    %cond3A_6 = arith.constant 0 : i32
    %cond3A_7 = arith.cmpi ne, %convert_element_type3A_5, %cond3A_6 : i32
    scf.if %cond3A_7 {
      %add3A_793 = arith.constant 1 : i32
      %add3A_794 = arith.addi %arg0, %add3A_793 : i32
      %add3A_795 = arith.constant 1 : i32
      %add3A_796 = arith.addi %arg0, %add3A_795 : i32
      %rem3A_797 = arith.constant 2 : i32
      %rem3A_798 = arith.remsi %add3A_796, %rem3A_797 : i32
      %mul3A_799 = arith.constant 512 : i32
      %mul3A_800 = arith.muli %add3A_794, %mul3A_799 : i32
      %mul3A_801 = arith.constant 512 : i32
      %mul3A_802 = arith.muli %add3A_794, %mul3A_801 : i32
      %mul3A_803 = arith.constant 512 : i32
      %mul3A_804 = arith.muli %add3A_794, %mul3A_803 : i32
      %mul3A_805 = arith.constant 512 : i32
      %mul3A_806 = arith.muli %add3A_794, %mul3A_805 : i32
      %mul3A_807 = arith.constant 512 : i32
      %mul3A_808 = arith.muli %add3A_794, %mul3A_807 : i32
      %mul3A_809 = arith.constant 512 : i32
      %mul3A_810 = arith.muli %add3A_794, %mul3A_809 : i32
      %mul3A_811 = arith.constant 512 : i32
      %mul3A_812 = arith.muli %add3A_794, %mul3A_811 : i32
      %mul3A_813 = arith.constant 512 : i32
      %mul3A_814 = arith.muli %add3A_794, %mul3A_813 : i32
      %mul3A_815 = arith.constant 512 : i32
      %mul3A_816 = arith.muli %add3A_794, %mul3A_815 : i32
      %mul3A_817 = arith.constant 512 : i32
      %mul3A_818 = arith.muli %add3A_794, %mul3A_817 : i32
      %mul3A_819 = arith.constant 512 : i32
      %mul3A_820 = arith.muli %add3A_794, %mul3A_819 : i32
      %mul3A_821 = arith.constant 512 : i32
      %mul3A_822 = arith.muli %add3A_794, %mul3A_821 : i32
      %mul3A_823 = arith.constant 512 : i32
      %mul3A_824 = arith.muli %add3A_794, %mul3A_823 : i32
      %mul3A_825 = arith.constant 512 : i32
      %mul3A_826 = arith.muli %add3A_794, %mul3A_825 : i32
      %mul3A_827 = arith.constant 512 : i32
      %mul3A_828 = arith.muli %add3A_794, %mul3A_827 : i32
      %mul3A_829 = arith.constant 512 : i32
      %mul3A_830 = arith.muli %add3A_794, %mul3A_829 : i32
      %mul3A_831 = arith.constant 512 : i32
      %mul3A_832 = arith.muli %add3A_794, %mul3A_831 : i32
      %mul3A_833 = arith.constant 512 : i32
      %mul3A_834 = arith.muli %add3A_794, %mul3A_833 : i32
      %mul3A_835 = arith.constant 512 : i32
      %mul3A_836 = arith.muli %add3A_794, %mul3A_835 : i32
      %mul3A_837 = arith.constant 512 : i32
      %mul3A_838 = arith.muli %add3A_794, %mul3A_837 : i32
      %mul3A_839 = arith.constant 512 : i32
      %mul3A_840 = arith.muli %add3A_794, %mul3A_839 : i32
      %mul3A_841 = arith.constant 512 : i32
      %mul3A_842 = arith.muli %add3A_794, %mul3A_841 : i32
      %mul3A_843 = arith.constant 512 : i32
      %mul3A_844 = arith.muli %add3A_794, %mul3A_843 : i32
      %mul3A_845 = arith.constant 512 : i32
      %mul3A_846 = arith.muli %add3A_794, %mul3A_845 : i32
      %mul3A_847 = arith.constant 512 : i32
      %mul3A_848 = arith.muli %add3A_794, %mul3A_847 : i32
      %mul3A_849 = arith.constant 512 : i32
      %mul3A_850 = arith.muli %add3A_794, %mul3A_849 : i32
      %mul3A_851 = arith.constant 512 : i32
      %mul3A_852 = arith.muli %add3A_794, %mul3A_851 : i32
      %mul3A_853 = arith.constant 512 : i32
      %mul3A_854 = arith.muli %add3A_794, %mul3A_853 : i32
      %mul3A_855 = arith.constant 512 : i32
      %mul3A_856 = arith.muli %add3A_794, %mul3A_855 : i32
      %mul3A_857 = arith.constant 512 : i32
      %mul3A_858 = arith.muli %add3A_794, %mul3A_857 : i32
      %mul3A_859 = arith.constant 512 : i32
      %mul3A_860 = arith.muli %add3A_794, %mul3A_859 : i32
      %mul3A_861 = arith.constant 512 : i32
      %mul3A_862 = arith.muli %add3A_794, %mul3A_861 : i32
      %dma_start3A = arith.constant 0 : i32
      %dma_start3A_863 = arith.constant 0 : i32
      %dma_start3A_864 = arith.constant 0 : i32
      %dma_start3A_865 = tpu.memref_slice %arg9[%rem3A_798, %dma_start3A_864] : memref<2x32x!tpu.dma_semaphore, #tpu.memory_space<semaphore_mem>> -> memref<1x1x!tpu.dma_semaphore, #tpu.memory_space<semaphore_mem>>
      %dma_start3A_866 = tpu.memref_squeeze %dma_start3A_865 : memref<1x1x!tpu.dma_semaphore, #tpu.memory_space<semaphore_mem>> -> memref<!tpu.dma_semaphore, #tpu.memory_space<semaphore_mem>>
      %dma_start3A_867 = arith.constant 0 : i32
      %dma_start3A_868 = arith.constant 0 : i32
      %dma_start3A_869 = tpu.memref_slice %arg6[%rem3A_798, %dma_start3A_863, %dma_start3A_867, %dma_start3A_868] : memref<2x32x512x128xf32, #tpu.memory_space<vmem>> -> memref<1x1x512x128xf32, #tpu.memory_space<vmem>>
      %dma_start3A_870 = tpu.memref_squeeze %dma_start3A_869 : memref<1x1x512x128xf32, #tpu.memory_space<vmem>> -> memref<512x128xf32, #tpu.memory_space<vmem>>
      %dma_start3A_871 = arith.constant 0 : i32
      %dma_start3A_872 = tpu.memref_slice %arg4[%mul3A_800, %dma_start3A, %dma_start3A_871] : memref<4096x64x128xf32, #tpu.memory_space<any>> -> memref<512x1x128xf32, #tpu.memory_space<any>>
      %dma_start3A_873 = tpu.memref_squeeze %dma_start3A_872 : memref<512x1x128xf32, #tpu.memory_space<any>> -> memref<512x128xf32, #tpu.memory_space<any>>
      tpu.enqueue_dma source(%dma_start3A_873 : memref<512x128xf32, #tpu.memory_space<any>>) target(%dma_start3A_870 : memref<512x128xf32, #tpu.memory_space<vmem>>) target_semaphore(%dma_start3A_866 : memref<!tpu.dma_semaphore, #tpu.memory_space<semaphore_mem>>)
      %dma_start3A_874 = arith.constant 2 : i32
      %dma_start3A_875 = arith.constant 1 : i32
      %dma_start3A_876 = arith.constant 1 : i32
      %dma_start3A_877 = tpu.memref_slice %arg9[%rem3A_798, %dma_start3A_876] : memref<2x32x!tpu.dma_semaphore, #tpu.memory_space<semaphore_mem>> -> memref<1x1x!tpu.dma_semaphore, #tpu.memory_space<semaphore_mem>>
      %dma_start3A_878 = tpu.memref_squeeze %dma_start3A_877 : memref<1x1x!tpu.dma_semaphore, #tpu.memory_space<semaphore_mem>> -> memref<!tpu.dma_semaphore, #tpu.memory_space<semaphore_mem>>
      %dma_start3A_879 = arith.constant 0 : i32
      %dma_start3A_880 = arith.constant 0 : i32
      %dma_start3A_881 = tpu.memref_slice %arg6[%rem3A_798, %dma_start3A_875, %dma_start3A_879, %dma_start3A_880] : memref<2x32x512x128xf32, #tpu.memory_space<vmem>> -> memref<1x1x512x128xf32, #tpu.memory_space<vmem>>
      %dma_start3A_882 = tpu.memref_squeeze %dma_start3A_881 : memref<1x1x512x128xf32, #tpu.memory_space<vmem>> -> memref<512x128xf32, #tpu.memory_space<vmem>>
      %dma_start3A_883 = arith.constant 0 : i32
      %dma_start3A_884 = tpu.memref_slice %arg4[%mul3A_802, %dma_start3A_874, %dma_start3A_883] : memref<4096x64x128xf32, #tpu.memory_space<any>> -> memref<512x1x128xf32, #tpu.memory_space<any>>
      %dma_start3A_885 = tpu.memref_squeeze %dma_start3A_884 : memref<512x1x128xf32, #tpu.memory_space<any>> -> memref<512x128xf32, #tpu.memory_space<any>>
      tpu.enqueue_dma source(%dma_start3A_885 : memref<512x128xf32, #tpu.memory_space<any>>) target(%dma_start3A_882 : memref<512x128xf32, #tpu.memory_space<vmem>>) target_semaphore(%dma_start3A_878 : memref<!tpu.dma_semaphore, #tpu.memory_space<semaphore_mem>>)
      %dma_start3A_886 = arith.constant 4 : i32
      %dma_start3A_887 = arith.constant 2 : i32
      %dma_start3A_888 = arith.constant 2 : i32
      %dma_start3A_889 = tpu.memref_slice %arg9[%rem3A_798, %dma_start3A_888] : memref<2x32x!tpu.dma_semaphore, #tpu.memory_space<semaphore_mem>> -> memref<1x1x!tpu.dma_semaphore, #tpu.memory_space<semaphore_mem>>
      %dma_start3A_890 = tpu.memref_squeeze %dma_start3A_889 : memref<1x1x!tpu.dma_semaphore, #tpu.memory_space<semaphore_mem>> -> memref<!tpu.dma_semaphore, #tpu.memory_space<semaphore_mem>>
      %dma_start3A_891 = arith.constant 0 : i32
      %dma_start3A_892 = arith.constant 0 : i32
      %dma_start3A_893 = tpu.memref_slice %arg6[%rem3A_798, %dma_start3A_887, %dma_start3A_891, %dma_start3A_892] : memref<2x32x512x128xf32, #tpu.memory_space<vmem>> -> memref<1x1x512x128xf32, #tpu.memory_space<vmem>>
      %dma_start3A_894 = tpu.memref_squeeze %dma_start3A_893 : memref<1x1x512x128xf32, #tpu.memory_space<vmem>> -> memref<512x128xf32, #tpu.memory_space<vmem>>
      %dma_start3A_895 = arith.constant 0 : i32
      %dma_start3A_896 = tpu.memref_slice %arg4[%mul3A_804, %dma_start3A_886, %dma_start3A_895] : memref<4096x64x128xf32, #tpu.memory_space<any>> -> memref<512x1x128xf32, #tpu.memory_space<any>>
      %dma_start3A_897 = tpu.memref_squeeze %dma_start3A_896 : memref<512x1x128xf32, #tpu.memory_space<any>> -> memref<512x128xf32, #tpu.memory_space<any>>
      tpu.enqueue_dma source(%dma_start3A_897 : memref<512x128xf32, #tpu.memory_space<any>>) target(%dma_start3A_894 : memref<512x128xf32, #tpu.memory_space<vmem>>) target_semaphore(%dma_start3A_890 : memref<!tpu.dma_semaphore, #tpu.memory_space<semaphore_mem>>)
      %dma_start3A_898 = arith.constant 6 : i32
      %dma_start3A_899 = arith.constant 3 : i32
      %dma_start3A_900 = arith.constant 3 : i32
      %dma_start3A_901 = tpu.memref_slice %arg9[%rem3A_798, %dma_start3A_900] : memref<2x32x!tpu.dma_semaphore, #tpu.memory_space<semaphore_mem>> -> memref<1x1x!tpu.dma_semaphore, #tpu.memory_space<semaphore_mem>>
      %dma_start3A_902 = tpu.memref_squeeze %dma_start3A_901 : memref<1x1x!tpu.dma_semaphore, #tpu.memory_space<semaphore_mem>> -> memref<!tpu.dma_semaphore, #tpu.memory_space<semaphore_mem>>
      %dma_start3A_903 = arith.constant 0 : i32
      %dma_start3A_904 = arith.constant 0 : i32
      %dma_start3A_905 = tpu.memref_slice %arg6[%rem3A_798, %dma_start3A_899, %dma_start3A_903, %dma_start3A_904] : memref<2x32x512x128xf32, #tpu.memory_space<vmem>> -> memref<1x1x512x128xf32, #tpu.memory_space<vmem>>
      %dma_start3A_906 = tpu.memref_squeeze %dma_start3A_905 : memref<1x1x512x128xf32, #tpu.memory_space<vmem>> -> memref<512x128xf32, #tpu.memory_space<vmem>>
      %dma_start3A_907 = arith.constant 0 : i32
      %dma_start3A_908 = tpu.memref_slice %arg4[%mul3A_806, %dma_start3A_898, %dma_start3A_907] : memref<4096x64x128xf32, #tpu.memory_space<any>> -> memref<512x1x128xf32, #tpu.memory_space<any>>
      %dma_start3A_909 = tpu.memref_squeeze %dma_start3A_908 : memref<512x1x128xf32, #tpu.memory_space<any>> -> memref<512x128xf32, #tpu.memory_space<any>>
      tpu.enqueue_dma source(%dma_start3A_909 : memref<512x128xf32, #tpu.memory_space<any>>) target(%dma_start3A_906 : memref<512x128xf32, #tpu.memory_space<vmem>>) target_semaphore(%dma_start3A_902 : memref<!tpu.dma_semaphore, #tpu.memory_space<semaphore_mem>>)
      %dma_start3A_910 = arith.constant 8 : i32
      %dma_start3A_911 = arith.constant 4 : i32
      %dma_start3A_912 = arith.constant 4 : i32
      %dma_start3A_913 = tpu.memref_slice %arg9[%rem3A_798, %dma_start3A_912] : memref<2x32x!tpu.dma_semaphore, #tpu.memory_space<semaphore_mem>> -> memref<1x1x!tpu.dma_semaphore, #tpu.memory_space<semaphore_mem>>
      %dma_start3A_914 = tpu.memref_squeeze %dma_start3A_913 : memref<1x1x!tpu.dma_semaphore, #tpu.memory_space<semaphore_mem>> -> memref<!tpu.dma_semaphore, #tpu.memory_space<semaphore_mem>>
      %dma_start3A_915 = arith.constant 0 : i32
      %dma_start3A_916 = arith.constant 0 : i32
      %dma_start3A_917 = tpu.memref_slice %arg6[%rem3A_798, %dma_start3A_911, %dma_start3A_915, %dma_start3A_916] : memref<2x32x512x128xf32, #tpu.memory_space<vmem>> -> memref<1x1x512x128xf32, #tpu.memory_space<vmem>>
      %dma_start3A_918 = tpu.memref_squeeze %dma_start3A_917 : memref<1x1x512x128xf32, #tpu.memory_space<vmem>> -> memref<512x128xf32, #tpu.memory_space<vmem>>
      %dma_start3A_919 = arith.constant 0 : i32
      %dma_start3A_920 = tpu.memref_slice %arg4[%mul3A_808, %dma_start3A_910, %dma_start3A_919] : memref<4096x64x128xf32, #tpu.memory_space<any>> -> memref<512x1x128xf32, #tpu.memory_space<any>>
      %dma_start3A_921 = tpu.memref_squeeze %dma_start3A_920 : memref<512x1x128xf32, #tpu.memory_space<any>> -> memref<512x128xf32, #tpu.memory_space<any>>
      tpu.enqueue_dma source(%dma_start3A_921 : memref<512x128xf32, #tpu.memory_space<any>>) target(%dma_start3A_918 : memref<512x128xf32, #tpu.memory_space<vmem>>) target_semaphore(%dma_start3A_914 : memref<!tpu.dma_semaphore, #tpu.memory_space<semaphore_mem>>)
      %dma_start3A_922 = arith.constant 10 : i32
      %dma_start3A_923 = arith.constant 5 : i32
      %dma_start3A_924 = arith.constant 5 : i32
      %dma_start3A_925 = tpu.memref_slice %arg9[%rem3A_798, %dma_start3A_924] : memref<2x32x!tpu.dma_semaphore, #tpu.memory_space<semaphore_mem>> -> memref<1x1x!tpu.dma_semaphore, #tpu.memory_space<semaphore_mem>>
      %dma_start3A_926 = tpu.memref_squeeze %dma_start3A_925 : memref<1x1x!tpu.dma_semaphore, #tpu.memory_space<semaphore_mem>> -> memref<!tpu.dma_semaphore, #tpu.memory_space<semaphore_mem>>
      %dma_start3A_927 = arith.constant 0 : i32
      %dma_start3A_928 = arith.constant 0 : i32
      %dma_start3A_929 = tpu.memref_slice %arg6[%rem3A_798, %dma_start3A_923, %dma_start3A_927, %dma_start3A_928] : memref<2x32x512x128xf32, #tpu.memory_space<vmem>> -> memref<1x1x512x128xf32, #tpu.memory_space<vmem>>
      %dma_start3A_930 = tpu.memref_squeeze %dma_start3A_929 : memref<1x1x512x128xf32, #tpu.memory_space<vmem>> -> memref<512x128xf32, #tpu.memory_space<vmem>>
      %dma_start3A_931 = arith.constant 0 : i32
      %dma_start3A_932 = tpu.memref_slice %arg4[%mul3A_810, %dma_start3A_922, %dma_start3A_931] : memref<4096x64x128xf32, #tpu.memory_space<any>> -> memref<512x1x128xf32, #tpu.memory_space<any>>
      %dma_start3A_933 = tpu.memref_squeeze %dma_start3A_932 : memref<512x1x128xf32, #tpu.memory_space<any>> -> memref<512x128xf32, #tpu.memory_space<any>>
      tpu.enqueue_dma source(%dma_start3A_933 : memref<512x128xf32, #tpu.memory_space<any>>) target(%dma_start3A_930 : memref<512x128xf32, #tpu.memory_space<vmem>>) target_semaphore(%dma_start3A_926 : memref<!tpu.dma_semaphore, #tpu.memory_space<semaphore_mem>>)
      %dma_start3A_934 = arith.constant 12 : i32
      %dma_start3A_935 = arith.constant 6 : i32
      %dma_start3A_936 = arith.constant 6 : i32
      %dma_start3A_937 = tpu.memref_slice %arg9[%rem3A_798, %dma_start3A_936] : memref<2x32x!tpu.dma_semaphore, #tpu.memory_space<semaphore_mem>> -> memref<1x1x!tpu.dma_semaphore, #tpu.memory_space<semaphore_mem>>
      %dma_start3A_938 = tpu.memref_squeeze %dma_start3A_937 : memref<1x1x!tpu.dma_semaphore, #tpu.memory_space<semaphore_mem>> -> memref<!tpu.dma_semaphore, #tpu.memory_space<semaphore_mem>>
      %dma_start3A_939 = arith.constant 0 : i32
      %dma_start3A_940 = arith.constant 0 : i32
      %dma_start3A_941 = tpu.memref_slice %arg6[%rem3A_798, %dma_start3A_935, %dma_start3A_939, %dma_start3A_940] : memref<2x32x512x128xf32, #tpu.memory_space<vmem>> -> memref<1x1x512x128xf32, #tpu.memory_space<vmem>>
      %dma_start3A_942 = tpu.memref_squeeze %dma_start3A_941 : memref<1x1x512x128xf32, #tpu.memory_space<vmem>> -> memref<512x128xf32, #tpu.memory_space<vmem>>
      %dma_start3A_943 = arith.constant 0 : i32
      %dma_start3A_944 = tpu.memref_slice %arg4[%mul3A_812, %dma_start3A_934, %dma_start3A_943] : memref<4096x64x128xf32, #tpu.memory_space<any>> -> memref<512x1x128xf32, #tpu.memory_space<any>>
      %dma_start3A_945 = tpu.memref_squeeze %dma_start3A_944 : memref<512x1x128xf32, #tpu.memory_space<any>> -> memref<512x128xf32, #tpu.memory_space<any>>
      tpu.enqueue_dma source(%dma_start3A_945 : memref<512x128xf32, #tpu.memory_space<any>>) target(%dma_start3A_942 : memref<512x128xf32, #tpu.memory_space<vmem>>) target_semaphore(%dma_start3A_938 : memref<!tpu.dma_semaphore, #tpu.memory_space<semaphore_mem>>)
      %dma_start3A_946 = arith.constant 14 : i32
      %dma_start3A_947 = arith.constant 7 : i32
      %dma_start3A_948 = arith.constant 7 : i32
      %dma_start3A_949 = tpu.memref_slice %arg9[%rem3A_798, %dma_start3A_948] : memref<2x32x!tpu.dma_semaphore, #tpu.memory_space<semaphore_mem>> -> memref<1x1x!tpu.dma_semaphore, #tpu.memory_space<semaphore_mem>>
      %dma_start3A_950 = tpu.memref_squeeze %dma_start3A_949 : memref<1x1x!tpu.dma_semaphore, #tpu.memory_space<semaphore_mem>> -> memref<!tpu.dma_semaphore, #tpu.memory_space<semaphore_mem>>
      %dma_start3A_951 = arith.constant 0 : i32
      %dma_start3A_952 = arith.constant 0 : i32
      %dma_start3A_953 = tpu.memref_slice %arg6[%rem3A_798, %dma_start3A_947, %dma_start3A_951, %dma_start3A_952] : memref<2x32x512x128xf32, #tpu.memory_space<vmem>> -> memref<1x1x512x128xf32, #tpu.memory_space<vmem>>
      %dma_start3A_954 = tpu.memref_squeeze %dma_start3A_953 : memref<1x1x512x128xf32, #tpu.memory_space<vmem>> -> memref<512x128xf32, #tpu.memory_space<vmem>>
      %dma_start3A_955 = arith.constant 0 : i32
      %dma_start3A_956 = tpu.memref_slice %arg4[%mul3A_814, %dma_start3A_946, %dma_start3A_955] : memref<4096x64x128xf32, #tpu.memory_space<any>> -> memref<512x1x128xf32, #tpu.memory_space<any>>
      %dma_start3A_957 = tpu.memref_squeeze %dma_start3A_956 : memref<512x1x128xf32, #tpu.memory_space<any>> -> memref<512x128xf32, #tpu.memory_space<any>>
      tpu.enqueue_dma source(%dma_start3A_957 : memref<512x128xf32, #tpu.memory_space<any>>) target(%dma_start3A_954 : memref<512x128xf32, #tpu.memory_space<vmem>>) target_semaphore(%dma_start3A_950 : memref<!tpu.dma_semaphore, #tpu.memory_space<semaphore_mem>>)
      %dma_start3A_958 = arith.constant 16 : i32
      %dma_start3A_959 = arith.constant 8 : i32
      %dma_start3A_960 = arith.constant 8 : i32
      %dma_start3A_961 = tpu.memref_slice %arg9[%rem3A_798, %dma_start3A_960] : memref<2x32x!tpu.dma_semaphore, #tpu.memory_space<semaphore_mem>> -> memref<1x1x!tpu.dma_semaphore, #tpu.memory_space<semaphore_mem>>
      %dma_start3A_962 = tpu.memref_squeeze %dma_start3A_961 : memref<1x1x!tpu.dma_semaphore, #tpu.memory_space<semaphore_mem>> -> memref<!tpu.dma_semaphore, #tpu.memory_space<semaphore_mem>>
      %dma_start3A_963 = arith.constant 0 : i32
      %dma_start3A_964 = arith.constant 0 : i32
      %dma_start3A_965 = tpu.memref_slice %arg6[%rem3A_798, %dma_start3A_959, %dma_start3A_963, %dma_start3A_964] : memref<2x32x512x128xf32, #tpu.memory_space<vmem>> -> memref<1x1x512x128xf32, #tpu.memory_space<vmem>>
      %dma_start3A_966 = tpu.memref_squeeze %dma_start3A_965 : memref<1x1x512x128xf32, #tpu.memory_space<vmem>> -> memref<512x128xf32, #tpu.memory_space<vmem>>
      %dma_start3A_967 = arith.constant 0 : i32
      %dma_start3A_968 = tpu.memref_slice %arg4[%mul3A_816, %dma_start3A_958, %dma_start3A_967] : memref<4096x64x128xf32, #tpu.memory_space<any>> -> memref<512x1x128xf32, #tpu.memory_space<any>>
      %dma_start3A_969 = tpu.memref_squeeze %dma_start3A_968 : memref<512x1x128xf32, #tpu.memory_space<any>> -> memref<512x128xf32, #tpu.memory_space<any>>
      tpu.enqueue_dma source(%dma_start3A_969 : memref<512x128xf32, #tpu.memory_space<any>>) target(%dma_start3A_966 : memref<512x128xf32, #tpu.memory_space<vmem>>) target_semaphore(%dma_start3A_962 : memref<!tpu.dma_semaphore, #tpu.memory_space<semaphore_mem>>)
      %dma_start3A_970 = arith.constant 18 : i32
      %dma_start3A_971 = arith.constant 9 : i32
      %dma_start3A_972 = arith.constant 9 : i32
      %dma_start3A_973 = tpu.memref_slice %arg9[%rem3A_798, %dma_start3A_972] : memref<2x32x!tpu.dma_semaphore, #tpu.memory_space<semaphore_mem>> -> memref<1x1x!tpu.dma_semaphore, #tpu.memory_space<semaphore_mem>>
      %dma_start3A_974 = tpu.memref_squeeze %dma_start3A_973 : memref<1x1x!tpu.dma_semaphore, #tpu.memory_space<semaphore_mem>> -> memref<!tpu.dma_semaphore, #tpu.memory_space<semaphore_mem>>
      %dma_start3A_975 = arith.constant 0 : i32
      %dma_start3A_976 = arith.constant 0 : i32
      %dma_start3A_977 = tpu.memref_slice %arg6[%rem3A_798, %dma_start3A_971, %dma_start3A_975, %dma_start3A_976] : memref<2x32x512x128xf32, #tpu.memory_space<vmem>> -> memref<1x1x512x128xf32, #tpu.memory_space<vmem>>
      %dma_start3A_978 = tpu.memref_squeeze %dma_start3A_977 : memref<1x1x512x128xf32, #tpu.memory_space<vmem>> -> memref<512x128xf32, #tpu.memory_space<vmem>>
      %dma_start3A_979 = arith.constant 0 : i32
      %dma_start3A_980 = tpu.memref_slice %arg4[%mul3A_818, %dma_start3A_970, %dma_start3A_979] : memref<4096x64x128xf32, #tpu.memory_space<any>> -> memref<512x1x128xf32, #tpu.memory_space<any>>
      %dma_start3A_981 = tpu.memref_squeeze %dma_start3A_980 : memref<512x1x128xf32, #tpu.memory_space<any>> -> memref<512x128xf32, #tpu.memory_space<any>>
      tpu.enqueue_dma source(%dma_start3A_981 : memref<512x128xf32, #tpu.memory_space<any>>) target(%dma_start3A_978 : memref<512x128xf32, #tpu.memory_space<vmem>>) target_semaphore(%dma_start3A_974 : memref<!tpu.dma_semaphore, #tpu.memory_space<semaphore_mem>>)
      %dma_start3A_982 = arith.constant 20 : i32
      %dma_start3A_983 = arith.constant 10 : i32
      %dma_start3A_984 = arith.constant 10 : i32
      %dma_start3A_985 = tpu.memref_slice %arg9[%rem3A_798, %dma_start3A_984] : memref<2x32x!tpu.dma_semaphore, #tpu.memory_space<semaphore_mem>> -> memref<1x1x!tpu.dma_semaphore, #tpu.memory_space<semaphore_mem>>
      %dma_start3A_986 = tpu.memref_squeeze %dma_start3A_985 : memref<1x1x!tpu.dma_semaphore, #tpu.memory_space<semaphore_mem>> -> memref<!tpu.dma_semaphore, #tpu.memory_space<semaphore_mem>>
      %dma_start3A_987 = arith.constant 0 : i32
      %dma_start3A_988 = arith.constant 0 : i32
      %dma_start3A_989 = tpu.memref_slice %arg6[%rem3A_798, %dma_start3A_983, %dma_start3A_987, %dma_start3A_988] : memref<2x32x512x128xf32, #tpu.memory_space<vmem>> -> memref<1x1x512x128xf32, #tpu.memory_space<vmem>>
      %dma_start3A_990 = tpu.memref_squeeze %dma_start3A_989 : memref<1x1x512x128xf32, #tpu.memory_space<vmem>> -> memref<512x128xf32, #tpu.memory_space<vmem>>
      %dma_start3A_991 = arith.constant 0 : i32
      %dma_start3A_992 = tpu.memref_slice %arg4[%mul3A_820, %dma_start3A_982, %dma_start3A_991] : memref<4096x64x128xf32, #tpu.memory_space<any>> -> memref<512x1x128xf32, #tpu.memory_space<any>>
      %dma_start3A_993 = tpu.memref_squeeze %dma_start3A_992 : memref<512x1x128xf32, #tpu.memory_space<any>> -> memref<512x128xf32, #tpu.memory_space<any>>
      tpu.enqueue_dma source(%dma_start3A_993 : memref<512x128xf32, #tpu.memory_space<any>>) target(%dma_start3A_990 : memref<512x128xf32, #tpu.memory_space<vmem>>) target_semaphore(%dma_start3A_986 : memref<!tpu.dma_semaphore, #tpu.memory_space<semaphore_mem>>)
      %dma_start3A_994 = arith.constant 22 : i32
      %dma_start3A_995 = arith.constant 11 : i32
      %dma_start3A_996 = arith.constant 11 : i32
      %dma_start3A_997 = tpu.memref_slice %arg9[%rem3A_798, %dma_start3A_996] : memref<2x32x!tpu.dma_semaphore, #tpu.memory_space<semaphore_mem>> -> memref<1x1x!tpu.dma_semaphore, #tpu.memory_space<semaphore_mem>>
      %dma_start3A_998 = tpu.memref_squeeze %dma_start3A_997 : memref<1x1x!tpu.dma_semaphore, #tpu.memory_space<semaphore_mem>> -> memref<!tpu.dma_semaphore, #tpu.memory_space<semaphore_mem>>
      %dma_start3A_999 = arith.constant 0 : i32
      %dma_start3A_1000 = arith.constant 0 : i32
      %dma_start3A_1001 = tpu.memref_slice %arg6[%rem3A_798, %dma_start3A_995, %dma_start3A_999, %dma_start3A_1000] : memref<2x32x512x128xf32, #tpu.memory_space<vmem>> -> memref<1x1x512x128xf32, #tpu.memory_space<vmem>>
      %dma_start3A_1002 = tpu.memref_squeeze %dma_start3A_1001 : memref<1x1x512x128xf32, #tpu.memory_space<vmem>> -> memref<512x128xf32, #tpu.memory_space<vmem>>
      %dma_start3A_1003 = arith.constant 0 : i32
      %dma_start3A_1004 = tpu.memref_slice %arg4[%mul3A_822, %dma_start3A_994, %dma_start3A_1003] : memref<4096x64x128xf32, #tpu.memory_space<any>> -> memref<512x1x128xf32, #tpu.memory_space<any>>
      %dma_start3A_1005 = tpu.memref_squeeze %dma_start3A_1004 : memref<512x1x128xf32, #tpu.memory_space<any>> -> memref<512x128xf32, #tpu.memory_space<any>>
      tpu.enqueue_dma source(%dma_start3A_1005 : memref<512x128xf32, #tpu.memory_space<any>>) target(%dma_start3A_1002 : memref<512x128xf32, #tpu.memory_space<vmem>>) target_semaphore(%dma_start3A_998 : memref<!tpu.dma_semaphore, #tpu.memory_space<semaphore_mem>>)
      %dma_start3A_1006 = arith.constant 24 : i32
      %dma_start3A_1007 = arith.constant 12 : i32
      %dma_start3A_1008 = arith.constant 12 : i32
      %dma_start3A_1009 = tpu.memref_slice %arg9[%rem3A_798, %dma_start3A_1008] : memref<2x32x!tpu.dma_semaphore, #tpu.memory_space<semaphore_mem>> -> memref<1x1x!tpu.dma_semaphore, #tpu.memory_space<semaphore_mem>>
      %dma_start3A_1010 = tpu.memref_squeeze %dma_start3A_1009 : memref<1x1x!tpu.dma_semaphore, #tpu.memory_space<semaphore_mem>> -> memref<!tpu.dma_semaphore, #tpu.memory_space<semaphore_mem>>
      %dma_start3A_1011 = arith.constant 0 : i32
      %dma_start3A_1012 = arith.constant 0 : i32
      %dma_start3A_1013 = tpu.memref_slice %arg6[%rem3A_798, %dma_start3A_1007, %dma_start3A_1011, %dma_start3A_1012] : memref<2x32x512x128xf32, #tpu.memory_space<vmem>> -> memref<1x1x512x128xf32, #tpu.memory_space<vmem>>
      %dma_start3A_1014 = tpu.memref_squeeze %dma_start3A_1013 : memref<1x1x512x128xf32, #tpu.memory_space<vmem>> -> memref<512x128xf32, #tpu.memory_space<vmem>>
      %dma_start3A_1015 = arith.constant 0 : i32
      %dma_start3A_1016 = tpu.memref_slice %arg4[%mul3A_824, %dma_start3A_1006, %dma_start3A_1015] : memref<4096x64x128xf32, #tpu.memory_space<any>> -> memref<512x1x128xf32, #tpu.memory_space<any>>
      %dma_start3A_1017 = tpu.memref_squeeze %dma_start3A_1016 : memref<512x1x128xf32, #tpu.memory_space<any>> -> memref<512x128xf32, #tpu.memory_space<any>>
      tpu.enqueue_dma source(%dma_start3A_1017 : memref<512x128xf32, #tpu.memory_space<any>>) target(%dma_start3A_1014 : memref<512x128xf32, #tpu.memory_space<vmem>>) target_semaphore(%dma_start3A_1010 : memref<!tpu.dma_semaphore, #tpu.memory_space<semaphore_mem>>)
      %dma_start3A_1018 = arith.constant 26 : i32
      %dma_start3A_1019 = arith.constant 13 : i32
      %dma_start3A_1020 = arith.constant 13 : i32
      %dma_start3A_1021 = tpu.memref_slice %arg9[%rem3A_798, %dma_start3A_1020] : memref<2x32x!tpu.dma_semaphore, #tpu.memory_space<semaphore_mem>> -> memref<1x1x!tpu.dma_semaphore, #tpu.memory_space<semaphore_mem>>
      %dma_start3A_1022 = tpu.memref_squeeze %dma_start3A_1021 : memref<1x1x!tpu.dma_semaphore, #tpu.memory_space<semaphore_mem>> -> memref<!tpu.dma_semaphore, #tpu.memory_space<semaphore_mem>>
      %dma_start3A_1023 = arith.constant 0 : i32
      %dma_start3A_1024 = arith.constant 0 : i32
      %dma_start3A_1025 = tpu.memref_slice %arg6[%rem3A_798, %dma_start3A_1019, %dma_start3A_1023, %dma_start3A_1024] : memref<2x32x512x128xf32, #tpu.memory_space<vmem>> -> memref<1x1x512x128xf32, #tpu.memory_space<vmem>>
      %dma_start3A_1026 = tpu.memref_squeeze %dma_start3A_1025 : memref<1x1x512x128xf32, #tpu.memory_space<vmem>> -> memref<512x128xf32, #tpu.memory_space<vmem>>
      %dma_start3A_1027 = arith.constant 0 : i32
      %dma_start3A_1028 = tpu.memref_slice %arg4[%mul3A_826, %dma_start3A_1018, %dma_start3A_1027] : memref<4096x64x128xf32, #tpu.memory_space<any>> -> memref<512x1x128xf32, #tpu.memory_space<any>>
      %dma_start3A_1029 = tpu.memref_squeeze %dma_start3A_1028 : memref<512x1x128xf32, #tpu.memory_space<any>> -> memref<512x128xf32, #tpu.memory_space<any>>
      tpu.enqueue_dma source(%dma_start3A_1029 : memref<512x128xf32, #tpu.memory_space<any>>) target(%dma_start3A_1026 : memref<512x128xf32, #tpu.memory_space<vmem>>) target_semaphore(%dma_start3A_1022 : memref<!tpu.dma_semaphore, #tpu.memory_space<semaphore_mem>>)
      %dma_start3A_1030 = arith.constant 28 : i32
      %dma_start3A_1031 = arith.constant 14 : i32
      %dma_start3A_1032 = arith.constant 14 : i32
      %dma_start3A_1033 = tpu.memref_slice %arg9[%rem3A_798, %dma_start3A_1032] : memref<2x32x!tpu.dma_semaphore, #tpu.memory_space<semaphore_mem>> -> memref<1x1x!tpu.dma_semaphore, #tpu.memory_space<semaphore_mem>>
      %dma_start3A_1034 = tpu.memref_squeeze %dma_start3A_1033 : memref<1x1x!tpu.dma_semaphore, #tpu.memory_space<semaphore_mem>> -> memref<!tpu.dma_semaphore, #tpu.memory_space<semaphore_mem>>
      %dma_start3A_1035 = arith.constant 0 : i32
      %dma_start3A_1036 = arith.constant 0 : i32
      %dma_start3A_1037 = tpu.memref_slice %arg6[%rem3A_798, %dma_start3A_1031, %dma_start3A_1035, %dma_start3A_1036] : memref<2x32x512x128xf32, #tpu.memory_space<vmem>> -> memref<1x1x512x128xf32, #tpu.memory_space<vmem>>
      %dma_start3A_1038 = tpu.memref_squeeze %dma_start3A_1037 : memref<1x1x512x128xf32, #tpu.memory_space<vmem>> -> memref<512x128xf32, #tpu.memory_space<vmem>>
      %dma_start3A_1039 = arith.constant 0 : i32
      %dma_start3A_1040 = tpu.memref_slice %arg4[%mul3A_828, %dma_start3A_1030, %dma_start3A_1039] : memref<4096x64x128xf32, #tpu.memory_space<any>> -> memref<512x1x128xf32, #tpu.memory_space<any>>
      %dma_start3A_1041 = tpu.memref_squeeze %dma_start3A_1040 : memref<512x1x128xf32, #tpu.memory_space<any>> -> memref<512x128xf32, #tpu.memory_space<any>>
      tpu.enqueue_dma source(%dma_start3A_1041 : memref<512x128xf32, #tpu.memory_space<any>>) target(%dma_start3A_1038 : memref<512x128xf32, #tpu.memory_space<vmem>>) target_semaphore(%dma_start3A_1034 : memref<!tpu.dma_semaphore, #tpu.memory_space<semaphore_mem>>)
      %dma_start3A_1042 = arith.constant 30 : i32
      %dma_start3A_1043 = arith.constant 15 : i32
      %dma_start3A_1044 = arith.constant 15 : i32
      %dma_start3A_1045 = tpu.memref_slice %arg9[%rem3A_798, %dma_start3A_1044] : memref<2x32x!tpu.dma_semaphore, #tpu.memory_space<semaphore_mem>> -> memref<1x1x!tpu.dma_semaphore, #tpu.memory_space<semaphore_mem>>
      %dma_start3A_1046 = tpu.memref_squeeze %dma_start3A_1045 : memref<1x1x!tpu.dma_semaphore, #tpu.memory_space<semaphore_mem>> -> memref<!tpu.dma_semaphore, #tpu.memory_space<semaphore_mem>>
      %dma_start3A_1047 = arith.constant 0 : i32
      %dma_start3A_1048 = arith.constant 0 : i32
      %dma_start3A_1049 = tpu.memref_slice %arg6[%rem3A_798, %dma_start3A_1043, %dma_start3A_1047, %dma_start3A_1048] : memref<2x32x512x128xf32, #tpu.memory_space<vmem>> -> memref<1x1x512x128xf32, #tpu.memory_space<vmem>>
      %dma_start3A_1050 = tpu.memref_squeeze %dma_start3A_1049 : memref<1x1x512x128xf32, #tpu.memory_space<vmem>> -> memref<512x128xf32, #tpu.memory_space<vmem>>
      %dma_start3A_1051 = arith.constant 0 : i32
      %dma_start3A_1052 = tpu.memref_slice %arg4[%mul3A_830, %dma_start3A_1042, %dma_start3A_1051] : memref<4096x64x128xf32, #tpu.memory_space<any>> -> memref<512x1x128xf32, #tpu.memory_space<any>>
      %dma_start3A_1053 = tpu.memref_squeeze %dma_start3A_1052 : memref<512x1x128xf32, #tpu.memory_space<any>> -> memref<512x128xf32, #tpu.memory_space<any>>
      tpu.enqueue_dma source(%dma_start3A_1053 : memref<512x128xf32, #tpu.memory_space<any>>) target(%dma_start3A_1050 : memref<512x128xf32, #tpu.memory_space<vmem>>) target_semaphore(%dma_start3A_1046 : memref<!tpu.dma_semaphore, #tpu.memory_space<semaphore_mem>>)
      %dma_start3A_1054 = arith.constant 32 : i32
      %dma_start3A_1055 = arith.constant 16 : i32
      %dma_start3A_1056 = arith.constant 16 : i32
      %dma_start3A_1057 = tpu.memref_slice %arg9[%rem3A_798, %dma_start3A_1056] : memref<2x32x!tpu.dma_semaphore, #tpu.memory_space<semaphore_mem>> -> memref<1x1x!tpu.dma_semaphore, #tpu.memory_space<semaphore_mem>>
      %dma_start3A_1058 = tpu.memref_squeeze %dma_start3A_1057 : memref<1x1x!tpu.dma_semaphore, #tpu.memory_space<semaphore_mem>> -> memref<!tpu.dma_semaphore, #tpu.memory_space<semaphore_mem>>
      %dma_start3A_1059 = arith.constant 0 : i32
      %dma_start3A_1060 = arith.constant 0 : i32
      %dma_start3A_1061 = tpu.memref_slice %arg6[%rem3A_798, %dma_start3A_1055, %dma_start3A_1059, %dma_start3A_1060] : memref<2x32x512x128xf32, #tpu.memory_space<vmem>> -> memref<1x1x512x128xf32, #tpu.memory_space<vmem>>
      %dma_start3A_1062 = tpu.memref_squeeze %dma_start3A_1061 : memref<1x1x512x128xf32, #tpu.memory_space<vmem>> -> memref<512x128xf32, #tpu.memory_space<vmem>>
      %dma_start3A_1063 = arith.constant 0 : i32
      %dma_start3A_1064 = tpu.memref_slice %arg4[%mul3A_832, %dma_start3A_1054, %dma_start3A_1063] : memref<4096x64x128xf32, #tpu.memory_space<any>> -> memref<512x1x128xf32, #tpu.memory_space<any>>
      %dma_start3A_1065 = tpu.memref_squeeze %dma_start3A_1064 : memref<512x1x128xf32, #tpu.memory_space<any>> -> memref<512x128xf32, #tpu.memory_space<any>>
      tpu.enqueue_dma source(%dma_start3A_1065 : memref<512x128xf32, #tpu.memory_space<any>>) target(%dma_start3A_1062 : memref<512x128xf32, #tpu.memory_space<vmem>>) target_semaphore(%dma_start3A_1058 : memref<!tpu.dma_semaphore, #tpu.memory_space<semaphore_mem>>)
      %dma_start3A_1066 = arith.constant 34 : i32
      %dma_start3A_1067 = arith.constant 17 : i32
      %dma_start3A_1068 = arith.constant 17 : i32
      %dma_start3A_1069 = tpu.memref_slice %arg9[%rem3A_798, %dma_start3A_1068] : memref<2x32x!tpu.dma_semaphore, #tpu.memory_space<semaphore_mem>> -> memref<1x1x!tpu.dma_semaphore, #tpu.memory_space<semaphore_mem>>
      %dma_start3A_1070 = tpu.memref_squeeze %dma_start3A_1069 : memref<1x1x!tpu.dma_semaphore, #tpu.memory_space<semaphore_mem>> -> memref<!tpu.dma_semaphore, #tpu.memory_space<semaphore_mem>>
      %dma_start3A_1071 = arith.constant 0 : i32
      %dma_start3A_1072 = arith.constant 0 : i32
      %dma_start3A_1073 = tpu.memref_slice %arg6[%rem3A_798, %dma_start3A_1067, %dma_start3A_1071, %dma_start3A_1072] : memref<2x32x512x128xf32, #tpu.memory_space<vmem>> -> memref<1x1x512x128xf32, #tpu.memory_space<vmem>>
      %dma_start3A_1074 = tpu.memref_squeeze %dma_start3A_1073 : memref<1x1x512x128xf32, #tpu.memory_space<vmem>> -> memref<512x128xf32, #tpu.memory_space<vmem>>
      %dma_start3A_1075 = arith.constant 0 : i32
      %dma_start3A_1076 = tpu.memref_slice %arg4[%mul3A_834, %dma_start3A_1066, %dma_start3A_1075] : memref<4096x64x128xf32, #tpu.memory_space<any>> -> memref<512x1x128xf32, #tpu.memory_space<any>>
      %dma_start3A_1077 = tpu.memref_squeeze %dma_start3A_1076 : memref<512x1x128xf32, #tpu.memory_space<any>> -> memref<512x128xf32, #tpu.memory_space<any>>
      tpu.enqueue_dma source(%dma_start3A_1077 : memref<512x128xf32, #tpu.memory_space<any>>) target(%dma_start3A_1074 : memref<512x128xf32, #tpu.memory_space<vmem>>) target_semaphore(%dma_start3A_1070 : memref<!tpu.dma_semaphore, #tpu.memory_space<semaphore_mem>>)
      %dma_start3A_1078 = arith.constant 36 : i32
      %dma_start3A_1079 = arith.constant 18 : i32
      %dma_start3A_1080 = arith.constant 18 : i32
      %dma_start3A_1081 = tpu.memref_slice %arg9[%rem3A_798, %dma_start3A_1080] : memref<2x32x!tpu.dma_semaphore, #tpu.memory_space<semaphore_mem>> -> memref<1x1x!tpu.dma_semaphore, #tpu.memory_space<semaphore_mem>>
      %dma_start3A_1082 = tpu.memref_squeeze %dma_start3A_1081 : memref<1x1x!tpu.dma_semaphore, #tpu.memory_space<semaphore_mem>> -> memref<!tpu.dma_semaphore, #tpu.memory_space<semaphore_mem>>
      %dma_start3A_1083 = arith.constant 0 : i32
      %dma_start3A_1084 = arith.constant 0 : i32
      %dma_start3A_1085 = tpu.memref_slice %arg6[%rem3A_798, %dma_start3A_1079, %dma_start3A_1083, %dma_start3A_1084] : memref<2x32x512x128xf32, #tpu.memory_space<vmem>> -> memref<1x1x512x128xf32, #tpu.memory_space<vmem>>
      %dma_start3A_1086 = tpu.memref_squeeze %dma_start3A_1085 : memref<1x1x512x128xf32, #tpu.memory_space<vmem>> -> memref<512x128xf32, #tpu.memory_space<vmem>>
      %dma_start3A_1087 = arith.constant 0 : i32
      %dma_start3A_1088 = tpu.memref_slice %arg4[%mul3A_836, %dma_start3A_1078, %dma_start3A_1087] : memref<4096x64x128xf32, #tpu.memory_space<any>> -> memref<512x1x128xf32, #tpu.memory_space<any>>
      %dma_start3A_1089 = tpu.memref_squeeze %dma_start3A_1088 : memref<512x1x128xf32, #tpu.memory_space<any>> -> memref<512x128xf32, #tpu.memory_space<any>>
      tpu.enqueue_dma source(%dma_start3A_1089 : memref<512x128xf32, #tpu.memory_space<any>>) target(%dma_start3A_1086 : memref<512x128xf32, #tpu.memory_space<vmem>>) target_semaphore(%dma_start3A_1082 : memref<!tpu.dma_semaphore, #tpu.memory_space<semaphore_mem>>)
      %dma_start3A_1090 = arith.constant 38 : i32
      %dma_start3A_1091 = arith.constant 19 : i32
      %dma_start3A_1092 = arith.constant 19 : i32
      %dma_start3A_1093 = tpu.memref_slice %arg9[%rem3A_798, %dma_start3A_1092] : memref<2x32x!tpu.dma_semaphore, #tpu.memory_space<semaphore_mem>> -> memref<1x1x!tpu.dma_semaphore, #tpu.memory_space<semaphore_mem>>
      %dma_start3A_1094 = tpu.memref_squeeze %dma_start3A_1093 : memref<1x1x!tpu.dma_semaphore, #tpu.memory_space<semaphore_mem>> -> memref<!tpu.dma_semaphore, #tpu.memory_space<semaphore_mem>>
      %dma_start3A_1095 = arith.constant 0 : i32
      %dma_start3A_1096 = arith.constant 0 : i32
      %dma_start3A_1097 = tpu.memref_slice %arg6[%rem3A_798, %dma_start3A_1091, %dma_start3A_1095, %dma_start3A_1096] : memref<2x32x512x128xf32, #tpu.memory_space<vmem>> -> memref<1x1x512x128xf32, #tpu.memory_space<vmem>>
      %dma_start3A_1098 = tpu.memref_squeeze %dma_start3A_1097 : memref<1x1x512x128xf32, #tpu.memory_space<vmem>> -> memref<512x128xf32, #tpu.memory_space<vmem>>
      %dma_start3A_1099 = arith.constant 0 : i32
      %dma_start3A_1100 = tpu.memref_slice %arg4[%mul3A_838, %dma_start3A_1090, %dma_start3A_1099] : memref<4096x64x128xf32, #tpu.memory_space<any>> -> memref<512x1x128xf32, #tpu.memory_space<any>>
      %dma_start3A_1101 = tpu.memref_squeeze %dma_start3A_1100 : memref<512x1x128xf32, #tpu.memory_space<any>> -> memref<512x128xf32, #tpu.memory_space<any>>
      tpu.enqueue_dma source(%dma_start3A_1101 : memref<512x128xf32, #tpu.memory_space<any>>) target(%dma_start3A_1098 : memref<512x128xf32, #tpu.memory_space<vmem>>) target_semaphore(%dma_start3A_1094 : memref<!tpu.dma_semaphore, #tpu.memory_space<semaphore_mem>>)
      %dma_start3A_1102 = arith.constant 40 : i32
      %dma_start3A_1103 = arith.constant 20 : i32
      %dma_start3A_1104 = arith.constant 20 : i32
      %dma_start3A_1105 = tpu.memref_slice %arg9[%rem3A_798, %dma_start3A_1104] : memref<2x32x!tpu.dma_semaphore, #tpu.memory_space<semaphore_mem>> -> memref<1x1x!tpu.dma_semaphore, #tpu.memory_space<semaphore_mem>>
      %dma_start3A_1106 = tpu.memref_squeeze %dma_start3A_1105 : memref<1x1x!tpu.dma_semaphore, #tpu.memory_space<semaphore_mem>> -> memref<!tpu.dma_semaphore, #tpu.memory_space<semaphore_mem>>
      %dma_start3A_1107 = arith.constant 0 : i32
      %dma_start3A_1108 = arith.constant 0 : i32
      %dma_start3A_1109 = tpu.memref_slice %arg6[%rem3A_798, %dma_start3A_1103, %dma_start3A_1107, %dma_start3A_1108] : memref<2x32x512x128xf32, #tpu.memory_space<vmem>> -> memref<1x1x512x128xf32, #tpu.memory_space<vmem>>
      %dma_start3A_1110 = tpu.memref_squeeze %dma_start3A_1109 : memref<1x1x512x128xf32, #tpu.memory_space<vmem>> -> memref<512x128xf32, #tpu.memory_space<vmem>>
      %dma_start3A_1111 = arith.constant 0 : i32
      %dma_start3A_1112 = tpu.memref_slice %arg4[%mul3A_840, %dma_start3A_1102, %dma_start3A_1111] : memref<4096x64x128xf32, #tpu.memory_space<any>> -> memref<512x1x128xf32, #tpu.memory_space<any>>
      %dma_start3A_1113 = tpu.memref_squeeze %dma_start3A_1112 : memref<512x1x128xf32, #tpu.memory_space<any>> -> memref<512x128xf32, #tpu.memory_space<any>>
      tpu.enqueue_dma source(%dma_start3A_1113 : memref<512x128xf32, #tpu.memory_space<any>>) target(%dma_start3A_1110 : memref<512x128xf32, #tpu.memory_space<vmem>>) target_semaphore(%dma_start3A_1106 : memref<!tpu.dma_semaphore, #tpu.memory_space<semaphore_mem>>)
      %dma_start3A_1114 = arith.constant 42 : i32
      %dma_start3A_1115 = arith.constant 21 : i32
      %dma_start3A_1116 = arith.constant 21 : i32
      %dma_start3A_1117 = tpu.memref_slice %arg9[%rem3A_798, %dma_start3A_1116] : memref<2x32x!tpu.dma_semaphore, #tpu.memory_space<semaphore_mem>> -> memref<1x1x!tpu.dma_semaphore, #tpu.memory_space<semaphore_mem>>
      %dma_start3A_1118 = tpu.memref_squeeze %dma_start3A_1117 : memref<1x1x!tpu.dma_semaphore, #tpu.memory_space<semaphore_mem>> -> memref<!tpu.dma_semaphore, #tpu.memory_space<semaphore_mem>>
      %dma_start3A_1119 = arith.constant 0 : i32
      %dma_start3A_1120 = arith.constant 0 : i32
      %dma_start3A_1121 = tpu.memref_slice %arg6[%rem3A_798, %dma_start3A_1115, %dma_start3A_1119, %dma_start3A_1120] : memref<2x32x512x128xf32, #tpu.memory_space<vmem>> -> memref<1x1x512x128xf32, #tpu.memory_space<vmem>>
      %dma_start3A_1122 = tpu.memref_squeeze %dma_start3A_1121 : memref<1x1x512x128xf32, #tpu.memory_space<vmem>> -> memref<512x128xf32, #tpu.memory_space<vmem>>
      %dma_start3A_1123 = arith.constant 0 : i32
      %dma_start3A_1124 = tpu.memref_slice %arg4[%mul3A_842, %dma_start3A_1114, %dma_start3A_1123] : memref<4096x64x128xf32, #tpu.memory_space<any>> -> memref<512x1x128xf32, #tpu.memory_space<any>>
      %dma_start3A_1125 = tpu.memref_squeeze %dma_start3A_1124 : memref<512x1x128xf32, #tpu.memory_space<any>> -> memref<512x128xf32, #tpu.memory_space<any>>
      tpu.enqueue_dma source(%dma_start3A_1125 : memref<512x128xf32, #tpu.memory_space<any>>) target(%dma_start3A_1122 : memref<512x128xf32, #tpu.memory_space<vmem>>) target_semaphore(%dma_start3A_1118 : memref<!tpu.dma_semaphore, #tpu.memory_space<semaphore_mem>>)
      %dma_start3A_1126 = arith.constant 44 : i32
      %dma_start3A_1127 = arith.constant 22 : i32
      %dma_start3A_1128 = arith.constant 22 : i32
      %dma_start3A_1129 = tpu.memref_slice %arg9[%rem3A_798, %dma_start3A_1128] : memref<2x32x!tpu.dma_semaphore, #tpu.memory_space<semaphore_mem>> -> memref<1x1x!tpu.dma_semaphore, #tpu.memory_space<semaphore_mem>>
      %dma_start3A_1130 = tpu.memref_squeeze %dma_start3A_1129 : memref<1x1x!tpu.dma_semaphore, #tpu.memory_space<semaphore_mem>> -> memref<!tpu.dma_semaphore, #tpu.memory_space<semaphore_mem>>
      %dma_start3A_1131 = arith.constant 0 : i32
      %dma_start3A_1132 = arith.constant 0 : i32
      %dma_start3A_1133 = tpu.memref_slice %arg6[%rem3A_798, %dma_start3A_1127, %dma_start3A_1131, %dma_start3A_1132] : memref<2x32x512x128xf32, #tpu.memory_space<vmem>> -> memref<1x1x512x128xf32, #tpu.memory_space<vmem>>
      %dma_start3A_1134 = tpu.memref_squeeze %dma_start3A_1133 : memref<1x1x512x128xf32, #tpu.memory_space<vmem>> -> memref<512x128xf32, #tpu.memory_space<vmem>>
      %dma_start3A_1135 = arith.constant 0 : i32
      %dma_start3A_1136 = tpu.memref_slice %arg4[%mul3A_844, %dma_start3A_1126, %dma_start3A_1135] : memref<4096x64x128xf32, #tpu.memory_space<any>> -> memref<512x1x128xf32, #tpu.memory_space<any>>
      %dma_start3A_1137 = tpu.memref_squeeze %dma_start3A_1136 : memref<512x1x128xf32, #tpu.memory_space<any>> -> memref<512x128xf32, #tpu.memory_space<any>>
      tpu.enqueue_dma source(%dma_start3A_1137 : memref<512x128xf32, #tpu.memory_space<any>>) target(%dma_start3A_1134 : memref<512x128xf32, #tpu.memory_space<vmem>>) target_semaphore(%dma_start3A_1130 : memref<!tpu.dma_semaphore, #tpu.memory_space<semaphore_mem>>)
      %dma_start3A_1138 = arith.constant 46 : i32
      %dma_start3A_1139 = arith.constant 23 : i32
      %dma_start3A_1140 = arith.constant 23 : i32
      %dma_start3A_1141 = tpu.memref_slice %arg9[%rem3A_798, %dma_start3A_1140] : memref<2x32x!tpu.dma_semaphore, #tpu.memory_space<semaphore_mem>> -> memref<1x1x!tpu.dma_semaphore, #tpu.memory_space<semaphore_mem>>
      %dma_start3A_1142 = tpu.memref_squeeze %dma_start3A_1141 : memref<1x1x!tpu.dma_semaphore, #tpu.memory_space<semaphore_mem>> -> memref<!tpu.dma_semaphore, #tpu.memory_space<semaphore_mem>>
      %dma_start3A_1143 = arith.constant 0 : i32
      %dma_start3A_1144 = arith.constant 0 : i32
      %dma_start3A_1145 = tpu.memref_slice %arg6[%rem3A_798, %dma_start3A_1139, %dma_start3A_1143, %dma_start3A_1144] : memref<2x32x512x128xf32, #tpu.memory_space<vmem>> -> memref<1x1x512x128xf32, #tpu.memory_space<vmem>>
      %dma_start3A_1146 = tpu.memref_squeeze %dma_start3A_1145 : memref<1x1x512x128xf32, #tpu.memory_space<vmem>> -> memref<512x128xf32, #tpu.memory_space<vmem>>
      %dma_start3A_1147 = arith.constant 0 : i32
      %dma_start3A_1148 = tpu.memref_slice %arg4[%mul3A_846, %dma_start3A_1138, %dma_start3A_1147] : memref<4096x64x128xf32, #tpu.memory_space<any>> -> memref<512x1x128xf32, #tpu.memory_space<any>>
      %dma_start3A_1149 = tpu.memref_squeeze %dma_start3A_1148 : memref<512x1x128xf32, #tpu.memory_space<any>> -> memref<512x128xf32, #tpu.memory_space<any>>
      tpu.enqueue_dma source(%dma_start3A_1149 : memref<512x128xf32, #tpu.memory_space<any>>) target(%dma_start3A_1146 : memref<512x128xf32, #tpu.memory_space<vmem>>) target_semaphore(%dma_start3A_1142 : memref<!tpu.dma_semaphore, #tpu.memory_space<semaphore_mem>>)
      %dma_start3A_1150 = arith.constant 48 : i32
      %dma_start3A_1151 = arith.constant 24 : i32
      %dma_start3A_1152 = arith.constant 24 : i32
      %dma_start3A_1153 = tpu.memref_slice %arg9[%rem3A_798, %dma_start3A_1152] : memref<2x32x!tpu.dma_semaphore, #tpu.memory_space<semaphore_mem>> -> memref<1x1x!tpu.dma_semaphore, #tpu.memory_space<semaphore_mem>>
      %dma_start3A_1154 = tpu.memref_squeeze %dma_start3A_1153 : memref<1x1x!tpu.dma_semaphore, #tpu.memory_space<semaphore_mem>> -> memref<!tpu.dma_semaphore, #tpu.memory_space<semaphore_mem>>
      %dma_start3A_1155 = arith.constant 0 : i32
      %dma_start3A_1156 = arith.constant 0 : i32
      %dma_start3A_1157 = tpu.memref_slice %arg6[%rem3A_798, %dma_start3A_1151, %dma_start3A_1155, %dma_start3A_1156] : memref<2x32x512x128xf32, #tpu.memory_space<vmem>> -> memref<1x1x512x128xf32, #tpu.memory_space<vmem>>
      %dma_start3A_1158 = tpu.memref_squeeze %dma_start3A_1157 : memref<1x1x512x128xf32, #tpu.memory_space<vmem>> -> memref<512x128xf32, #tpu.memory_space<vmem>>
      %dma_start3A_1159 = arith.constant 0 : i32
      %dma_start3A_1160 = tpu.memref_slice %arg4[%mul3A_848, %dma_start3A_1150, %dma_start3A_1159] : memref<4096x64x128xf32, #tpu.memory_space<any>> -> memref<512x1x128xf32, #tpu.memory_space<any>>
      %dma_start3A_1161 = tpu.memref_squeeze %dma_start3A_1160 : memref<512x1x128xf32, #tpu.memory_space<any>> -> memref<512x128xf32, #tpu.memory_space<any>>
      tpu.enqueue_dma source(%dma_start3A_1161 : memref<512x128xf32, #tpu.memory_space<any>>) target(%dma_start3A_1158 : memref<512x128xf32, #tpu.memory_space<vmem>>) target_semaphore(%dma_start3A_1154 : memref<!tpu.dma_semaphore, #tpu.memory_space<semaphore_mem>>)
      %dma_start3A_1162 = arith.constant 50 : i32
      %dma_start3A_1163 = arith.constant 25 : i32
      %dma_start3A_1164 = arith.constant 25 : i32
      %dma_start3A_1165 = tpu.memref_slice %arg9[%rem3A_798, %dma_start3A_1164] : memref<2x32x!tpu.dma_semaphore, #tpu.memory_space<semaphore_mem>> -> memref<1x1x!tpu.dma_semaphore, #tpu.memory_space<semaphore_mem>>
      %dma_start3A_1166 = tpu.memref_squeeze %dma_start3A_1165 : memref<1x1x!tpu.dma_semaphore, #tpu.memory_space<semaphore_mem>> -> memref<!tpu.dma_semaphore, #tpu.memory_space<semaphore_mem>>
      %dma_start3A_1167 = arith.constant 0 : i32
      %dma_start3A_1168 = arith.constant 0 : i32
      %dma_start3A_1169 = tpu.memref_slice %arg6[%rem3A_798, %dma_start3A_1163, %dma_start3A_1167, %dma_start3A_1168] : memref<2x32x512x128xf32, #tpu.memory_space<vmem>> -> memref<1x1x512x128xf32, #tpu.memory_space<vmem>>
      %dma_start3A_1170 = tpu.memref_squeeze %dma_start3A_1169 : memref<1x1x512x128xf32, #tpu.memory_space<vmem>> -> memref<512x128xf32, #tpu.memory_space<vmem>>
      %dma_start3A_1171 = arith.constant 0 : i32
      %dma_start3A_1172 = tpu.memref_slice %arg4[%mul3A_850, %dma_start3A_1162, %dma_start3A_1171] : memref<4096x64x128xf32, #tpu.memory_space<any>> -> memref<512x1x128xf32, #tpu.memory_space<any>>
      %dma_start3A_1173 = tpu.memref_squeeze %dma_start3A_1172 : memref<512x1x128xf32, #tpu.memory_space<any>> -> memref<512x128xf32, #tpu.memory_space<any>>
      tpu.enqueue_dma source(%dma_start3A_1173 : memref<512x128xf32, #tpu.memory_space<any>>) target(%dma_start3A_1170 : memref<512x128xf32, #tpu.memory_space<vmem>>) target_semaphore(%dma_start3A_1166 : memref<!tpu.dma_semaphore, #tpu.memory_space<semaphore_mem>>)
      %dma_start3A_1174 = arith.constant 52 : i32
      %dma_start3A_1175 = arith.constant 26 : i32
      %dma_start3A_1176 = arith.constant 26 : i32
      %dma_start3A_1177 = tpu.memref_slice %arg9[%rem3A_798, %dma_start3A_1176] : memref<2x32x!tpu.dma_semaphore, #tpu.memory_space<semaphore_mem>> -> memref<1x1x!tpu.dma_semaphore, #tpu.memory_space<semaphore_mem>>
      %dma_start3A_1178 = tpu.memref_squeeze %dma_start3A_1177 : memref<1x1x!tpu.dma_semaphore, #tpu.memory_space<semaphore_mem>> -> memref<!tpu.dma_semaphore, #tpu.memory_space<semaphore_mem>>
      %dma_start3A_1179 = arith.constant 0 : i32
      %dma_start3A_1180 = arith.constant 0 : i32
      %dma_start3A_1181 = tpu.memref_slice %arg6[%rem3A_798, %dma_start3A_1175, %dma_start3A_1179, %dma_start3A_1180] : memref<2x32x512x128xf32, #tpu.memory_space<vmem>> -> memref<1x1x512x128xf32, #tpu.memory_space<vmem>>
      %dma_start3A_1182 = tpu.memref_squeeze %dma_start3A_1181 : memref<1x1x512x128xf32, #tpu.memory_space<vmem>> -> memref<512x128xf32, #tpu.memory_space<vmem>>
      %dma_start3A_1183 = arith.constant 0 : i32
      %dma_start3A_1184 = tpu.memref_slice %arg4[%mul3A_852, %dma_start3A_1174, %dma_start3A_1183] : memref<4096x64x128xf32, #tpu.memory_space<any>> -> memref<512x1x128xf32, #tpu.memory_space<any>>
      %dma_start3A_1185 = tpu.memref_squeeze %dma_start3A_1184 : memref<512x1x128xf32, #tpu.memory_space<any>> -> memref<512x128xf32, #tpu.memory_space<any>>
      tpu.enqueue_dma source(%dma_start3A_1185 : memref<512x128xf32, #tpu.memory_space<any>>) target(%dma_start3A_1182 : memref<512x128xf32, #tpu.memory_space<vmem>>) target_semaphore(%dma_start3A_1178 : memref<!tpu.dma_semaphore, #tpu.memory_space<semaphore_mem>>)
      %dma_start3A_1186 = arith.constant 54 : i32
      %dma_start3A_1187 = arith.constant 27 : i32
      %dma_start3A_1188 = arith.constant 27 : i32
      %dma_start3A_1189 = tpu.memref_slice %arg9[%rem3A_798, %dma_start3A_1188] : memref<2x32x!tpu.dma_semaphore, #tpu.memory_space<semaphore_mem>> -> memref<1x1x!tpu.dma_semaphore, #tpu.memory_space<semaphore_mem>>
      %dma_start3A_1190 = tpu.memref_squeeze %dma_start3A_1189 : memref<1x1x!tpu.dma_semaphore, #tpu.memory_space<semaphore_mem>> -> memref<!tpu.dma_semaphore, #tpu.memory_space<semaphore_mem>>
      %dma_start3A_1191 = arith.constant 0 : i32
      %dma_start3A_1192 = arith.constant 0 : i32
      %dma_start3A_1193 = tpu.memref_slice %arg6[%rem3A_798, %dma_start3A_1187, %dma_start3A_1191, %dma_start3A_1192] : memref<2x32x512x128xf32, #tpu.memory_space<vmem>> -> memref<1x1x512x128xf32, #tpu.memory_space<vmem>>
      %dma_start3A_1194 = tpu.memref_squeeze %dma_start3A_1193 : memref<1x1x512x128xf32, #tpu.memory_space<vmem>> -> memref<512x128xf32, #tpu.memory_space<vmem>>
      %dma_start3A_1195 = arith.constant 0 : i32
      %dma_start3A_1196 = tpu.memref_slice %arg4[%mul3A_854, %dma_start3A_1186, %dma_start3A_1195] : memref<4096x64x128xf32, #tpu.memory_space<any>> -> memref<512x1x128xf32, #tpu.memory_space<any>>
      %dma_start3A_1197 = tpu.memref_squeeze %dma_start3A_1196 : memref<512x1x128xf32, #tpu.memory_space<any>> -> memref<512x128xf32, #tpu.memory_space<any>>
      tpu.enqueue_dma source(%dma_start3A_1197 : memref<512x128xf32, #tpu.memory_space<any>>) target(%dma_start3A_1194 : memref<512x128xf32, #tpu.memory_space<vmem>>) target_semaphore(%dma_start3A_1190 : memref<!tpu.dma_semaphore, #tpu.memory_space<semaphore_mem>>)
      %dma_start3A_1198 = arith.constant 56 : i32
      %dma_start3A_1199 = arith.constant 28 : i32
      %dma_start3A_1200 = arith.constant 28 : i32
      %dma_start3A_1201 = tpu.memref_slice %arg9[%rem3A_798, %dma_start3A_1200] : memref<2x32x!tpu.dma_semaphore, #tpu.memory_space<semaphore_mem>> -> memref<1x1x!tpu.dma_semaphore, #tpu.memory_space<semaphore_mem>>
      %dma_start3A_1202 = tpu.memref_squeeze %dma_start3A_1201 : memref<1x1x!tpu.dma_semaphore, #tpu.memory_space<semaphore_mem>> -> memref<!tpu.dma_semaphore, #tpu.memory_space<semaphore_mem>>
      %dma_start3A_1203 = arith.constant 0 : i32
      %dma_start3A_1204 = arith.constant 0 : i32
      %dma_start3A_1205 = tpu.memref_slice %arg6[%rem3A_798, %dma_start3A_1199, %dma_start3A_1203, %dma_start3A_1204] : memref<2x32x512x128xf32, #tpu.memory_space<vmem>> -> memref<1x1x512x128xf32, #tpu.memory_space<vmem>>
      %dma_start3A_1206 = tpu.memref_squeeze %dma_start3A_1205 : memref<1x1x512x128xf32, #tpu.memory_space<vmem>> -> memref<512x128xf32, #tpu.memory_space<vmem>>
      %dma_start3A_1207 = arith.constant 0 : i32
      %dma_start3A_1208 = tpu.memref_slice %arg4[%mul3A_856, %dma_start3A_1198, %dma_start3A_1207] : memref<4096x64x128xf32, #tpu.memory_space<any>> -> memref<512x1x128xf32, #tpu.memory_space<any>>
      %dma_start3A_1209 = tpu.memref_squeeze %dma_start3A_1208 : memref<512x1x128xf32, #tpu.memory_space<any>> -> memref<512x128xf32, #tpu.memory_space<any>>
      tpu.enqueue_dma source(%dma_start3A_1209 : memref<512x128xf32, #tpu.memory_space<any>>) target(%dma_start3A_1206 : memref<512x128xf32, #tpu.memory_space<vmem>>) target_semaphore(%dma_start3A_1202 : memref<!tpu.dma_semaphore, #tpu.memory_space<semaphore_mem>>)
      %dma_start3A_1210 = arith.constant 58 : i32
      %dma_start3A_1211 = arith.constant 29 : i32
      %dma_start3A_1212 = arith.constant 29 : i32
      %dma_start3A_1213 = tpu.memref_slice %arg9[%rem3A_798, %dma_start3A_1212] : memref<2x32x!tpu.dma_semaphore, #tpu.memory_space<semaphore_mem>> -> memref<1x1x!tpu.dma_semaphore, #tpu.memory_space<semaphore_mem>>
      %dma_start3A_1214 = tpu.memref_squeeze %dma_start3A_1213 : memref<1x1x!tpu.dma_semaphore, #tpu.memory_space<semaphore_mem>> -> memref<!tpu.dma_semaphore, #tpu.memory_space<semaphore_mem>>
      %dma_start3A_1215 = arith.constant 0 : i32
      %dma_start3A_1216 = arith.constant 0 : i32
      %dma_start3A_1217 = tpu.memref_slice %arg6[%rem3A_798, %dma_start3A_1211, %dma_start3A_1215, %dma_start3A_1216] : memref<2x32x512x128xf32, #tpu.memory_space<vmem>> -> memref<1x1x512x128xf32, #tpu.memory_space<vmem>>
      %dma_start3A_1218 = tpu.memref_squeeze %dma_start3A_1217 : memref<1x1x512x128xf32, #tpu.memory_space<vmem>> -> memref<512x128xf32, #tpu.memory_space<vmem>>
      %dma_start3A_1219 = arith.constant 0 : i32
      %dma_start3A_1220 = tpu.memref_slice %arg4[%mul3A_858, %dma_start3A_1210, %dma_start3A_1219] : memref<4096x64x128xf32, #tpu.memory_space<any>> -> memref<512x1x128xf32, #tpu.memory_space<any>>
      %dma_start3A_1221 = tpu.memref_squeeze %dma_start3A_1220 : memref<512x1x128xf32, #tpu.memory_space<any>> -> memref<512x128xf32, #tpu.memory_space<any>>
      tpu.enqueue_dma source(%dma_start3A_1221 : memref<512x128xf32, #tpu.memory_space<any>>) target(%dma_start3A_1218 : memref<512x128xf32, #tpu.memory_space<vmem>>) target_semaphore(%dma_start3A_1214 : memref<!tpu.dma_semaphore, #tpu.memory_space<semaphore_mem>>)
      %dma_start3A_1222 = arith.constant 60 : i32
      %dma_start3A_1223 = arith.constant 30 : i32
      %dma_start3A_1224 = arith.constant 30 : i32
      %dma_start3A_1225 = tpu.memref_slice %arg9[%rem3A_798, %dma_start3A_1224] : memref<2x32x!tpu.dma_semaphore, #tpu.memory_space<semaphore_mem>> -> memref<1x1x!tpu.dma_semaphore, #tpu.memory_space<semaphore_mem>>
      %dma_start3A_1226 = tpu.memref_squeeze %dma_start3A_1225 : memref<1x1x!tpu.dma_semaphore, #tpu.memory_space<semaphore_mem>> -> memref<!tpu.dma_semaphore, #tpu.memory_space<semaphore_mem>>
      %dma_start3A_1227 = arith.constant 0 : i32
      %dma_start3A_1228 = arith.constant 0 : i32
      %dma_start3A_1229 = tpu.memref_slice %arg6[%rem3A_798, %dma_start3A_1223, %dma_start3A_1227, %dma_start3A_1228] : memref<2x32x512x128xf32, #tpu.memory_space<vmem>> -> memref<1x1x512x128xf32, #tpu.memory_space<vmem>>
      %dma_start3A_1230 = tpu.memref_squeeze %dma_start3A_1229 : memref<1x1x512x128xf32, #tpu.memory_space<vmem>> -> memref<512x128xf32, #tpu.memory_space<vmem>>
      %dma_start3A_1231 = arith.constant 0 : i32
      %dma_start3A_1232 = tpu.memref_slice %arg4[%mul3A_860, %dma_start3A_1222, %dma_start3A_1231] : memref<4096x64x128xf32, #tpu.memory_space<any>> -> memref<512x1x128xf32, #tpu.memory_space<any>>
      %dma_start3A_1233 = tpu.memref_squeeze %dma_start3A_1232 : memref<512x1x128xf32, #tpu.memory_space<any>> -> memref<512x128xf32, #tpu.memory_space<any>>
      tpu.enqueue_dma source(%dma_start3A_1233 : memref<512x128xf32, #tpu.memory_space<any>>) target(%dma_start3A_1230 : memref<512x128xf32, #tpu.memory_space<vmem>>) target_semaphore(%dma_start3A_1226 : memref<!tpu.dma_semaphore, #tpu.memory_space<semaphore_mem>>)
      %dma_start3A_1234 = arith.constant 62 : i32
      %dma_start3A_1235 = arith.constant 31 : i32
      %dma_start3A_1236 = arith.constant 31 : i32
      %dma_start3A_1237 = tpu.memref_slice %arg9[%rem3A_798, %dma_start3A_1236] : memref<2x32x!tpu.dma_semaphore, #tpu.memory_space<semaphore_mem>> -> memref<1x1x!tpu.dma_semaphore, #tpu.memory_space<semaphore_mem>>
      %dma_start3A_1238 = tpu.memref_squeeze %dma_start3A_1237 : memref<1x1x!tpu.dma_semaphore, #tpu.memory_space<semaphore_mem>> -> memref<!tpu.dma_semaphore, #tpu.memory_space<semaphore_mem>>
      %dma_start3A_1239 = arith.constant 0 : i32
      %dma_start3A_1240 = arith.constant 0 : i32
      %dma_start3A_1241 = tpu.memref_slice %arg6[%rem3A_798, %dma_start3A_1235, %dma_start3A_1239, %dma_start3A_1240] : memref<2x32x512x128xf32, #tpu.memory_space<vmem>> -> memref<1x1x512x128xf32, #tpu.memory_space<vmem>>
      %dma_start3A_1242 = tpu.memref_squeeze %dma_start3A_1241 : memref<1x1x512x128xf32, #tpu.memory_space<vmem>> -> memref<512x128xf32, #tpu.memory_space<vmem>>
      %dma_start3A_1243 = arith.constant 0 : i32
      %dma_start3A_1244 = tpu.memref_slice %arg4[%mul3A_862, %dma_start3A_1234, %dma_start3A_1243] : memref<4096x64x128xf32, #tpu.memory_space<any>> -> memref<512x1x128xf32, #tpu.memory_space<any>>
      %dma_start3A_1245 = tpu.memref_squeeze %dma_start3A_1244 : memref<512x1x128xf32, #tpu.memory_space<any>> -> memref<512x128xf32, #tpu.memory_space<any>>
      tpu.enqueue_dma source(%dma_start3A_1245 : memref<512x128xf32, #tpu.memory_space<any>>) target(%dma_start3A_1242 : memref<512x128xf32, #tpu.memory_space<vmem>>) target_semaphore(%dma_start3A_1238 : memref<!tpu.dma_semaphore, #tpu.memory_space<semaphore_mem>>)
    } else {
    }
    %mul3A = arith.constant 512 : i32
    %mul3A_8 = arith.muli %arg0, %mul3A : i32
    %mul3A_9 = arith.constant 512 : i32
    %mul3A_10 = arith.muli %arg0, %mul3A_9 : i32
    %mul3A_11 = arith.constant 512 : i32
    %mul3A_12 = arith.muli %arg0, %mul3A_11 : i32
    %mul3A_13 = arith.constant 512 : i32
    %mul3A_14 = arith.muli %arg0, %mul3A_13 : i32
    %mul3A_15 = arith.constant 512 : i32
    %mul3A_16 = arith.muli %arg0, %mul3A_15 : i32
    %mul3A_17 = arith.constant 512 : i32
    %mul3A_18 = arith.muli %arg0, %mul3A_17 : i32
    %mul3A_19 = arith.constant 512 : i32
    %mul3A_20 = arith.muli %arg0, %mul3A_19 : i32
    %mul3A_21 = arith.constant 512 : i32
    %mul3A_22 = arith.muli %arg0, %mul3A_21 : i32
    %mul3A_23 = arith.constant 512 : i32
    %mul3A_24 = arith.muli %arg0, %mul3A_23 : i32
    %mul3A_25 = arith.constant 512 : i32
    %mul3A_26 = arith.muli %arg0, %mul3A_25 : i32
    %mul3A_27 = arith.constant 512 : i32
    %mul3A_28 = arith.muli %arg0, %mul3A_27 : i32
    %mul3A_29 = arith.constant 512 : i32
    %mul3A_30 = arith.muli %arg0, %mul3A_29 : i32
    %mul3A_31 = arith.constant 512 : i32
    %mul3A_32 = arith.muli %arg0, %mul3A_31 : i32
    %mul3A_33 = arith.constant 512 : i32
    %mul3A_34 = arith.muli %arg0, %mul3A_33 : i32
    %mul3A_35 = arith.constant 512 : i32
    %mul3A_36 = arith.muli %arg0, %mul3A_35 : i32
    %mul3A_37 = arith.constant 512 : i32
    %mul3A_38 = arith.muli %arg0, %mul3A_37 : i32
    %mul3A_39 = arith.constant 512 : i32
    %mul3A_40 = arith.muli %arg0, %mul3A_39 : i32
    %mul3A_41 = arith.constant 512 : i32
    %mul3A_42 = arith.muli %arg0, %mul3A_41 : i32
    %mul3A_43 = arith.constant 512 : i32
    %mul3A_44 = arith.muli %arg0, %mul3A_43 : i32
    %mul3A_45 = arith.constant 512 : i32
    %mul3A_46 = arith.muli %arg0, %mul3A_45 : i32
    %mul3A_47 = arith.constant 512 : i32
    %mul3A_48 = arith.muli %arg0, %mul3A_47 : i32
    %mul3A_49 = arith.constant 512 : i32
    %mul3A_50 = arith.muli %arg0, %mul3A_49 : i32
    %mul3A_51 = arith.constant 512 : i32
    %mul3A_52 = arith.muli %arg0, %mul3A_51 : i32
    %mul3A_53 = arith.constant 512 : i32
    %mul3A_54 = arith.muli %arg0, %mul3A_53 : i32
    %mul3A_55 = arith.constant 512 : i32
    %mul3A_56 = arith.muli %arg0, %mul3A_55 : i32
    %mul3A_57 = arith.constant 512 : i32
    %mul3A_58 = arith.muli %arg0, %mul3A_57 : i32
    %mul3A_59 = arith.constant 512 : i32
    %mul3A_60 = arith.muli %arg0, %mul3A_59 : i32
    %mul3A_61 = arith.constant 512 : i32
    %mul3A_62 = arith.muli %arg0, %mul3A_61 : i32
    %mul3A_63 = arith.constant 512 : i32
    %mul3A_64 = arith.muli %arg0, %mul3A_63 : i32
    %mul3A_65 = arith.constant 512 : i32
    %mul3A_66 = arith.muli %arg0, %mul3A_65 : i32
    %mul3A_67 = arith.constant 512 : i32
    %mul3A_68 = arith.muli %arg0, %mul3A_67 : i32
    %mul3A_69 = arith.constant 512 : i32
    %mul3A_70 = arith.muli %arg0, %mul3A_69 : i32
    %dma_wait3A = arith.constant 0 : i32
    %dma_wait3A_71 = arith.constant 0 : i32
    %dma_wait3A_72 = arith.constant 0 : i32
    %dma_wait3A_73 = tpu.memref_slice %arg9[%rem3A_0, %dma_wait3A_72] : memref<2x32x!tpu.dma_semaphore, #tpu.memory_space<semaphore_mem>> -> memref<1x1x!tpu.dma_semaphore, #tpu.memory_space<semaphore_mem>>
    %dma_wait3A_74 = tpu.memref_squeeze %dma_wait3A_73 : memref<1x1x!tpu.dma_semaphore, #tpu.memory_space<semaphore_mem>> -> memref<!tpu.dma_semaphore, #tpu.memory_space<semaphore_mem>>
    %dma_wait3A_75 = arith.constant 0 : i32
    %dma_wait3A_76 = arith.constant 0 : i32
    %dma_wait3A_77 = tpu.memref_slice %arg6[%rem3A_0, %dma_wait3A_71, %dma_wait3A_75, %dma_wait3A_76] : memref<2x32x512x128xf32, #tpu.memory_space<vmem>> -> memref<1x1x512x128xf32, #tpu.memory_space<vmem>>
    %dma_wait3A_78 = tpu.memref_squeeze %dma_wait3A_77 : memref<1x1x512x128xf32, #tpu.memory_space<vmem>> -> memref<512x128xf32, #tpu.memory_space<vmem>>
    %dma_wait3A_79 = arith.constant 0 : i32
    %dma_wait3A_80 = tpu.memref_slice %arg4[%mul3A_8, %dma_wait3A, %dma_wait3A_79] : memref<4096x64x128xf32, #tpu.memory_space<any>> -> memref<512x1x128xf32, #tpu.memory_space<any>>
    %dma_wait3A_81 = tpu.memref_squeeze %dma_wait3A_80 : memref<512x1x128xf32, #tpu.memory_space<any>> -> memref<512x128xf32, #tpu.memory_space<any>>
    tpu.wait_dma2 semaphore(%dma_wait3A_74 : memref<!tpu.dma_semaphore, #tpu.memory_space<semaphore_mem>>) src(%dma_wait3A_81 : memref<512x128xf32, #tpu.memory_space<any>>) dst(%dma_wait3A_78 : memref<512x128xf32, #tpu.memory_space<vmem>>)
    %dma_wait3A_82 = arith.constant 2 : i32
    %dma_wait3A_83 = arith.constant 1 : i32
    %dma_wait3A_84 = arith.constant 1 : i32
    %dma_wait3A_85 = tpu.memref_slice %arg9[%rem3A_0, %dma_wait3A_84] : memref<2x32x!tpu.dma_semaphore, #tpu.memory_space<semaphore_mem>> -> memref<1x1x!tpu.dma_semaphore, #tpu.memory_space<semaphore_mem>>
    %dma_wait3A_86 = tpu.memref_squeeze %dma_wait3A_85 : memref<1x1x!tpu.dma_semaphore, #tpu.memory_space<semaphore_mem>> -> memref<!tpu.dma_semaphore, #tpu.memory_space<semaphore_mem>>
    %dma_wait3A_87 = arith.constant 0 : i32
    %dma_wait3A_88 = arith.constant 0 : i32
    %dma_wait3A_89 = tpu.memref_slice %arg6[%rem3A_0, %dma_wait3A_83, %dma_wait3A_87, %dma_wait3A_88] : memref<2x32x512x128xf32, #tpu.memory_space<vmem>> -> memref<1x1x512x128xf32, #tpu.memory_space<vmem>>
    %dma_wait3A_90 = tpu.memref_squeeze %dma_wait3A_89 : memref<1x1x512x128xf32, #tpu.memory_space<vmem>> -> memref<512x128xf32, #tpu.memory_space<vmem>>
    %dma_wait3A_91 = arith.constant 0 : i32
    %dma_wait3A_92 = tpu.memref_slice %arg4[%mul3A_10, %dma_wait3A_82, %dma_wait3A_91] : memref<4096x64x128xf32, #tpu.memory_space<any>> -> memref<512x1x128xf32, #tpu.memory_space<any>>
    %dma_wait3A_93 = tpu.memref_squeeze %dma_wait3A_92 : memref<512x1x128xf32, #tpu.memory_space<any>> -> memref<512x128xf32, #tpu.memory_space<any>>
    tpu.wait_dma2 semaphore(%dma_wait3A_86 : memref<!tpu.dma_semaphore, #tpu.memory_space<semaphore_mem>>) src(%dma_wait3A_93 : memref<512x128xf32, #tpu.memory_space<any>>) dst(%dma_wait3A_90 : memref<512x128xf32, #tpu.memory_space<vmem>>)
    %dma_wait3A_94 = arith.constant 4 : i32
    %dma_wait3A_95 = arith.constant 2 : i32
    %dma_wait3A_96 = arith.constant 2 : i32
    %dma_wait3A_97 = tpu.memref_slice %arg9[%rem3A_0, %dma_wait3A_96] : memref<2x32x!tpu.dma_semaphore, #tpu.memory_space<semaphore_mem>> -> memref<1x1x!tpu.dma_semaphore, #tpu.memory_space<semaphore_mem>>
    %dma_wait3A_98 = tpu.memref_squeeze %dma_wait3A_97 : memref<1x1x!tpu.dma_semaphore, #tpu.memory_space<semaphore_mem>> -> memref<!tpu.dma_semaphore, #tpu.memory_space<semaphore_mem>>
    %dma_wait3A_99 = arith.constant 0 : i32
    %dma_wait3A_100 = arith.constant 0 : i32
    %dma_wait3A_101 = tpu.memref_slice %arg6[%rem3A_0, %dma_wait3A_95, %dma_wait3A_99, %dma_wait3A_100] : memref<2x32x512x128xf32, #tpu.memory_space<vmem>> -> memref<1x1x512x128xf32, #tpu.memory_space<vmem>>
    %dma_wait3A_102 = tpu.memref_squeeze %dma_wait3A_101 : memref<1x1x512x128xf32, #tpu.memory_space<vmem>> -> memref<512x128xf32, #tpu.memory_space<vmem>>
    %dma_wait3A_103 = arith.constant 0 : i32
    %dma_wait3A_104 = tpu.memref_slice %arg4[%mul3A_12, %dma_wait3A_94, %dma_wait3A_103] : memref<4096x64x128xf32, #tpu.memory_space<any>> -> memref<512x1x128xf32, #tpu.memory_space<any>>
    %dma_wait3A_105 = tpu.memref_squeeze %dma_wait3A_104 : memref<512x1x128xf32, #tpu.memory_space<any>> -> memref<512x128xf32, #tpu.memory_space<any>>
    tpu.wait_dma2 semaphore(%dma_wait3A_98 : memref<!tpu.dma_semaphore, #tpu.memory_space<semaphore_mem>>) src(%dma_wait3A_105 : memref<512x128xf32, #tpu.memory_space<any>>) dst(%dma_wait3A_102 : memref<512x128xf32, #tpu.memory_space<vmem>>)
    %dma_wait3A_106 = arith.constant 6 : i32
    %dma_wait3A_107 = arith.constant 3 : i32
    %dma_wait3A_108 = arith.constant 3 : i32
    %dma_wait3A_109 = tpu.memref_slice %arg9[%rem3A_0, %dma_wait3A_108] : memref<2x32x!tpu.dma_semaphore, #tpu.memory_space<semaphore_mem>> -> memref<1x1x!tpu.dma_semaphore, #tpu.memory_space<semaphore_mem>>
    %dma_wait3A_110 = tpu.memref_squeeze %dma_wait3A_109 : memref<1x1x!tpu.dma_semaphore, #tpu.memory_space<semaphore_mem>> -> memref<!tpu.dma_semaphore, #tpu.memory_space<semaphore_mem>>
    %dma_wait3A_111 = arith.constant 0 : i32
    %dma_wait3A_112 = arith.constant 0 : i32
    %dma_wait3A_113 = tpu.memref_slice %arg6[%rem3A_0, %dma_wait3A_107, %dma_wait3A_111, %dma_wait3A_112] : memref<2x32x512x128xf32, #tpu.memory_space<vmem>> -> memref<1x1x512x128xf32, #tpu.memory_space<vmem>>
    %dma_wait3A_114 = tpu.memref_squeeze %dma_wait3A_113 : memref<1x1x512x128xf32, #tpu.memory_space<vmem>> -> memref<512x128xf32, #tpu.memory_space<vmem>>
    %dma_wait3A_115 = arith.constant 0 : i32
    %dma_wait3A_116 = tpu.memref_slice %arg4[%mul3A_14, %dma_wait3A_106, %dma_wait3A_115] : memref<4096x64x128xf32, #tpu.memory_space<any>> -> memref<512x1x128xf32, #tpu.memory_space<any>>
    %dma_wait3A_117 = tpu.memref_squeeze %dma_wait3A_116 : memref<512x1x128xf32, #tpu.memory_space<any>> -> memref<512x128xf32, #tpu.memory_space<any>>
    tpu.wait_dma2 semaphore(%dma_wait3A_110 : memref<!tpu.dma_semaphore, #tpu.memory_space<semaphore_mem>>) src(%dma_wait3A_117 : memref<512x128xf32, #tpu.memory_space<any>>) dst(%dma_wait3A_114 : memref<512x128xf32, #tpu.memory_space<vmem>>)
    %dma_wait3A_118 = arith.constant 8 : i32
    %dma_wait3A_119 = arith.constant 4 : i32
    %dma_wait3A_120 = arith.constant 4 : i32
    %dma_wait3A_121 = tpu.memref_slice %arg9[%rem3A_0, %dma_wait3A_120] : memref<2x32x!tpu.dma_semaphore, #tpu.memory_space<semaphore_mem>> -> memref<1x1x!tpu.dma_semaphore, #tpu.memory_space<semaphore_mem>>
    %dma_wait3A_122 = tpu.memref_squeeze %dma_wait3A_121 : memref<1x1x!tpu.dma_semaphore, #tpu.memory_space<semaphore_mem>> -> memref<!tpu.dma_semaphore, #tpu.memory_space<semaphore_mem>>
    %dma_wait3A_123 = arith.constant 0 : i32
    %dma_wait3A_124 = arith.constant 0 : i32
    %dma_wait3A_125 = tpu.memref_slice %arg6[%rem3A_0, %dma_wait3A_119, %dma_wait3A_123, %dma_wait3A_124] : memref<2x32x512x128xf32, #tpu.memory_space<vmem>> -> memref<1x1x512x128xf32, #tpu.memory_space<vmem>>
    %dma_wait3A_126 = tpu.memref_squeeze %dma_wait3A_125 : memref<1x1x512x128xf32, #tpu.memory_space<vmem>> -> memref<512x128xf32, #tpu.memory_space<vmem>>
    %dma_wait3A_127 = arith.constant 0 : i32
    %dma_wait3A_128 = tpu.memref_slice %arg4[%mul3A_16, %dma_wait3A_118, %dma_wait3A_127] : memref<4096x64x128xf32, #tpu.memory_space<any>> -> memref<512x1x128xf32, #tpu.memory_space<any>>
    %dma_wait3A_129 = tpu.memref_squeeze %dma_wait3A_128 : memref<512x1x128xf32, #tpu.memory_space<any>> -> memref<512x128xf32, #tpu.memory_space<any>>
    tpu.wait_dma2 semaphore(%dma_wait3A_122 : memref<!tpu.dma_semaphore, #tpu.memory_space<semaphore_mem>>) src(%dma_wait3A_129 : memref<512x128xf32, #tpu.memory_space<any>>) dst(%dma_wait3A_126 : memref<512x128xf32, #tpu.memory_space<vmem>>)
    %dma_wait3A_130 = arith.constant 10 : i32
    %dma_wait3A_131 = arith.constant 5 : i32
    %dma_wait3A_132 = arith.constant 5 : i32
    %dma_wait3A_133 = tpu.memref_slice %arg9[%rem3A_0, %dma_wait3A_132] : memref<2x32x!tpu.dma_semaphore, #tpu.memory_space<semaphore_mem>> -> memref<1x1x!tpu.dma_semaphore, #tpu.memory_space<semaphore_mem>>
    %dma_wait3A_134 = tpu.memref_squeeze %dma_wait3A_133 : memref<1x1x!tpu.dma_semaphore, #tpu.memory_space<semaphore_mem>> -> memref<!tpu.dma_semaphore, #tpu.memory_space<semaphore_mem>>
    %dma_wait3A_135 = arith.constant 0 : i32
    %dma_wait3A_136 = arith.constant 0 : i32
    %dma_wait3A_137 = tpu.memref_slice %arg6[%rem3A_0, %dma_wait3A_131, %dma_wait3A_135, %dma_wait3A_136] : memref<2x32x512x128xf32, #tpu.memory_space<vmem>> -> memref<1x1x512x128xf32, #tpu.memory_space<vmem>>
    %dma_wait3A_138 = tpu.memref_squeeze %dma_wait3A_137 : memref<1x1x512x128xf32, #tpu.memory_space<vmem>> -> memref<512x128xf32, #tpu.memory_space<vmem>>
    %dma_wait3A_139 = arith.constant 0 : i32
    %dma_wait3A_140 = tpu.memref_slice %arg4[%mul3A_18, %dma_wait3A_130, %dma_wait3A_139] : memref<4096x64x128xf32, #tpu.memory_space<any>> -> memref<512x1x128xf32, #tpu.memory_space<any>>
    %dma_wait3A_141 = tpu.memref_squeeze %dma_wait3A_140 : memref<512x1x128xf32, #tpu.memory_space<any>> -> memref<512x128xf32, #tpu.memory_space<any>>
    tpu.wait_dma2 semaphore(%dma_wait3A_134 : memref<!tpu.dma_semaphore, #tpu.memory_space<semaphore_mem>>) src(%dma_wait3A_141 : memref<512x128xf32, #tpu.memory_space<any>>) dst(%dma_wait3A_138 : memref<512x128xf32, #tpu.memory_space<vmem>>)
    %dma_wait3A_142 = arith.constant 12 : i32
    %dma_wait3A_143 = arith.constant 6 : i32
    %dma_wait3A_144 = arith.constant 6 : i32
    %dma_wait3A_145 = tpu.memref_slice %arg9[%rem3A_0, %dma_wait3A_144] : memref<2x32x!tpu.dma_semaphore, #tpu.memory_space<semaphore_mem>> -> memref<1x1x!tpu.dma_semaphore, #tpu.memory_space<semaphore_mem>>
    %dma_wait3A_146 = tpu.memref_squeeze %dma_wait3A_145 : memref<1x1x!tpu.dma_semaphore, #tpu.memory_space<semaphore_mem>> -> memref<!tpu.dma_semaphore, #tpu.memory_space<semaphore_mem>>
    %dma_wait3A_147 = arith.constant 0 : i32
    %dma_wait3A_148 = arith.constant 0 : i32
    %dma_wait3A_149 = tpu.memref_slice %arg6[%rem3A_0, %dma_wait3A_143, %dma_wait3A_147, %dma_wait3A_148] : memref<2x32x512x128xf32, #tpu.memory_space<vmem>> -> memref<1x1x512x128xf32, #tpu.memory_space<vmem>>
    %dma_wait3A_150 = tpu.memref_squeeze %dma_wait3A_149 : memref<1x1x512x128xf32, #tpu.memory_space<vmem>> -> memref<512x128xf32, #tpu.memory_space<vmem>>
    %dma_wait3A_151 = arith.constant 0 : i32
    %dma_wait3A_152 = tpu.memref_slice %arg4[%mul3A_20, %dma_wait3A_142, %dma_wait3A_151] : memref<4096x64x128xf32, #tpu.memory_space<any>> -> memref<512x1x128xf32, #tpu.memory_space<any>>
    %dma_wait3A_153 = tpu.memref_squeeze %dma_wait3A_152 : memref<512x1x128xf32, #tpu.memory_space<any>> -> memref<512x128xf32, #tpu.memory_space<any>>
    tpu.wait_dma2 semaphore(%dma_wait3A_146 : memref<!tpu.dma_semaphore, #tpu.memory_space<semaphore_mem>>) src(%dma_wait3A_153 : memref<512x128xf32, #tpu.memory_space<any>>) dst(%dma_wait3A_150 : memref<512x128xf32, #tpu.memory_space<vmem>>)
    %dma_wait3A_154 = arith.constant 14 : i32
    %dma_wait3A_155 = arith.constant 7 : i32
    %dma_wait3A_156 = arith.constant 7 : i32
    %dma_wait3A_157 = tpu.memref_slice %arg9[%rem3A_0, %dma_wait3A_156] : memref<2x32x!tpu.dma_semaphore, #tpu.memory_space<semaphore_mem>> -> memref<1x1x!tpu.dma_semaphore, #tpu.memory_space<semaphore_mem>>
    %dma_wait3A_158 = tpu.memref_squeeze %dma_wait3A_157 : memref<1x1x!tpu.dma_semaphore, #tpu.memory_space<semaphore_mem>> -> memref<!tpu.dma_semaphore, #tpu.memory_space<semaphore_mem>>
    %dma_wait3A_159 = arith.constant 0 : i32
    %dma_wait3A_160 = arith.constant 0 : i32
    %dma_wait3A_161 = tpu.memref_slice %arg6[%rem3A_0, %dma_wait3A_155, %dma_wait3A_159, %dma_wait3A_160] : memref<2x32x512x128xf32, #tpu.memory_space<vmem>> -> memref<1x1x512x128xf32, #tpu.memory_space<vmem>>
    %dma_wait3A_162 = tpu.memref_squeeze %dma_wait3A_161 : memref<1x1x512x128xf32, #tpu.memory_space<vmem>> -> memref<512x128xf32, #tpu.memory_space<vmem>>
    %dma_wait3A_163 = arith.constant 0 : i32
    %dma_wait3A_164 = tpu.memref_slice %arg4[%mul3A_22, %dma_wait3A_154, %dma_wait3A_163] : memref<4096x64x128xf32, #tpu.memory_space<any>> -> memref<512x1x128xf32, #tpu.memory_space<any>>
    %dma_wait3A_165 = tpu.memref_squeeze %dma_wait3A_164 : memref<512x1x128xf32, #tpu.memory_space<any>> -> memref<512x128xf32, #tpu.memory_space<any>>
    tpu.wait_dma2 semaphore(%dma_wait3A_158 : memref<!tpu.dma_semaphore, #tpu.memory_space<semaphore_mem>>) src(%dma_wait3A_165 : memref<512x128xf32, #tpu.memory_space<any>>) dst(%dma_wait3A_162 : memref<512x128xf32, #tpu.memory_space<vmem>>)
    %dma_wait3A_166 = arith.constant 16 : i32
    %dma_wait3A_167 = arith.constant 8 : i32
    %dma_wait3A_168 = arith.constant 8 : i32
    %dma_wait3A_169 = tpu.memref_slice %arg9[%rem3A_0, %dma_wait3A_168] : memref<2x32x!tpu.dma_semaphore, #tpu.memory_space<semaphore_mem>> -> memref<1x1x!tpu.dma_semaphore, #tpu.memory_space<semaphore_mem>>
    %dma_wait3A_170 = tpu.memref_squeeze %dma_wait3A_169 : memref<1x1x!tpu.dma_semaphore, #tpu.memory_space<semaphore_mem>> -> memref<!tpu.dma_semaphore, #tpu.memory_space<semaphore_mem>>
    %dma_wait3A_171 = arith.constant 0 : i32
    %dma_wait3A_172 = arith.constant 0 : i32
    %dma_wait3A_173 = tpu.memref_slice %arg6[%rem3A_0, %dma_wait3A_167, %dma_wait3A_171, %dma_wait3A_172] : memref<2x32x512x128xf32, #tpu.memory_space<vmem>> -> memref<1x1x512x128xf32, #tpu.memory_space<vmem>>
    %dma_wait3A_174 = tpu.memref_squeeze %dma_wait3A_173 : memref<1x1x512x128xf32, #tpu.memory_space<vmem>> -> memref<512x128xf32, #tpu.memory_space<vmem>>
    %dma_wait3A_175 = arith.constant 0 : i32
    %dma_wait3A_176 = tpu.memref_slice %arg4[%mul3A_24, %dma_wait3A_166, %dma_wait3A_175] : memref<4096x64x128xf32, #tpu.memory_space<any>> -> memref<512x1x128xf32, #tpu.memory_space<any>>
    %dma_wait3A_177 = tpu.memref_squeeze %dma_wait3A_176 : memref<512x1x128xf32, #tpu.memory_space<any>> -> memref<512x128xf32, #tpu.memory_space<any>>
    tpu.wait_dma2 semaphore(%dma_wait3A_170 : memref<!tpu.dma_semaphore, #tpu.memory_space<semaphore_mem>>) src(%dma_wait3A_177 : memref<512x128xf32, #tpu.memory_space<any>>) dst(%dma_wait3A_174 : memref<512x128xf32, #tpu.memory_space<vmem>>)
    %dma_wait3A_178 = arith.constant 18 : i32
    %dma_wait3A_179 = arith.constant 9 : i32
    %dma_wait3A_180 = arith.constant 9 : i32
    %dma_wait3A_181 = tpu.memref_slice %arg9[%rem3A_0, %dma_wait3A_180] : memref<2x32x!tpu.dma_semaphore, #tpu.memory_space<semaphore_mem>> -> memref<1x1x!tpu.dma_semaphore, #tpu.memory_space<semaphore_mem>>
    %dma_wait3A_182 = tpu.memref_squeeze %dma_wait3A_181 : memref<1x1x!tpu.dma_semaphore, #tpu.memory_space<semaphore_mem>> -> memref<!tpu.dma_semaphore, #tpu.memory_space<semaphore_mem>>
    %dma_wait3A_183 = arith.constant 0 : i32
    %dma_wait3A_184 = arith.constant 0 : i32
    %dma_wait3A_185 = tpu.memref_slice %arg6[%rem3A_0, %dma_wait3A_179, %dma_wait3A_183, %dma_wait3A_184] : memref<2x32x512x128xf32, #tpu.memory_space<vmem>> -> memref<1x1x512x128xf32, #tpu.memory_space<vmem>>
    %dma_wait3A_186 = tpu.memref_squeeze %dma_wait3A_185 : memref<1x1x512x128xf32, #tpu.memory_space<vmem>> -> memref<512x128xf32, #tpu.memory_space<vmem>>
    %dma_wait3A_187 = arith.constant 0 : i32
    %dma_wait3A_188 = tpu.memref_slice %arg4[%mul3A_26, %dma_wait3A_178, %dma_wait3A_187] : memref<4096x64x128xf32, #tpu.memory_space<any>> -> memref<512x1x128xf32, #tpu.memory_space<any>>
    %dma_wait3A_189 = tpu.memref_squeeze %dma_wait3A_188 : memref<512x1x128xf32, #tpu.memory_space<any>> -> memref<512x128xf32, #tpu.memory_space<any>>
    tpu.wait_dma2 semaphore(%dma_wait3A_182 : memref<!tpu.dma_semaphore, #tpu.memory_space<semaphore_mem>>) src(%dma_wait3A_189 : memref<512x128xf32, #tpu.memory_space<any>>) dst(%dma_wait3A_186 : memref<512x128xf32, #tpu.memory_space<vmem>>)
    %dma_wait3A_190 = arith.constant 20 : i32
    %dma_wait3A_191 = arith.constant 10 : i32
    %dma_wait3A_192 = arith.constant 10 : i32
    %dma_wait3A_193 = tpu.memref_slice %arg9[%rem3A_0, %dma_wait3A_192] : memref<2x32x!tpu.dma_semaphore, #tpu.memory_space<semaphore_mem>> -> memref<1x1x!tpu.dma_semaphore, #tpu.memory_space<semaphore_mem>>
    %dma_wait3A_194 = tpu.memref_squeeze %dma_wait3A_193 : memref<1x1x!tpu.dma_semaphore, #tpu.memory_space<semaphore_mem>> -> memref<!tpu.dma_semaphore, #tpu.memory_space<semaphore_mem>>
    %dma_wait3A_195 = arith.constant 0 : i32
    %dma_wait3A_196 = arith.constant 0 : i32
    %dma_wait3A_197 = tpu.memref_slice %arg6[%rem3A_0, %dma_wait3A_191, %dma_wait3A_195, %dma_wait3A_196] : memref<2x32x512x128xf32, #tpu.memory_space<vmem>> -> memref<1x1x512x128xf32, #tpu.memory_space<vmem>>
    %dma_wait3A_198 = tpu.memref_squeeze %dma_wait3A_197 : memref<1x1x512x128xf32, #tpu.memory_space<vmem>> -> memref<512x128xf32, #tpu.memory_space<vmem>>
    %dma_wait3A_199 = arith.constant 0 : i32
    %dma_wait3A_200 = tpu.memref_slice %arg4[%mul3A_28, %dma_wait3A_190, %dma_wait3A_199] : memref<4096x64x128xf32, #tpu.memory_space<any>> -> memref<512x1x128xf32, #tpu.memory_space<any>>
    %dma_wait3A_201 = tpu.memref_squeeze %dma_wait3A_200 : memref<512x1x128xf32, #tpu.memory_space<any>> -> memref<512x128xf32, #tpu.memory_space<any>>
    tpu.wait_dma2 semaphore(%dma_wait3A_194 : memref<!tpu.dma_semaphore, #tpu.memory_space<semaphore_mem>>) src(%dma_wait3A_201 : memref<512x128xf32, #tpu.memory_space<any>>) dst(%dma_wait3A_198 : memref<512x128xf32, #tpu.memory_space<vmem>>)
    %dma_wait3A_202 = arith.constant 22 : i32
    %dma_wait3A_203 = arith.constant 11 : i32
    %dma_wait3A_204 = arith.constant 11 : i32
    %dma_wait3A_205 = tpu.memref_slice %arg9[%rem3A_0, %dma_wait3A_204] : memref<2x32x!tpu.dma_semaphore, #tpu.memory_space<semaphore_mem>> -> memref<1x1x!tpu.dma_semaphore, #tpu.memory_space<semaphore_mem>>
    %dma_wait3A_206 = tpu.memref_squeeze %dma_wait3A_205 : memref<1x1x!tpu.dma_semaphore, #tpu.memory_space<semaphore_mem>> -> memref<!tpu.dma_semaphore, #tpu.memory_space<semaphore_mem>>
    %dma_wait3A_207 = arith.constant 0 : i32
    %dma_wait3A_208 = arith.constant 0 : i32
    %dma_wait3A_209 = tpu.memref_slice %arg6[%rem3A_0, %dma_wait3A_203, %dma_wait3A_207, %dma_wait3A_208] : memref<2x32x512x128xf32, #tpu.memory_space<vmem>> -> memref<1x1x512x128xf32, #tpu.memory_space<vmem>>
    %dma_wait3A_210 = tpu.memref_squeeze %dma_wait3A_209 : memref<1x1x512x128xf32, #tpu.memory_space<vmem>> -> memref<512x128xf32, #tpu.memory_space<vmem>>
    %dma_wait3A_211 = arith.constant 0 : i32
    %dma_wait3A_212 = tpu.memref_slice %arg4[%mul3A_30, %dma_wait3A_202, %dma_wait3A_211] : memref<4096x64x128xf32, #tpu.memory_space<any>> -> memref<512x1x128xf32, #tpu.memory_space<any>>
    %dma_wait3A_213 = tpu.memref_squeeze %dma_wait3A_212 : memref<512x1x128xf32, #tpu.memory_space<any>> -> memref<512x128xf32, #tpu.memory_space<any>>
    tpu.wait_dma2 semaphore(%dma_wait3A_206 : memref<!tpu.dma_semaphore, #tpu.memory_space<semaphore_mem>>) src(%dma_wait3A_213 : memref<512x128xf32, #tpu.memory_space<any>>) dst(%dma_wait3A_210 : memref<512x128xf32, #tpu.memory_space<vmem>>)
    %dma_wait3A_214 = arith.constant 24 : i32
    %dma_wait3A_215 = arith.constant 12 : i32
    %dma_wait3A_216 = arith.constant 12 : i32
    %dma_wait3A_217 = tpu.memref_slice %arg9[%rem3A_0, %dma_wait3A_216] : memref<2x32x!tpu.dma_semaphore, #tpu.memory_space<semaphore_mem>> -> memref<1x1x!tpu.dma_semaphore, #tpu.memory_space<semaphore_mem>>
    %dma_wait3A_218 = tpu.memref_squeeze %dma_wait3A_217 : memref<1x1x!tpu.dma_semaphore, #tpu.memory_space<semaphore_mem>> -> memref<!tpu.dma_semaphore, #tpu.memory_space<semaphore_mem>>
    %dma_wait3A_219 = arith.constant 0 : i32
    %dma_wait3A_220 = arith.constant 0 : i32
    %dma_wait3A_221 = tpu.memref_slice %arg6[%rem3A_0, %dma_wait3A_215, %dma_wait3A_219, %dma_wait3A_220] : memref<2x32x512x128xf32, #tpu.memory_space<vmem>> -> memref<1x1x512x128xf32, #tpu.memory_space<vmem>>
    %dma_wait3A_222 = tpu.memref_squeeze %dma_wait3A_221 : memref<1x1x512x128xf32, #tpu.memory_space<vmem>> -> memref<512x128xf32, #tpu.memory_space<vmem>>
    %dma_wait3A_223 = arith.constant 0 : i32
    %dma_wait3A_224 = tpu.memref_slice %arg4[%mul3A_32, %dma_wait3A_214, %dma_wait3A_223] : memref<4096x64x128xf32, #tpu.memory_space<any>> -> memref<512x1x128xf32, #tpu.memory_space<any>>
    %dma_wait3A_225 = tpu.memref_squeeze %dma_wait3A_224 : memref<512x1x128xf32, #tpu.memory_space<any>> -> memref<512x128xf32, #tpu.memory_space<any>>
    tpu.wait_dma2 semaphore(%dma_wait3A_218 : memref<!tpu.dma_semaphore, #tpu.memory_space<semaphore_mem>>) src(%dma_wait3A_225 : memref<512x128xf32, #tpu.memory_space<any>>) dst(%dma_wait3A_222 : memref<512x128xf32, #tpu.memory_space<vmem>>)
    %dma_wait3A_226 = arith.constant 26 : i32
    %dma_wait3A_227 = arith.constant 13 : i32
    %dma_wait3A_228 = arith.constant 13 : i32
    %dma_wait3A_229 = tpu.memref_slice %arg9[%rem3A_0, %dma_wait3A_228] : memref<2x32x!tpu.dma_semaphore, #tpu.memory_space<semaphore_mem>> -> memref<1x1x!tpu.dma_semaphore, #tpu.memory_space<semaphore_mem>>
    %dma_wait3A_230 = tpu.memref_squeeze %dma_wait3A_229 : memref<1x1x!tpu.dma_semaphore, #tpu.memory_space<semaphore_mem>> -> memref<!tpu.dma_semaphore, #tpu.memory_space<semaphore_mem>>
    %dma_wait3A_231 = arith.constant 0 : i32
    %dma_wait3A_232 = arith.constant 0 : i32
    %dma_wait3A_233 = tpu.memref_slice %arg6[%rem3A_0, %dma_wait3A_227, %dma_wait3A_231, %dma_wait3A_232] : memref<2x32x512x128xf32, #tpu.memory_space<vmem>> -> memref<1x1x512x128xf32, #tpu.memory_space<vmem>>
    %dma_wait3A_234 = tpu.memref_squeeze %dma_wait3A_233 : memref<1x1x512x128xf32, #tpu.memory_space<vmem>> -> memref<512x128xf32, #tpu.memory_space<vmem>>
    %dma_wait3A_235 = arith.constant 0 : i32
    %dma_wait3A_236 = tpu.memref_slice %arg4[%mul3A_34, %dma_wait3A_226, %dma_wait3A_235] : memref<4096x64x128xf32, #tpu.memory_space<any>> -> memref<512x1x128xf32, #tpu.memory_space<any>>
    %dma_wait3A_237 = tpu.memref_squeeze %dma_wait3A_236 : memref<512x1x128xf32, #tpu.memory_space<any>> -> memref<512x128xf32, #tpu.memory_space<any>>
    tpu.wait_dma2 semaphore(%dma_wait3A_230 : memref<!tpu.dma_semaphore, #tpu.memory_space<semaphore_mem>>) src(%dma_wait3A_237 : memref<512x128xf32, #tpu.memory_space<any>>) dst(%dma_wait3A_234 : memref<512x128xf32, #tpu.memory_space<vmem>>)
    %dma_wait3A_238 = arith.constant 28 : i32
    %dma_wait3A_239 = arith.constant 14 : i32
    %dma_wait3A_240 = arith.constant 14 : i32
    %dma_wait3A_241 = tpu.memref_slice %arg9[%rem3A_0, %dma_wait3A_240] : memref<2x32x!tpu.dma_semaphore, #tpu.memory_space<semaphore_mem>> -> memref<1x1x!tpu.dma_semaphore, #tpu.memory_space<semaphore_mem>>
    %dma_wait3A_242 = tpu.memref_squeeze %dma_wait3A_241 : memref<1x1x!tpu.dma_semaphore, #tpu.memory_space<semaphore_mem>> -> memref<!tpu.dma_semaphore, #tpu.memory_space<semaphore_mem>>
    %dma_wait3A_243 = arith.constant 0 : i32
    %dma_wait3A_244 = arith.constant 0 : i32
    %dma_wait3A_245 = tpu.memref_slice %arg6[%rem3A_0, %dma_wait3A_239, %dma_wait3A_243, %dma_wait3A_244] : memref<2x32x512x128xf32, #tpu.memory_space<vmem>> -> memref<1x1x512x128xf32, #tpu.memory_space<vmem>>
    %dma_wait3A_246 = tpu.memref_squeeze %dma_wait3A_245 : memref<1x1x512x128xf32, #tpu.memory_space<vmem>> -> memref<512x128xf32, #tpu.memory_space<vmem>>
    %dma_wait3A_247 = arith.constant 0 : i32
    %dma_wait3A_248 = tpu.memref_slice %arg4[%mul3A_36, %dma_wait3A_238, %dma_wait3A_247] : memref<4096x64x128xf32, #tpu.memory_space<any>> -> memref<512x1x128xf32, #tpu.memory_space<any>>
    %dma_wait3A_249 = tpu.memref_squeeze %dma_wait3A_248 : memref<512x1x128xf32, #tpu.memory_space<any>> -> memref<512x128xf32, #tpu.memory_space<any>>
    tpu.wait_dma2 semaphore(%dma_wait3A_242 : memref<!tpu.dma_semaphore, #tpu.memory_space<semaphore_mem>>) src(%dma_wait3A_249 : memref<512x128xf32, #tpu.memory_space<any>>) dst(%dma_wait3A_246 : memref<512x128xf32, #tpu.memory_space<vmem>>)
    %dma_wait3A_250 = arith.constant 30 : i32
    %dma_wait3A_251 = arith.constant 15 : i32
    %dma_wait3A_252 = arith.constant 15 : i32
    %dma_wait3A_253 = tpu.memref_slice %arg9[%rem3A_0, %dma_wait3A_252] : memref<2x32x!tpu.dma_semaphore, #tpu.memory_space<semaphore_mem>> -> memref<1x1x!tpu.dma_semaphore, #tpu.memory_space<semaphore_mem>>
    %dma_wait3A_254 = tpu.memref_squeeze %dma_wait3A_253 : memref<1x1x!tpu.dma_semaphore, #tpu.memory_space<semaphore_mem>> -> memref<!tpu.dma_semaphore, #tpu.memory_space<semaphore_mem>>
    %dma_wait3A_255 = arith.constant 0 : i32
    %dma_wait3A_256 = arith.constant 0 : i32
    %dma_wait3A_257 = tpu.memref_slice %arg6[%rem3A_0, %dma_wait3A_251, %dma_wait3A_255, %dma_wait3A_256] : memref<2x32x512x128xf32, #tpu.memory_space<vmem>> -> memref<1x1x512x128xf32, #tpu.memory_space<vmem>>
    %dma_wait3A_258 = tpu.memref_squeeze %dma_wait3A_257 : memref<1x1x512x128xf32, #tpu.memory_space<vmem>> -> memref<512x128xf32, #tpu.memory_space<vmem>>
    %dma_wait3A_259 = arith.constant 0 : i32
    %dma_wait3A_260 = tpu.memref_slice %arg4[%mul3A_38, %dma_wait3A_250, %dma_wait3A_259] : memref<4096x64x128xf32, #tpu.memory_space<any>> -> memref<512x1x128xf32, #tpu.memory_space<any>>
    %dma_wait3A_261 = tpu.memref_squeeze %dma_wait3A_260 : memref<512x1x128xf32, #tpu.memory_space<any>> -> memref<512x128xf32, #tpu.memory_space<any>>
    tpu.wait_dma2 semaphore(%dma_wait3A_254 : memref<!tpu.dma_semaphore, #tpu.memory_space<semaphore_mem>>) src(%dma_wait3A_261 : memref<512x128xf32, #tpu.memory_space<any>>) dst(%dma_wait3A_258 : memref<512x128xf32, #tpu.memory_space<vmem>>)
    %dma_wait3A_262 = arith.constant 32 : i32
    %dma_wait3A_263 = arith.constant 16 : i32
    %dma_wait3A_264 = arith.constant 16 : i32
    %dma_wait3A_265 = tpu.memref_slice %arg9[%rem3A_0, %dma_wait3A_264] : memref<2x32x!tpu.dma_semaphore, #tpu.memory_space<semaphore_mem>> -> memref<1x1x!tpu.dma_semaphore, #tpu.memory_space<semaphore_mem>>
    %dma_wait3A_266 = tpu.memref_squeeze %dma_wait3A_265 : memref<1x1x!tpu.dma_semaphore, #tpu.memory_space<semaphore_mem>> -> memref<!tpu.dma_semaphore, #tpu.memory_space<semaphore_mem>>
    %dma_wait3A_267 = arith.constant 0 : i32
    %dma_wait3A_268 = arith.constant 0 : i32
    %dma_wait3A_269 = tpu.memref_slice %arg6[%rem3A_0, %dma_wait3A_263, %dma_wait3A_267, %dma_wait3A_268] : memref<2x32x512x128xf32, #tpu.memory_space<vmem>> -> memref<1x1x512x128xf32, #tpu.memory_space<vmem>>
    %dma_wait3A_270 = tpu.memref_squeeze %dma_wait3A_269 : memref<1x1x512x128xf32, #tpu.memory_space<vmem>> -> memref<512x128xf32, #tpu.memory_space<vmem>>
    %dma_wait3A_271 = arith.constant 0 : i32
    %dma_wait3A_272 = tpu.memref_slice %arg4[%mul3A_40, %dma_wait3A_262, %dma_wait3A_271] : memref<4096x64x128xf32, #tpu.memory_space<any>> -> memref<512x1x128xf32, #tpu.memory_space<any>>
    %dma_wait3A_273 = tpu.memref_squeeze %dma_wait3A_272 : memref<512x1x128xf32, #tpu.memory_space<any>> -> memref<512x128xf32, #tpu.memory_space<any>>
    tpu.wait_dma2 semaphore(%dma_wait3A_266 : memref<!tpu.dma_semaphore, #tpu.memory_space<semaphore_mem>>) src(%dma_wait3A_273 : memref<512x128xf32, #tpu.memory_space<any>>) dst(%dma_wait3A_270 : memref<512x128xf32, #tpu.memory_space<vmem>>)
    %dma_wait3A_274 = arith.constant 34 : i32
    %dma_wait3A_275 = arith.constant 17 : i32
    %dma_wait3A_276 = arith.constant 17 : i32
    %dma_wait3A_277 = tpu.memref_slice %arg9[%rem3A_0, %dma_wait3A_276] : memref<2x32x!tpu.dma_semaphore, #tpu.memory_space<semaphore_mem>> -> memref<1x1x!tpu.dma_semaphore, #tpu.memory_space<semaphore_mem>>
    %dma_wait3A_278 = tpu.memref_squeeze %dma_wait3A_277 : memref<1x1x!tpu.dma_semaphore, #tpu.memory_space<semaphore_mem>> -> memref<!tpu.dma_semaphore, #tpu.memory_space<semaphore_mem>>
    %dma_wait3A_279 = arith.constant 0 : i32
    %dma_wait3A_280 = arith.constant 0 : i32
    %dma_wait3A_281 = tpu.memref_slice %arg6[%rem3A_0, %dma_wait3A_275, %dma_wait3A_279, %dma_wait3A_280] : memref<2x32x512x128xf32, #tpu.memory_space<vmem>> -> memref<1x1x512x128xf32, #tpu.memory_space<vmem>>
    %dma_wait3A_282 = tpu.memref_squeeze %dma_wait3A_281 : memref<1x1x512x128xf32, #tpu.memory_space<vmem>> -> memref<512x128xf32, #tpu.memory_space<vmem>>
    %dma_wait3A_283 = arith.constant 0 : i32
    %dma_wait3A_284 = tpu.memref_slice %arg4[%mul3A_42, %dma_wait3A_274, %dma_wait3A_283] : memref<4096x64x128xf32, #tpu.memory_space<any>> -> memref<512x1x128xf32, #tpu.memory_space<any>>
    %dma_wait3A_285 = tpu.memref_squeeze %dma_wait3A_284 : memref<512x1x128xf32, #tpu.memory_space<any>> -> memref<512x128xf32, #tpu.memory_space<any>>
    tpu.wait_dma2 semaphore(%dma_wait3A_278 : memref<!tpu.dma_semaphore, #tpu.memory_space<semaphore_mem>>) src(%dma_wait3A_285 : memref<512x128xf32, #tpu.memory_space<any>>) dst(%dma_wait3A_282 : memref<512x128xf32, #tpu.memory_space<vmem>>)
    %dma_wait3A_286 = arith.constant 36 : i32
    %dma_wait3A_287 = arith.constant 18 : i32
    %dma_wait3A_288 = arith.constant 18 : i32
    %dma_wait3A_289 = tpu.memref_slice %arg9[%rem3A_0, %dma_wait3A_288] : memref<2x32x!tpu.dma_semaphore, #tpu.memory_space<semaphore_mem>> -> memref<1x1x!tpu.dma_semaphore, #tpu.memory_space<semaphore_mem>>
    %dma_wait3A_290 = tpu.memref_squeeze %dma_wait3A_289 : memref<1x1x!tpu.dma_semaphore, #tpu.memory_space<semaphore_mem>> -> memref<!tpu.dma_semaphore, #tpu.memory_space<semaphore_mem>>
    %dma_wait3A_291 = arith.constant 0 : i32
    %dma_wait3A_292 = arith.constant 0 : i32
    %dma_wait3A_293 = tpu.memref_slice %arg6[%rem3A_0, %dma_wait3A_287, %dma_wait3A_291, %dma_wait3A_292] : memref<2x32x512x128xf32, #tpu.memory_space<vmem>> -> memref<1x1x512x128xf32, #tpu.memory_space<vmem>>
    %dma_wait3A_294 = tpu.memref_squeeze %dma_wait3A_293 : memref<1x1x512x128xf32, #tpu.memory_space<vmem>> -> memref<512x128xf32, #tpu.memory_space<vmem>>
    %dma_wait3A_295 = arith.constant 0 : i32
    %dma_wait3A_296 = tpu.memref_slice %arg4[%mul3A_44, %dma_wait3A_286, %dma_wait3A_295] : memref<4096x64x128xf32, #tpu.memory_space<any>> -> memref<512x1x128xf32, #tpu.memory_space<any>>
    %dma_wait3A_297 = tpu.memref_squeeze %dma_wait3A_296 : memref<512x1x128xf32, #tpu.memory_space<any>> -> memref<512x128xf32, #tpu.memory_space<any>>
    tpu.wait_dma2 semaphore(%dma_wait3A_290 : memref<!tpu.dma_semaphore, #tpu.memory_space<semaphore_mem>>) src(%dma_wait3A_297 : memref<512x128xf32, #tpu.memory_space<any>>) dst(%dma_wait3A_294 : memref<512x128xf32, #tpu.memory_space<vmem>>)
    %dma_wait3A_298 = arith.constant 38 : i32
    %dma_wait3A_299 = arith.constant 19 : i32
    %dma_wait3A_300 = arith.constant 19 : i32
    %dma_wait3A_301 = tpu.memref_slice %arg9[%rem3A_0, %dma_wait3A_300] : memref<2x32x!tpu.dma_semaphore, #tpu.memory_space<semaphore_mem>> -> memref<1x1x!tpu.dma_semaphore, #tpu.memory_space<semaphore_mem>>
    %dma_wait3A_302 = tpu.memref_squeeze %dma_wait3A_301 : memref<1x1x!tpu.dma_semaphore, #tpu.memory_space<semaphore_mem>> -> memref<!tpu.dma_semaphore, #tpu.memory_space<semaphore_mem>>
    %dma_wait3A_303 = arith.constant 0 : i32
    %dma_wait3A_304 = arith.constant 0 : i32
    %dma_wait3A_305 = tpu.memref_slice %arg6[%rem3A_0, %dma_wait3A_299, %dma_wait3A_303, %dma_wait3A_304] : memref<2x32x512x128xf32, #tpu.memory_space<vmem>> -> memref<1x1x512x128xf32, #tpu.memory_space<vmem>>
    %dma_wait3A_306 = tpu.memref_squeeze %dma_wait3A_305 : memref<1x1x512x128xf32, #tpu.memory_space<vmem>> -> memref<512x128xf32, #tpu.memory_space<vmem>>
    %dma_wait3A_307 = arith.constant 0 : i32
    %dma_wait3A_308 = tpu.memref_slice %arg4[%mul3A_46, %dma_wait3A_298, %dma_wait3A_307] : memref<4096x64x128xf32, #tpu.memory_space<any>> -> memref<512x1x128xf32, #tpu.memory_space<any>>
    %dma_wait3A_309 = tpu.memref_squeeze %dma_wait3A_308 : memref<512x1x128xf32, #tpu.memory_space<any>> -> memref<512x128xf32, #tpu.memory_space<any>>
    tpu.wait_dma2 semaphore(%dma_wait3A_302 : memref<!tpu.dma_semaphore, #tpu.memory_space<semaphore_mem>>) src(%dma_wait3A_309 : memref<512x128xf32, #tpu.memory_space<any>>) dst(%dma_wait3A_306 : memref<512x128xf32, #tpu.memory_space<vmem>>)
    %dma_wait3A_310 = arith.constant 40 : i32
    %dma_wait3A_311 = arith.constant 20 : i32
    %dma_wait3A_312 = arith.constant 20 : i32
    %dma_wait3A_313 = tpu.memref_slice %arg9[%rem3A_0, %dma_wait3A_312] : memref<2x32x!tpu.dma_semaphore, #tpu.memory_space<semaphore_mem>> -> memref<1x1x!tpu.dma_semaphore, #tpu.memory_space<semaphore_mem>>
    %dma_wait3A_314 = tpu.memref_squeeze %dma_wait3A_313 : memref<1x1x!tpu.dma_semaphore, #tpu.memory_space<semaphore_mem>> -> memref<!tpu.dma_semaphore, #tpu.memory_space<semaphore_mem>>
    %dma_wait3A_315 = arith.constant 0 : i32
    %dma_wait3A_316 = arith.constant 0 : i32
    %dma_wait3A_317 = tpu.memref_slice %arg6[%rem3A_0, %dma_wait3A_311, %dma_wait3A_315, %dma_wait3A_316] : memref<2x32x512x128xf32, #tpu.memory_space<vmem>> -> memref<1x1x512x128xf32, #tpu.memory_space<vmem>>
    %dma_wait3A_318 = tpu.memref_squeeze %dma_wait3A_317 : memref<1x1x512x128xf32, #tpu.memory_space<vmem>> -> memref<512x128xf32, #tpu.memory_space<vmem>>
    %dma_wait3A_319 = arith.constant 0 : i32
    %dma_wait3A_320 = tpu.memref_slice %arg4[%mul3A_48, %dma_wait3A_310, %dma_wait3A_319] : memref<4096x64x128xf32, #tpu.memory_space<any>> -> memref<512x1x128xf32, #tpu.memory_space<any>>
    %dma_wait3A_321 = tpu.memref_squeeze %dma_wait3A_320 : memref<512x1x128xf32, #tpu.memory_space<any>> -> memref<512x128xf32, #tpu.memory_space<any>>
    tpu.wait_dma2 semaphore(%dma_wait3A_314 : memref<!tpu.dma_semaphore, #tpu.memory_space<semaphore_mem>>) src(%dma_wait3A_321 : memref<512x128xf32, #tpu.memory_space<any>>) dst(%dma_wait3A_318 : memref<512x128xf32, #tpu.memory_space<vmem>>)
    %dma_wait3A_322 = arith.constant 42 : i32
    %dma_wait3A_323 = arith.constant 21 : i32
    %dma_wait3A_324 = arith.constant 21 : i32
    %dma_wait3A_325 = tpu.memref_slice %arg9[%rem3A_0, %dma_wait3A_324] : memref<2x32x!tpu.dma_semaphore, #tpu.memory_space<semaphore_mem>> -> memref<1x1x!tpu.dma_semaphore, #tpu.memory_space<semaphore_mem>>
    %dma_wait3A_326 = tpu.memref_squeeze %dma_wait3A_325 : memref<1x1x!tpu.dma_semaphore, #tpu.memory_space<semaphore_mem>> -> memref<!tpu.dma_semaphore, #tpu.memory_space<semaphore_mem>>
    %dma_wait3A_327 = arith.constant 0 : i32
    %dma_wait3A_328 = arith.constant 0 : i32
    %dma_wait3A_329 = tpu.memref_slice %arg6[%rem3A_0, %dma_wait3A_323, %dma_wait3A_327, %dma_wait3A_328] : memref<2x32x512x128xf32, #tpu.memory_space<vmem>> -> memref<1x1x512x128xf32, #tpu.memory_space<vmem>>
    %dma_wait3A_330 = tpu.memref_squeeze %dma_wait3A_329 : memref<1x1x512x128xf32, #tpu.memory_space<vmem>> -> memref<512x128xf32, #tpu.memory_space<vmem>>
    %dma_wait3A_331 = arith.constant 0 : i32
    %dma_wait3A_332 = tpu.memref_slice %arg4[%mul3A_50, %dma_wait3A_322, %dma_wait3A_331] : memref<4096x64x128xf32, #tpu.memory_space<any>> -> memref<512x1x128xf32, #tpu.memory_space<any>>
    %dma_wait3A_333 = tpu.memref_squeeze %dma_wait3A_332 : memref<512x1x128xf32, #tpu.memory_space<any>> -> memref<512x128xf32, #tpu.memory_space<any>>
    tpu.wait_dma2 semaphore(%dma_wait3A_326 : memref<!tpu.dma_semaphore, #tpu.memory_space<semaphore_mem>>) src(%dma_wait3A_333 : memref<512x128xf32, #tpu.memory_space<any>>) dst(%dma_wait3A_330 : memref<512x128xf32, #tpu.memory_space<vmem>>)
    %dma_wait3A_334 = arith.constant 44 : i32
    %dma_wait3A_335 = arith.constant 22 : i32
    %dma_wait3A_336 = arith.constant 22 : i32
    %dma_wait3A_337 = tpu.memref_slice %arg9[%rem3A_0, %dma_wait3A_336] : memref<2x32x!tpu.dma_semaphore, #tpu.memory_space<semaphore_mem>> -> memref<1x1x!tpu.dma_semaphore, #tpu.memory_space<semaphore_mem>>
    %dma_wait3A_338 = tpu.memref_squeeze %dma_wait3A_337 : memref<1x1x!tpu.dma_semaphore, #tpu.memory_space<semaphore_mem>> -> memref<!tpu.dma_semaphore, #tpu.memory_space<semaphore_mem>>
    %dma_wait3A_339 = arith.constant 0 : i32
    %dma_wait3A_340 = arith.constant 0 : i32
    %dma_wait3A_341 = tpu.memref_slice %arg6[%rem3A_0, %dma_wait3A_335, %dma_wait3A_339, %dma_wait3A_340] : memref<2x32x512x128xf32, #tpu.memory_space<vmem>> -> memref<1x1x512x128xf32, #tpu.memory_space<vmem>>
    %dma_wait3A_342 = tpu.memref_squeeze %dma_wait3A_341 : memref<1x1x512x128xf32, #tpu.memory_space<vmem>> -> memref<512x128xf32, #tpu.memory_space<vmem>>
    %dma_wait3A_343 = arith.constant 0 : i32
    %dma_wait3A_344 = tpu.memref_slice %arg4[%mul3A_52, %dma_wait3A_334, %dma_wait3A_343] : memref<4096x64x128xf32, #tpu.memory_space<any>> -> memref<512x1x128xf32, #tpu.memory_space<any>>
    %dma_wait3A_345 = tpu.memref_squeeze %dma_wait3A_344 : memref<512x1x128xf32, #tpu.memory_space<any>> -> memref<512x128xf32, #tpu.memory_space<any>>
    tpu.wait_dma2 semaphore(%dma_wait3A_338 : memref<!tpu.dma_semaphore, #tpu.memory_space<semaphore_mem>>) src(%dma_wait3A_345 : memref<512x128xf32, #tpu.memory_space<any>>) dst(%dma_wait3A_342 : memref<512x128xf32, #tpu.memory_space<vmem>>)
    %dma_wait3A_346 = arith.constant 46 : i32
    %dma_wait3A_347 = arith.constant 23 : i32
    %dma_wait3A_348 = arith.constant 23 : i32
    %dma_wait3A_349 = tpu.memref_slice %arg9[%rem3A_0, %dma_wait3A_348] : memref<2x32x!tpu.dma_semaphore, #tpu.memory_space<semaphore_mem>> -> memref<1x1x!tpu.dma_semaphore, #tpu.memory_space<semaphore_mem>>
    %dma_wait3A_350 = tpu.memref_squeeze %dma_wait3A_349 : memref<1x1x!tpu.dma_semaphore, #tpu.memory_space<semaphore_mem>> -> memref<!tpu.dma_semaphore, #tpu.memory_space<semaphore_mem>>
    %dma_wait3A_351 = arith.constant 0 : i32
    %dma_wait3A_352 = arith.constant 0 : i32
    %dma_wait3A_353 = tpu.memref_slice %arg6[%rem3A_0, %dma_wait3A_347, %dma_wait3A_351, %dma_wait3A_352] : memref<2x32x512x128xf32, #tpu.memory_space<vmem>> -> memref<1x1x512x128xf32, #tpu.memory_space<vmem>>
    %dma_wait3A_354 = tpu.memref_squeeze %dma_wait3A_353 : memref<1x1x512x128xf32, #tpu.memory_space<vmem>> -> memref<512x128xf32, #tpu.memory_space<vmem>>
    %dma_wait3A_355 = arith.constant 0 : i32
    %dma_wait3A_356 = tpu.memref_slice %arg4[%mul3A_54, %dma_wait3A_346, %dma_wait3A_355] : memref<4096x64x128xf32, #tpu.memory_space<any>> -> memref<512x1x128xf32, #tpu.memory_space<any>>
    %dma_wait3A_357 = tpu.memref_squeeze %dma_wait3A_356 : memref<512x1x128xf32, #tpu.memory_space<any>> -> memref<512x128xf32, #tpu.memory_space<any>>
    tpu.wait_dma2 semaphore(%dma_wait3A_350 : memref<!tpu.dma_semaphore, #tpu.memory_space<semaphore_mem>>) src(%dma_wait3A_357 : memref<512x128xf32, #tpu.memory_space<any>>) dst(%dma_wait3A_354 : memref<512x128xf32, #tpu.memory_space<vmem>>)
    %dma_wait3A_358 = arith.constant 48 : i32
    %dma_wait3A_359 = arith.constant 24 : i32
    %dma_wait3A_360 = arith.constant 24 : i32
    %dma_wait3A_361 = tpu.memref_slice %arg9[%rem3A_0, %dma_wait3A_360] : memref<2x32x!tpu.dma_semaphore, #tpu.memory_space<semaphore_mem>> -> memref<1x1x!tpu.dma_semaphore, #tpu.memory_space<semaphore_mem>>
    %dma_wait3A_362 = tpu.memref_squeeze %dma_wait3A_361 : memref<1x1x!tpu.dma_semaphore, #tpu.memory_space<semaphore_mem>> -> memref<!tpu.dma_semaphore, #tpu.memory_space<semaphore_mem>>
    %dma_wait3A_363 = arith.constant 0 : i32
    %dma_wait3A_364 = arith.constant 0 : i32
    %dma_wait3A_365 = tpu.memref_slice %arg6[%rem3A_0, %dma_wait3A_359, %dma_wait3A_363, %dma_wait3A_364] : memref<2x32x512x128xf32, #tpu.memory_space<vmem>> -> memref<1x1x512x128xf32, #tpu.memory_space<vmem>>
    %dma_wait3A_366 = tpu.memref_squeeze %dma_wait3A_365 : memref<1x1x512x128xf32, #tpu.memory_space<vmem>> -> memref<512x128xf32, #tpu.memory_space<vmem>>
    %dma_wait3A_367 = arith.constant 0 : i32
    %dma_wait3A_368 = tpu.memref_slice %arg4[%mul3A_56, %dma_wait3A_358, %dma_wait3A_367] : memref<4096x64x128xf32, #tpu.memory_space<any>> -> memref<512x1x128xf32, #tpu.memory_space<any>>
    %dma_wait3A_369 = tpu.memref_squeeze %dma_wait3A_368 : memref<512x1x128xf32, #tpu.memory_space<any>> -> memref<512x128xf32, #tpu.memory_space<any>>
    tpu.wait_dma2 semaphore(%dma_wait3A_362 : memref<!tpu.dma_semaphore, #tpu.memory_space<semaphore_mem>>) src(%dma_wait3A_369 : memref<512x128xf32, #tpu.memory_space<any>>) dst(%dma_wait3A_366 : memref<512x128xf32, #tpu.memory_space<vmem>>)
    %dma_wait3A_370 = arith.constant 50 : i32
    %dma_wait3A_371 = arith.constant 25 : i32
    %dma_wait3A_372 = arith.constant 25 : i32
    %dma_wait3A_373 = tpu.memref_slice %arg9[%rem3A_0, %dma_wait3A_372] : memref<2x32x!tpu.dma_semaphore, #tpu.memory_space<semaphore_mem>> -> memref<1x1x!tpu.dma_semaphore, #tpu.memory_space<semaphore_mem>>
    %dma_wait3A_374 = tpu.memref_squeeze %dma_wait3A_373 : memref<1x1x!tpu.dma_semaphore, #tpu.memory_space<semaphore_mem>> -> memref<!tpu.dma_semaphore, #tpu.memory_space<semaphore_mem>>
    %dma_wait3A_375 = arith.constant 0 : i32
    %dma_wait3A_376 = arith.constant 0 : i32
    %dma_wait3A_377 = tpu.memref_slice %arg6[%rem3A_0, %dma_wait3A_371, %dma_wait3A_375, %dma_wait3A_376] : memref<2x32x512x128xf32, #tpu.memory_space<vmem>> -> memref<1x1x512x128xf32, #tpu.memory_space<vmem>>
    %dma_wait3A_378 = tpu.memref_squeeze %dma_wait3A_377 : memref<1x1x512x128xf32, #tpu.memory_space<vmem>> -> memref<512x128xf32, #tpu.memory_space<vmem>>
    %dma_wait3A_379 = arith.constant 0 : i32
    %dma_wait3A_380 = tpu.memref_slice %arg4[%mul3A_58, %dma_wait3A_370, %dma_wait3A_379] : memref<4096x64x128xf32, #tpu.memory_space<any>> -> memref<512x1x128xf32, #tpu.memory_space<any>>
    %dma_wait3A_381 = tpu.memref_squeeze %dma_wait3A_380 : memref<512x1x128xf32, #tpu.memory_space<any>> -> memref<512x128xf32, #tpu.memory_space<any>>
    tpu.wait_dma2 semaphore(%dma_wait3A_374 : memref<!tpu.dma_semaphore, #tpu.memory_space<semaphore_mem>>) src(%dma_wait3A_381 : memref<512x128xf32, #tpu.memory_space<any>>) dst(%dma_wait3A_378 : memref<512x128xf32, #tpu.memory_space<vmem>>)
    %dma_wait3A_382 = arith.constant 52 : i32
    %dma_wait3A_383 = arith.constant 26 : i32
    %dma_wait3A_384 = arith.constant 26 : i32
    %dma_wait3A_385 = tpu.memref_slice %arg9[%rem3A_0, %dma_wait3A_384] : memref<2x32x!tpu.dma_semaphore, #tpu.memory_space<semaphore_mem>> -> memref<1x1x!tpu.dma_semaphore, #tpu.memory_space<semaphore_mem>>
    %dma_wait3A_386 = tpu.memref_squeeze %dma_wait3A_385 : memref<1x1x!tpu.dma_semaphore, #tpu.memory_space<semaphore_mem>> -> memref<!tpu.dma_semaphore, #tpu.memory_space<semaphore_mem>>
    %dma_wait3A_387 = arith.constant 0 : i32
    %dma_wait3A_388 = arith.constant 0 : i32
    %dma_wait3A_389 = tpu.memref_slice %arg6[%rem3A_0, %dma_wait3A_383, %dma_wait3A_387, %dma_wait3A_388] : memref<2x32x512x128xf32, #tpu.memory_space<vmem>> -> memref<1x1x512x128xf32, #tpu.memory_space<vmem>>
    %dma_wait3A_390 = tpu.memref_squeeze %dma_wait3A_389 : memref<1x1x512x128xf32, #tpu.memory_space<vmem>> -> memref<512x128xf32, #tpu.memory_space<vmem>>
    %dma_wait3A_391 = arith.constant 0 : i32
    %dma_wait3A_392 = tpu.memref_slice %arg4[%mul3A_60, %dma_wait3A_382, %dma_wait3A_391] : memref<4096x64x128xf32, #tpu.memory_space<any>> -> memref<512x1x128xf32, #tpu.memory_space<any>>
    %dma_wait3A_393 = tpu.memref_squeeze %dma_wait3A_392 : memref<512x1x128xf32, #tpu.memory_space<any>> -> memref<512x128xf32, #tpu.memory_space<any>>
    tpu.wait_dma2 semaphore(%dma_wait3A_386 : memref<!tpu.dma_semaphore, #tpu.memory_space<semaphore_mem>>) src(%dma_wait3A_393 : memref<512x128xf32, #tpu.memory_space<any>>) dst(%dma_wait3A_390 : memref<512x128xf32, #tpu.memory_space<vmem>>)
    %dma_wait3A_394 = arith.constant 54 : i32
    %dma_wait3A_395 = arith.constant 27 : i32
    %dma_wait3A_396 = arith.constant 27 : i32
    %dma_wait3A_397 = tpu.memref_slice %arg9[%rem3A_0, %dma_wait3A_396] : memref<2x32x!tpu.dma_semaphore, #tpu.memory_space<semaphore_mem>> -> memref<1x1x!tpu.dma_semaphore, #tpu.memory_space<semaphore_mem>>
    %dma_wait3A_398 = tpu.memref_squeeze %dma_wait3A_397 : memref<1x1x!tpu.dma_semaphore, #tpu.memory_space<semaphore_mem>> -> memref<!tpu.dma_semaphore, #tpu.memory_space<semaphore_mem>>
    %dma_wait3A_399 = arith.constant 0 : i32
    %dma_wait3A_400 = arith.constant 0 : i32
    %dma_wait3A_401 = tpu.memref_slice %arg6[%rem3A_0, %dma_wait3A_395, %dma_wait3A_399, %dma_wait3A_400] : memref<2x32x512x128xf32, #tpu.memory_space<vmem>> -> memref<1x1x512x128xf32, #tpu.memory_space<vmem>>
    %dma_wait3A_402 = tpu.memref_squeeze %dma_wait3A_401 : memref<1x1x512x128xf32, #tpu.memory_space<vmem>> -> memref<512x128xf32, #tpu.memory_space<vmem>>
    %dma_wait3A_403 = arith.constant 0 : i32
    %dma_wait3A_404 = tpu.memref_slice %arg4[%mul3A_62, %dma_wait3A_394, %dma_wait3A_403] : memref<4096x64x128xf32, #tpu.memory_space<any>> -> memref<512x1x128xf32, #tpu.memory_space<any>>
    %dma_wait3A_405 = tpu.memref_squeeze %dma_wait3A_404 : memref<512x1x128xf32, #tpu.memory_space<any>> -> memref<512x128xf32, #tpu.memory_space<any>>
    tpu.wait_dma2 semaphore(%dma_wait3A_398 : memref<!tpu.dma_semaphore, #tpu.memory_space<semaphore_mem>>) src(%dma_wait3A_405 : memref<512x128xf32, #tpu.memory_space<any>>) dst(%dma_wait3A_402 : memref<512x128xf32, #tpu.memory_space<vmem>>)
    %dma_wait3A_406 = arith.constant 56 : i32
    %dma_wait3A_407 = arith.constant 28 : i32
    %dma_wait3A_408 = arith.constant 28 : i32
    %dma_wait3A_409 = tpu.memref_slice %arg9[%rem3A_0, %dma_wait3A_408] : memref<2x32x!tpu.dma_semaphore, #tpu.memory_space<semaphore_mem>> -> memref<1x1x!tpu.dma_semaphore, #tpu.memory_space<semaphore_mem>>
    %dma_wait3A_410 = tpu.memref_squeeze %dma_wait3A_409 : memref<1x1x!tpu.dma_semaphore, #tpu.memory_space<semaphore_mem>> -> memref<!tpu.dma_semaphore, #tpu.memory_space<semaphore_mem>>
    %dma_wait3A_411 = arith.constant 0 : i32
    %dma_wait3A_412 = arith.constant 0 : i32
    %dma_wait3A_413 = tpu.memref_slice %arg6[%rem3A_0, %dma_wait3A_407, %dma_wait3A_411, %dma_wait3A_412] : memref<2x32x512x128xf32, #tpu.memory_space<vmem>> -> memref<1x1x512x128xf32, #tpu.memory_space<vmem>>
    %dma_wait3A_414 = tpu.memref_squeeze %dma_wait3A_413 : memref<1x1x512x128xf32, #tpu.memory_space<vmem>> -> memref<512x128xf32, #tpu.memory_space<vmem>>
    %dma_wait3A_415 = arith.constant 0 : i32
    %dma_wait3A_416 = tpu.memref_slice %arg4[%mul3A_64, %dma_wait3A_406, %dma_wait3A_415] : memref<4096x64x128xf32, #tpu.memory_space<any>> -> memref<512x1x128xf32, #tpu.memory_space<any>>
    %dma_wait3A_417 = tpu.memref_squeeze %dma_wait3A_416 : memref<512x1x128xf32, #tpu.memory_space<any>> -> memref<512x128xf32, #tpu.memory_space<any>>
    tpu.wait_dma2 semaphore(%dma_wait3A_410 : memref<!tpu.dma_semaphore, #tpu.memory_space<semaphore_mem>>) src(%dma_wait3A_417 : memref<512x128xf32, #tpu.memory_space<any>>) dst(%dma_wait3A_414 : memref<512x128xf32, #tpu.memory_space<vmem>>)
    %dma_wait3A_418 = arith.constant 58 : i32
    %dma_wait3A_419 = arith.constant 29 : i32
    %dma_wait3A_420 = arith.constant 29 : i32
    %dma_wait3A_421 = tpu.memref_slice %arg9[%rem3A_0, %dma_wait3A_420] : memref<2x32x!tpu.dma_semaphore, #tpu.memory_space<semaphore_mem>> -> memref<1x1x!tpu.dma_semaphore, #tpu.memory_space<semaphore_mem>>
    %dma_wait3A_422 = tpu.memref_squeeze %dma_wait3A_421 : memref<1x1x!tpu.dma_semaphore, #tpu.memory_space<semaphore_mem>> -> memref<!tpu.dma_semaphore, #tpu.memory_space<semaphore_mem>>
    %dma_wait3A_423 = arith.constant 0 : i32
    %dma_wait3A_424 = arith.constant 0 : i32
    %dma_wait3A_425 = tpu.memref_slice %arg6[%rem3A_0, %dma_wait3A_419, %dma_wait3A_423, %dma_wait3A_424] : memref<2x32x512x128xf32, #tpu.memory_space<vmem>> -> memref<1x1x512x128xf32, #tpu.memory_space<vmem>>
    %dma_wait3A_426 = tpu.memref_squeeze %dma_wait3A_425 : memref<1x1x512x128xf32, #tpu.memory_space<vmem>> -> memref<512x128xf32, #tpu.memory_space<vmem>>
    %dma_wait3A_427 = arith.constant 0 : i32
    %dma_wait3A_428 = tpu.memref_slice %arg4[%mul3A_66, %dma_wait3A_418, %dma_wait3A_427] : memref<4096x64x128xf32, #tpu.memory_space<any>> -> memref<512x1x128xf32, #tpu.memory_space<any>>
    %dma_wait3A_429 = tpu.memref_squeeze %dma_wait3A_428 : memref<512x1x128xf32, #tpu.memory_space<any>> -> memref<512x128xf32, #tpu.memory_space<any>>
    tpu.wait_dma2 semaphore(%dma_wait3A_422 : memref<!tpu.dma_semaphore, #tpu.memory_space<semaphore_mem>>) src(%dma_wait3A_429 : memref<512x128xf32, #tpu.memory_space<any>>) dst(%dma_wait3A_426 : memref<512x128xf32, #tpu.memory_space<vmem>>)
    %dma_wait3A_430 = arith.constant 60 : i32
    %dma_wait3A_431 = arith.constant 30 : i32
    %dma_wait3A_432 = arith.constant 30 : i32
    %dma_wait3A_433 = tpu.memref_slice %arg9[%rem3A_0, %dma_wait3A_432] : memref<2x32x!tpu.dma_semaphore, #tpu.memory_space<semaphore_mem>> -> memref<1x1x!tpu.dma_semaphore, #tpu.memory_space<semaphore_mem>>
    %dma_wait3A_434 = tpu.memref_squeeze %dma_wait3A_433 : memref<1x1x!tpu.dma_semaphore, #tpu.memory_space<semaphore_mem>> -> memref<!tpu.dma_semaphore, #tpu.memory_space<semaphore_mem>>
    %dma_wait3A_435 = arith.constant 0 : i32
    %dma_wait3A_436 = arith.constant 0 : i32
    %dma_wait3A_437 = tpu.memref_slice %arg6[%rem3A_0, %dma_wait3A_431, %dma_wait3A_435, %dma_wait3A_436] : memref<2x32x512x128xf32, #tpu.memory_space<vmem>> -> memref<1x1x512x128xf32, #tpu.memory_space<vmem>>
    %dma_wait3A_438 = tpu.memref_squeeze %dma_wait3A_437 : memref<1x1x512x128xf32, #tpu.memory_space<vmem>> -> memref<512x128xf32, #tpu.memory_space<vmem>>
    %dma_wait3A_439 = arith.constant 0 : i32
    %dma_wait3A_440 = tpu.memref_slice %arg4[%mul3A_68, %dma_wait3A_430, %dma_wait3A_439] : memref<4096x64x128xf32, #tpu.memory_space<any>> -> memref<512x1x128xf32, #tpu.memory_space<any>>
    %dma_wait3A_441 = tpu.memref_squeeze %dma_wait3A_440 : memref<512x1x128xf32, #tpu.memory_space<any>> -> memref<512x128xf32, #tpu.memory_space<any>>
    tpu.wait_dma2 semaphore(%dma_wait3A_434 : memref<!tpu.dma_semaphore, #tpu.memory_space<semaphore_mem>>) src(%dma_wait3A_441 : memref<512x128xf32, #tpu.memory_space<any>>) dst(%dma_wait3A_438 : memref<512x128xf32, #tpu.memory_space<vmem>>)
    %dma_wait3A_442 = arith.constant 62 : i32
    %dma_wait3A_443 = arith.constant 31 : i32
    %dma_wait3A_444 = arith.constant 31 : i32
    %dma_wait3A_445 = tpu.memref_slice %arg9[%rem3A_0, %dma_wait3A_444] : memref<2x32x!tpu.dma_semaphore, #tpu.memory_space<semaphore_mem>> -> memref<1x1x!tpu.dma_semaphore, #tpu.memory_space<semaphore_mem>>
    %dma_wait3A_446 = tpu.memref_squeeze %dma_wait3A_445 : memref<1x1x!tpu.dma_semaphore, #tpu.memory_space<semaphore_mem>> -> memref<!tpu.dma_semaphore, #tpu.memory_space<semaphore_mem>>
    %dma_wait3A_447 = arith.constant 0 : i32
    %dma_wait3A_448 = arith.constant 0 : i32
    %dma_wait3A_449 = tpu.memref_slice %arg6[%rem3A_0, %dma_wait3A_443, %dma_wait3A_447, %dma_wait3A_448] : memref<2x32x512x128xf32, #tpu.memory_space<vmem>> -> memref<1x1x512x128xf32, #tpu.memory_space<vmem>>
    %dma_wait3A_450 = tpu.memref_squeeze %dma_wait3A_449 : memref<1x1x512x128xf32, #tpu.memory_space<vmem>> -> memref<512x128xf32, #tpu.memory_space<vmem>>
    %dma_wait3A_451 = arith.constant 0 : i32
    %dma_wait3A_452 = tpu.memref_slice %arg4[%mul3A_70, %dma_wait3A_442, %dma_wait3A_451] : memref<4096x64x128xf32, #tpu.memory_space<any>> -> memref<512x1x128xf32, #tpu.memory_space<any>>
    %dma_wait3A_453 = tpu.memref_squeeze %dma_wait3A_452 : memref<512x1x128xf32, #tpu.memory_space<any>> -> memref<512x128xf32, #tpu.memory_space<any>>
    tpu.wait_dma2 semaphore(%dma_wait3A_446 : memref<!tpu.dma_semaphore, #tpu.memory_space<semaphore_mem>>) src(%dma_wait3A_453 : memref<512x128xf32, #tpu.memory_space<any>>) dst(%dma_wait3A_450 : memref<512x128xf32, #tpu.memory_space<vmem>>)
    %get3A = arith.constant 0 : index
    %get3A_454 = arith.constant 0 : index
    %get3A_455 = vector.load %arg1[%get3A, %get3A_454] : memref<16x512xf32, #tpu.memory_space<vmem>>, vector<16x512xf32>
    %get3A_456 = arith.constant 0 : index
    %get3A_457 = arith.constant 0 : index
    %get3A_458 = vector.load %arg2[%get3A_456, %get3A_457] : memref<16x512xf32, #tpu.memory_space<vmem>>, vector<16x512xf32>
    %get3A_459 = arith.index_cast %rem3A_0 : i32 to index
    %get3A_460 = arith.constant 0 : index
    %get3A_461 = arith.constant 0 : index
    %get3A_462 = arith.constant 0 : index
    %get3A_463 = vector.load %arg6[%get3A_459, %get3A_460, %get3A_461, %get3A_462] : memref<2x32x512x128xf32, #tpu.memory_space<vmem>>, vector<1x1x512x128xf32>
    %get3A_464 = vector.shape_cast %get3A_463 : vector<1x1x512x128xf32> to vector<512x128xf32>
    %dot_general3A = arith.constant dense<0.000000e+00> : vector<16x128xf32>
    %dot_general3A_465 = tpu.matmul %get3A_455, %get3A_464, %dot_general3A {dimension_numbers = #tpu.dot_dimension_numbers<[1], [0], [0], [1], [0, 0, 1, 1], [], []>, transpose_lhs_hint = false} : vector<16x512xf32>, vector<512x128xf32>, vector<16x128xf32> -> vector<16x128xf32>
    %dot_general3A_466 = arith.constant dense<0.000000e+00> : vector<16x128xf32>
    %dot_general3A_467 = tpu.matmul %get3A_458, %get3A_464, %dot_general3A_466 {dimension_numbers = #tpu.dot_dimension_numbers<[1], [0], [0], [1], [0, 0, 1, 1], [], []>, transpose_lhs_hint = false} : vector<16x512xf32>, vector<512x128xf32>, vector<16x128xf32> -> vector<16x128xf32>
    %get3A_468 = arith.index_cast %rem3A_0 : i32 to index
    %get3A_469 = arith.constant 1 : index
    %get3A_470 = arith.constant 0 : index
    %get3A_471 = arith.constant 0 : index
    %get3A_472 = vector.load %arg6[%get3A_468, %get3A_469, %get3A_470, %get3A_471] : memref<2x32x512x128xf32, #tpu.memory_space<vmem>>, vector<1x1x512x128xf32>
    %get3A_473 = vector.shape_cast %get3A_472 : vector<1x1x512x128xf32> to vector<512x128xf32>
    %dot_general3A_474 = arith.constant dense<0.000000e+00> : vector<16x128xf32>
    %dot_general3A_475 = tpu.matmul %get3A_455, %get3A_473, %dot_general3A_474 {dimension_numbers = #tpu.dot_dimension_numbers<[1], [0], [0], [1], [0, 0, 1, 1], [], []>, transpose_lhs_hint = false} : vector<16x512xf32>, vector<512x128xf32>, vector<16x128xf32> -> vector<16x128xf32>
    %dot_general3A_476 = arith.constant dense<0.000000e+00> : vector<16x128xf32>
    %dot_general3A_477 = tpu.matmul %get3A_458, %get3A_473, %dot_general3A_476 {dimension_numbers = #tpu.dot_dimension_numbers<[1], [0], [0], [1], [0, 0, 1, 1], [], []>, transpose_lhs_hint = false} : vector<16x512xf32>, vector<512x128xf32>, vector<16x128xf32> -> vector<16x128xf32>
    %get3A_478 = arith.index_cast %rem3A_0 : i32 to index
    %get3A_479 = arith.constant 2 : index
    %get3A_480 = arith.constant 0 : index
    %get3A_481 = arith.constant 0 : index
    %get3A_482 = vector.load %arg6[%get3A_478, %get3A_479, %get3A_480, %get3A_481] : memref<2x32x512x128xf32, #tpu.memory_space<vmem>>, vector<1x1x512x128xf32>
    %get3A_483 = vector.shape_cast %get3A_482 : vector<1x1x512x128xf32> to vector<512x128xf32>
    %dot_general3A_484 = arith.constant dense<0.000000e+00> : vector<16x128xf32>
    %dot_general3A_485 = tpu.matmul %get3A_455, %get3A_483, %dot_general3A_484 {dimension_numbers = #tpu.dot_dimension_numbers<[1], [0], [0], [1], [0, 0, 1, 1], [], []>, transpose_lhs_hint = false} : vector<16x512xf32>, vector<512x128xf32>, vector<16x128xf32> -> vector<16x128xf32>
    %dot_general3A_486 = arith.constant dense<0.000000e+00> : vector<16x128xf32>
    %dot_general3A_487 = tpu.matmul %get3A_458, %get3A_483, %dot_general3A_486 {dimension_numbers = #tpu.dot_dimension_numbers<[1], [0], [0], [1], [0, 0, 1, 1], [], []>, transpose_lhs_hint = false} : vector<16x512xf32>, vector<512x128xf32>, vector<16x128xf32> -> vector<16x128xf32>
    %get3A_488 = arith.index_cast %rem3A_0 : i32 to index
    %get3A_489 = arith.constant 3 : index
    %get3A_490 = arith.constant 0 : index
    %get3A_491 = arith.constant 0 : index
    %get3A_492 = vector.load %arg6[%get3A_488, %get3A_489, %get3A_490, %get3A_491] : memref<2x32x512x128xf32, #tpu.memory_space<vmem>>, vector<1x1x512x128xf32>
    %get3A_493 = vector.shape_cast %get3A_492 : vector<1x1x512x128xf32> to vector<512x128xf32>
    %dot_general3A_494 = arith.constant dense<0.000000e+00> : vector<16x128xf32>
    %dot_general3A_495 = tpu.matmul %get3A_455, %get3A_493, %dot_general3A_494 {dimension_numbers = #tpu.dot_dimension_numbers<[1], [0], [0], [1], [0, 0, 1, 1], [], []>, transpose_lhs_hint = false} : vector<16x512xf32>, vector<512x128xf32>, vector<16x128xf32> -> vector<16x128xf32>
    %dot_general3A_496 = arith.constant dense<0.000000e+00> : vector<16x128xf32>
    %dot_general3A_497 = tpu.matmul %get3A_458, %get3A_493, %dot_general3A_496 {dimension_numbers = #tpu.dot_dimension_numbers<[1], [0], [0], [1], [0, 0, 1, 1], [], []>, transpose_lhs_hint = false} : vector<16x512xf32>, vector<512x128xf32>, vector<16x128xf32> -> vector<16x128xf32>
    %get3A_498 = arith.index_cast %rem3A_0 : i32 to index
    %get3A_499 = arith.constant 4 : index
    %get3A_500 = arith.constant 0 : index
    %get3A_501 = arith.constant 0 : index
    %get3A_502 = vector.load %arg6[%get3A_498, %get3A_499, %get3A_500, %get3A_501] : memref<2x32x512x128xf32, #tpu.memory_space<vmem>>, vector<1x1x512x128xf32>
    %get3A_503 = vector.shape_cast %get3A_502 : vector<1x1x512x128xf32> to vector<512x128xf32>
    %dot_general3A_504 = arith.constant dense<0.000000e+00> : vector<16x128xf32>
    %dot_general3A_505 = tpu.matmul %get3A_455, %get3A_503, %dot_general3A_504 {dimension_numbers = #tpu.dot_dimension_numbers<[1], [0], [0], [1], [0, 0, 1, 1], [], []>, transpose_lhs_hint = false} : vector<16x512xf32>, vector<512x128xf32>, vector<16x128xf32> -> vector<16x128xf32>
    %dot_general3A_506 = arith.constant dense<0.000000e+00> : vector<16x128xf32>
    %dot_general3A_507 = tpu.matmul %get3A_458, %get3A_503, %dot_general3A_506 {dimension_numbers = #tpu.dot_dimension_numbers<[1], [0], [0], [1], [0, 0, 1, 1], [], []>, transpose_lhs_hint = false} : vector<16x512xf32>, vector<512x128xf32>, vector<16x128xf32> -> vector<16x128xf32>
    %get3A_508 = arith.index_cast %rem3A_0 : i32 to index
    %get3A_509 = arith.constant 5 : index
    %get3A_510 = arith.constant 0 : index
    %get3A_511 = arith.constant 0 : index
    %get3A_512 = vector.load %arg6[%get3A_508, %get3A_509, %get3A_510, %get3A_511] : memref<2x32x512x128xf32, #tpu.memory_space<vmem>>, vector<1x1x512x128xf32>
    %get3A_513 = vector.shape_cast %get3A_512 : vector<1x1x512x128xf32> to vector<512x128xf32>
    %dot_general3A_514 = arith.constant dense<0.000000e+00> : vector<16x128xf32>
    %dot_general3A_515 = tpu.matmul %get3A_455, %get3A_513, %dot_general3A_514 {dimension_numbers = #tpu.dot_dimension_numbers<[1], [0], [0], [1], [0, 0, 1, 1], [], []>, transpose_lhs_hint = false} : vector<16x512xf32>, vector<512x128xf32>, vector<16x128xf32> -> vector<16x128xf32>
    %dot_general3A_516 = arith.constant dense<0.000000e+00> : vector<16x128xf32>
    %dot_general3A_517 = tpu.matmul %get3A_458, %get3A_513, %dot_general3A_516 {dimension_numbers = #tpu.dot_dimension_numbers<[1], [0], [0], [1], [0, 0, 1, 1], [], []>, transpose_lhs_hint = false} : vector<16x512xf32>, vector<512x128xf32>, vector<16x128xf32> -> vector<16x128xf32>
    %get3A_518 = arith.index_cast %rem3A_0 : i32 to index
    %get3A_519 = arith.constant 6 : index
    %get3A_520 = arith.constant 0 : index
    %get3A_521 = arith.constant 0 : index
    %get3A_522 = vector.load %arg6[%get3A_518, %get3A_519, %get3A_520, %get3A_521] : memref<2x32x512x128xf32, #tpu.memory_space<vmem>>, vector<1x1x512x128xf32>
    %get3A_523 = vector.shape_cast %get3A_522 : vector<1x1x512x128xf32> to vector<512x128xf32>
    %dot_general3A_524 = arith.constant dense<0.000000e+00> : vector<16x128xf32>
    %dot_general3A_525 = tpu.matmul %get3A_455, %get3A_523, %dot_general3A_524 {dimension_numbers = #tpu.dot_dimension_numbers<[1], [0], [0], [1], [0, 0, 1, 1], [], []>, transpose_lhs_hint = false} : vector<16x512xf32>, vector<512x128xf32>, vector<16x128xf32> -> vector<16x128xf32>
    %dot_general3A_526 = arith.constant dense<0.000000e+00> : vector<16x128xf32>
    %dot_general3A_527 = tpu.matmul %get3A_458, %get3A_523, %dot_general3A_526 {dimension_numbers = #tpu.dot_dimension_numbers<[1], [0], [0], [1], [0, 0, 1, 1], [], []>, transpose_lhs_hint = false} : vector<16x512xf32>, vector<512x128xf32>, vector<16x128xf32> -> vector<16x128xf32>
    %get3A_528 = arith.index_cast %rem3A_0 : i32 to index
    %get3A_529 = arith.constant 7 : index
    %get3A_530 = arith.constant 0 : index
    %get3A_531 = arith.constant 0 : index
    %get3A_532 = vector.load %arg6[%get3A_528, %get3A_529, %get3A_530, %get3A_531] : memref<2x32x512x128xf32, #tpu.memory_space<vmem>>, vector<1x1x512x128xf32>
    %get3A_533 = vector.shape_cast %get3A_532 : vector<1x1x512x128xf32> to vector<512x128xf32>
    %dot_general3A_534 = arith.constant dense<0.000000e+00> : vector<16x128xf32>
    %dot_general3A_535 = tpu.matmul %get3A_455, %get3A_533, %dot_general3A_534 {dimension_numbers = #tpu.dot_dimension_numbers<[1], [0], [0], [1], [0, 0, 1, 1], [], []>, transpose_lhs_hint = false} : vector<16x512xf32>, vector<512x128xf32>, vector<16x128xf32> -> vector<16x128xf32>
    %dot_general3A_536 = arith.constant dense<0.000000e+00> : vector<16x128xf32>
    %dot_general3A_537 = tpu.matmul %get3A_458, %get3A_533, %dot_general3A_536 {dimension_numbers = #tpu.dot_dimension_numbers<[1], [0], [0], [1], [0, 0, 1, 1], [], []>, transpose_lhs_hint = false} : vector<16x512xf32>, vector<512x128xf32>, vector<16x128xf32> -> vector<16x128xf32>
    %get3A_538 = arith.index_cast %rem3A_0 : i32 to index
    %get3A_539 = arith.constant 8 : index
    %get3A_540 = arith.constant 0 : index
    %get3A_541 = arith.constant 0 : index
    %get3A_542 = vector.load %arg6[%get3A_538, %get3A_539, %get3A_540, %get3A_541] : memref<2x32x512x128xf32, #tpu.memory_space<vmem>>, vector<1x1x512x128xf32>
    %get3A_543 = vector.shape_cast %get3A_542 : vector<1x1x512x128xf32> to vector<512x128xf32>
    %dot_general3A_544 = arith.constant dense<0.000000e+00> : vector<16x128xf32>
    %dot_general3A_545 = tpu.matmul %get3A_455, %get3A_543, %dot_general3A_544 {dimension_numbers = #tpu.dot_dimension_numbers<[1], [0], [0], [1], [0, 0, 1, 1], [], []>, transpose_lhs_hint = false} : vector<16x512xf32>, vector<512x128xf32>, vector<16x128xf32> -> vector<16x128xf32>
    %dot_general3A_546 = arith.constant dense<0.000000e+00> : vector<16x128xf32>
    %dot_general3A_547 = tpu.matmul %get3A_458, %get3A_543, %dot_general3A_546 {dimension_numbers = #tpu.dot_dimension_numbers<[1], [0], [0], [1], [0, 0, 1, 1], [], []>, transpose_lhs_hint = false} : vector<16x512xf32>, vector<512x128xf32>, vector<16x128xf32> -> vector<16x128xf32>
    %get3A_548 = arith.index_cast %rem3A_0 : i32 to index
    %get3A_549 = arith.constant 9 : index
    %get3A_550 = arith.constant 0 : index
    %get3A_551 = arith.constant 0 : index
    %get3A_552 = vector.load %arg6[%get3A_548, %get3A_549, %get3A_550, %get3A_551] : memref<2x32x512x128xf32, #tpu.memory_space<vmem>>, vector<1x1x512x128xf32>
    %get3A_553 = vector.shape_cast %get3A_552 : vector<1x1x512x128xf32> to vector<512x128xf32>
    %dot_general3A_554 = arith.constant dense<0.000000e+00> : vector<16x128xf32>
    %dot_general3A_555 = tpu.matmul %get3A_455, %get3A_553, %dot_general3A_554 {dimension_numbers = #tpu.dot_dimension_numbers<[1], [0], [0], [1], [0, 0, 1, 1], [], []>, transpose_lhs_hint = false} : vector<16x512xf32>, vector<512x128xf32>, vector<16x128xf32> -> vector<16x128xf32>
    %dot_general3A_556 = arith.constant dense<0.000000e+00> : vector<16x128xf32>
    %dot_general3A_557 = tpu.matmul %get3A_458, %get3A_553, %dot_general3A_556 {dimension_numbers = #tpu.dot_dimension_numbers<[1], [0], [0], [1], [0, 0, 1, 1], [], []>, transpose_lhs_hint = false} : vector<16x512xf32>, vector<512x128xf32>, vector<16x128xf32> -> vector<16x128xf32>
    %get3A_558 = arith.index_cast %rem3A_0 : i32 to index
    %get3A_559 = arith.constant 10 : index
    %get3A_560 = arith.constant 0 : index
    %get3A_561 = arith.constant 0 : index
    %get3A_562 = vector.load %arg6[%get3A_558, %get3A_559, %get3A_560, %get3A_561] : memref<2x32x512x128xf32, #tpu.memory_space<vmem>>, vector<1x1x512x128xf32>
    %get3A_563 = vector.shape_cast %get3A_562 : vector<1x1x512x128xf32> to vector<512x128xf32>
    %dot_general3A_564 = arith.constant dense<0.000000e+00> : vector<16x128xf32>
    %dot_general3A_565 = tpu.matmul %get3A_455, %get3A_563, %dot_general3A_564 {dimension_numbers = #tpu.dot_dimension_numbers<[1], [0], [0], [1], [0, 0, 1, 1], [], []>, transpose_lhs_hint = false} : vector<16x512xf32>, vector<512x128xf32>, vector<16x128xf32> -> vector<16x128xf32>
    %dot_general3A_566 = arith.constant dense<0.000000e+00> : vector<16x128xf32>
    %dot_general3A_567 = tpu.matmul %get3A_458, %get3A_563, %dot_general3A_566 {dimension_numbers = #tpu.dot_dimension_numbers<[1], [0], [0], [1], [0, 0, 1, 1], [], []>, transpose_lhs_hint = false} : vector<16x512xf32>, vector<512x128xf32>, vector<16x128xf32> -> vector<16x128xf32>
    %get3A_568 = arith.index_cast %rem3A_0 : i32 to index
    %get3A_569 = arith.constant 11 : index
    %get3A_570 = arith.constant 0 : index
    %get3A_571 = arith.constant 0 : index
    %get3A_572 = vector.load %arg6[%get3A_568, %get3A_569, %get3A_570, %get3A_571] : memref<2x32x512x128xf32, #tpu.memory_space<vmem>>, vector<1x1x512x128xf32>
    %get3A_573 = vector.shape_cast %get3A_572 : vector<1x1x512x128xf32> to vector<512x128xf32>
    %dot_general3A_574 = arith.constant dense<0.000000e+00> : vector<16x128xf32>
    %dot_general3A_575 = tpu.matmul %get3A_455, %get3A_573, %dot_general3A_574 {dimension_numbers = #tpu.dot_dimension_numbers<[1], [0], [0], [1], [0, 0, 1, 1], [], []>, transpose_lhs_hint = false} : vector<16x512xf32>, vector<512x128xf32>, vector<16x128xf32> -> vector<16x128xf32>
    %dot_general3A_576 = arith.constant dense<0.000000e+00> : vector<16x128xf32>
    %dot_general3A_577 = tpu.matmul %get3A_458, %get3A_573, %dot_general3A_576 {dimension_numbers = #tpu.dot_dimension_numbers<[1], [0], [0], [1], [0, 0, 1, 1], [], []>, transpose_lhs_hint = false} : vector<16x512xf32>, vector<512x128xf32>, vector<16x128xf32> -> vector<16x128xf32>
    %get3A_578 = arith.index_cast %rem3A_0 : i32 to index
    %get3A_579 = arith.constant 12 : index
    %get3A_580 = arith.constant 0 : index
    %get3A_581 = arith.constant 0 : index
    %get3A_582 = vector.load %arg6[%get3A_578, %get3A_579, %get3A_580, %get3A_581] : memref<2x32x512x128xf32, #tpu.memory_space<vmem>>, vector<1x1x512x128xf32>
    %get3A_583 = vector.shape_cast %get3A_582 : vector<1x1x512x128xf32> to vector<512x128xf32>
    %dot_general3A_584 = arith.constant dense<0.000000e+00> : vector<16x128xf32>
    %dot_general3A_585 = tpu.matmul %get3A_455, %get3A_583, %dot_general3A_584 {dimension_numbers = #tpu.dot_dimension_numbers<[1], [0], [0], [1], [0, 0, 1, 1], [], []>, transpose_lhs_hint = false} : vector<16x512xf32>, vector<512x128xf32>, vector<16x128xf32> -> vector<16x128xf32>
    %dot_general3A_586 = arith.constant dense<0.000000e+00> : vector<16x128xf32>
    %dot_general3A_587 = tpu.matmul %get3A_458, %get3A_583, %dot_general3A_586 {dimension_numbers = #tpu.dot_dimension_numbers<[1], [0], [0], [1], [0, 0, 1, 1], [], []>, transpose_lhs_hint = false} : vector<16x512xf32>, vector<512x128xf32>, vector<16x128xf32> -> vector<16x128xf32>
    %get3A_588 = arith.index_cast %rem3A_0 : i32 to index
    %get3A_589 = arith.constant 13 : index
    %get3A_590 = arith.constant 0 : index
    %get3A_591 = arith.constant 0 : index
    %get3A_592 = vector.load %arg6[%get3A_588, %get3A_589, %get3A_590, %get3A_591] : memref<2x32x512x128xf32, #tpu.memory_space<vmem>>, vector<1x1x512x128xf32>
    %get3A_593 = vector.shape_cast %get3A_592 : vector<1x1x512x128xf32> to vector<512x128xf32>
    %dot_general3A_594 = arith.constant dense<0.000000e+00> : vector<16x128xf32>
    %dot_general3A_595 = tpu.matmul %get3A_455, %get3A_593, %dot_general3A_594 {dimension_numbers = #tpu.dot_dimension_numbers<[1], [0], [0], [1], [0, 0, 1, 1], [], []>, transpose_lhs_hint = false} : vector<16x512xf32>, vector<512x128xf32>, vector<16x128xf32> -> vector<16x128xf32>
    %dot_general3A_596 = arith.constant dense<0.000000e+00> : vector<16x128xf32>
    %dot_general3A_597 = tpu.matmul %get3A_458, %get3A_593, %dot_general3A_596 {dimension_numbers = #tpu.dot_dimension_numbers<[1], [0], [0], [1], [0, 0, 1, 1], [], []>, transpose_lhs_hint = false} : vector<16x512xf32>, vector<512x128xf32>, vector<16x128xf32> -> vector<16x128xf32>
    %get3A_598 = arith.index_cast %rem3A_0 : i32 to index
    %get3A_599 = arith.constant 14 : index
    %get3A_600 = arith.constant 0 : index
    %get3A_601 = arith.constant 0 : index
    %get3A_602 = vector.load %arg6[%get3A_598, %get3A_599, %get3A_600, %get3A_601] : memref<2x32x512x128xf32, #tpu.memory_space<vmem>>, vector<1x1x512x128xf32>
    %get3A_603 = vector.shape_cast %get3A_602 : vector<1x1x512x128xf32> to vector<512x128xf32>
    %dot_general3A_604 = arith.constant dense<0.000000e+00> : vector<16x128xf32>
    %dot_general3A_605 = tpu.matmul %get3A_455, %get3A_603, %dot_general3A_604 {dimension_numbers = #tpu.dot_dimension_numbers<[1], [0], [0], [1], [0, 0, 1, 1], [], []>, transpose_lhs_hint = false} : vector<16x512xf32>, vector<512x128xf32>, vector<16x128xf32> -> vector<16x128xf32>
    %dot_general3A_606 = arith.constant dense<0.000000e+00> : vector<16x128xf32>
    %dot_general3A_607 = tpu.matmul %get3A_458, %get3A_603, %dot_general3A_606 {dimension_numbers = #tpu.dot_dimension_numbers<[1], [0], [0], [1], [0, 0, 1, 1], [], []>, transpose_lhs_hint = false} : vector<16x512xf32>, vector<512x128xf32>, vector<16x128xf32> -> vector<16x128xf32>
    %get3A_608 = arith.index_cast %rem3A_0 : i32 to index
    %get3A_609 = arith.constant 15 : index
    %get3A_610 = arith.constant 0 : index
    %get3A_611 = arith.constant 0 : index
    %get3A_612 = vector.load %arg6[%get3A_608, %get3A_609, %get3A_610, %get3A_611] : memref<2x32x512x128xf32, #tpu.memory_space<vmem>>, vector<1x1x512x128xf32>
    %get3A_613 = vector.shape_cast %get3A_612 : vector<1x1x512x128xf32> to vector<512x128xf32>
    %dot_general3A_614 = arith.constant dense<0.000000e+00> : vector<16x128xf32>
    %dot_general3A_615 = tpu.matmul %get3A_455, %get3A_613, %dot_general3A_614 {dimension_numbers = #tpu.dot_dimension_numbers<[1], [0], [0], [1], [0, 0, 1, 1], [], []>, transpose_lhs_hint = false} : vector<16x512xf32>, vector<512x128xf32>, vector<16x128xf32> -> vector<16x128xf32>
    %dot_general3A_616 = arith.constant dense<0.000000e+00> : vector<16x128xf32>
    %dot_general3A_617 = tpu.matmul %get3A_458, %get3A_613, %dot_general3A_616 {dimension_numbers = #tpu.dot_dimension_numbers<[1], [0], [0], [1], [0, 0, 1, 1], [], []>, transpose_lhs_hint = false} : vector<16x512xf32>, vector<512x128xf32>, vector<16x128xf32> -> vector<16x128xf32>
    %get3A_618 = arith.index_cast %rem3A_0 : i32 to index
    %get3A_619 = arith.constant 16 : index
    %get3A_620 = arith.constant 0 : index
    %get3A_621 = arith.constant 0 : index
    %get3A_622 = vector.load %arg6[%get3A_618, %get3A_619, %get3A_620, %get3A_621] : memref<2x32x512x128xf32, #tpu.memory_space<vmem>>, vector<1x1x512x128xf32>
    %get3A_623 = vector.shape_cast %get3A_622 : vector<1x1x512x128xf32> to vector<512x128xf32>
    %dot_general3A_624 = arith.constant dense<0.000000e+00> : vector<16x128xf32>
    %dot_general3A_625 = tpu.matmul %get3A_455, %get3A_623, %dot_general3A_624 {dimension_numbers = #tpu.dot_dimension_numbers<[1], [0], [0], [1], [0, 0, 1, 1], [], []>, transpose_lhs_hint = false} : vector<16x512xf32>, vector<512x128xf32>, vector<16x128xf32> -> vector<16x128xf32>
    %dot_general3A_626 = arith.constant dense<0.000000e+00> : vector<16x128xf32>
    %dot_general3A_627 = tpu.matmul %get3A_458, %get3A_623, %dot_general3A_626 {dimension_numbers = #tpu.dot_dimension_numbers<[1], [0], [0], [1], [0, 0, 1, 1], [], []>, transpose_lhs_hint = false} : vector<16x512xf32>, vector<512x128xf32>, vector<16x128xf32> -> vector<16x128xf32>
    %get3A_628 = arith.index_cast %rem3A_0 : i32 to index
    %get3A_629 = arith.constant 17 : index
    %get3A_630 = arith.constant 0 : index
    %get3A_631 = arith.constant 0 : index
    %get3A_632 = vector.load %arg6[%get3A_628, %get3A_629, %get3A_630, %get3A_631] : memref<2x32x512x128xf32, #tpu.memory_space<vmem>>, vector<1x1x512x128xf32>
    %get3A_633 = vector.shape_cast %get3A_632 : vector<1x1x512x128xf32> to vector<512x128xf32>
    %dot_general3A_634 = arith.constant dense<0.000000e+00> : vector<16x128xf32>
    %dot_general3A_635 = tpu.matmul %get3A_455, %get3A_633, %dot_general3A_634 {dimension_numbers = #tpu.dot_dimension_numbers<[1], [0], [0], [1], [0, 0, 1, 1], [], []>, transpose_lhs_hint = false} : vector<16x512xf32>, vector<512x128xf32>, vector<16x128xf32> -> vector<16x128xf32>
    %dot_general3A_636 = arith.constant dense<0.000000e+00> : vector<16x128xf32>
    %dot_general3A_637 = tpu.matmul %get3A_458, %get3A_633, %dot_general3A_636 {dimension_numbers = #tpu.dot_dimension_numbers<[1], [0], [0], [1], [0, 0, 1, 1], [], []>, transpose_lhs_hint = false} : vector<16x512xf32>, vector<512x128xf32>, vector<16x128xf32> -> vector<16x128xf32>
    %get3A_638 = arith.index_cast %rem3A_0 : i32 to index
    %get3A_639 = arith.constant 18 : index
    %get3A_640 = arith.constant 0 : index
    %get3A_641 = arith.constant 0 : index
    %get3A_642 = vector.load %arg6[%get3A_638, %get3A_639, %get3A_640, %get3A_641] : memref<2x32x512x128xf32, #tpu.memory_space<vmem>>, vector<1x1x512x128xf32>
    %get3A_643 = vector.shape_cast %get3A_642 : vector<1x1x512x128xf32> to vector<512x128xf32>
    %dot_general3A_644 = arith.constant dense<0.000000e+00> : vector<16x128xf32>
    %dot_general3A_645 = tpu.matmul %get3A_455, %get3A_643, %dot_general3A_644 {dimension_numbers = #tpu.dot_dimension_numbers<[1], [0], [0], [1], [0, 0, 1, 1], [], []>, transpose_lhs_hint = false} : vector<16x512xf32>, vector<512x128xf32>, vector<16x128xf32> -> vector<16x128xf32>
    %dot_general3A_646 = arith.constant dense<0.000000e+00> : vector<16x128xf32>
    %dot_general3A_647 = tpu.matmul %get3A_458, %get3A_643, %dot_general3A_646 {dimension_numbers = #tpu.dot_dimension_numbers<[1], [0], [0], [1], [0, 0, 1, 1], [], []>, transpose_lhs_hint = false} : vector<16x512xf32>, vector<512x128xf32>, vector<16x128xf32> -> vector<16x128xf32>
    %get3A_648 = arith.index_cast %rem3A_0 : i32 to index
    %get3A_649 = arith.constant 19 : index
    %get3A_650 = arith.constant 0 : index
    %get3A_651 = arith.constant 0 : index
    %get3A_652 = vector.load %arg6[%get3A_648, %get3A_649, %get3A_650, %get3A_651] : memref<2x32x512x128xf32, #tpu.memory_space<vmem>>, vector<1x1x512x128xf32>
    %get3A_653 = vector.shape_cast %get3A_652 : vector<1x1x512x128xf32> to vector<512x128xf32>
    %dot_general3A_654 = arith.constant dense<0.000000e+00> : vector<16x128xf32>
    %dot_general3A_655 = tpu.matmul %get3A_455, %get3A_653, %dot_general3A_654 {dimension_numbers = #tpu.dot_dimension_numbers<[1], [0], [0], [1], [0, 0, 1, 1], [], []>, transpose_lhs_hint = false} : vector<16x512xf32>, vector<512x128xf32>, vector<16x128xf32> -> vector<16x128xf32>
    %dot_general3A_656 = arith.constant dense<0.000000e+00> : vector<16x128xf32>
    %dot_general3A_657 = tpu.matmul %get3A_458, %get3A_653, %dot_general3A_656 {dimension_numbers = #tpu.dot_dimension_numbers<[1], [0], [0], [1], [0, 0, 1, 1], [], []>, transpose_lhs_hint = false} : vector<16x512xf32>, vector<512x128xf32>, vector<16x128xf32> -> vector<16x128xf32>
    %get3A_658 = arith.index_cast %rem3A_0 : i32 to index
    %get3A_659 = arith.constant 20 : index
    %get3A_660 = arith.constant 0 : index
    %get3A_661 = arith.constant 0 : index
    %get3A_662 = vector.load %arg6[%get3A_658, %get3A_659, %get3A_660, %get3A_661] : memref<2x32x512x128xf32, #tpu.memory_space<vmem>>, vector<1x1x512x128xf32>
    %get3A_663 = vector.shape_cast %get3A_662 : vector<1x1x512x128xf32> to vector<512x128xf32>
    %dot_general3A_664 = arith.constant dense<0.000000e+00> : vector<16x128xf32>
    %dot_general3A_665 = tpu.matmul %get3A_455, %get3A_663, %dot_general3A_664 {dimension_numbers = #tpu.dot_dimension_numbers<[1], [0], [0], [1], [0, 0, 1, 1], [], []>, transpose_lhs_hint = false} : vector<16x512xf32>, vector<512x128xf32>, vector<16x128xf32> -> vector<16x128xf32>
    %dot_general3A_666 = arith.constant dense<0.000000e+00> : vector<16x128xf32>
    %dot_general3A_667 = tpu.matmul %get3A_458, %get3A_663, %dot_general3A_666 {dimension_numbers = #tpu.dot_dimension_numbers<[1], [0], [0], [1], [0, 0, 1, 1], [], []>, transpose_lhs_hint = false} : vector<16x512xf32>, vector<512x128xf32>, vector<16x128xf32> -> vector<16x128xf32>
    %get3A_668 = arith.index_cast %rem3A_0 : i32 to index
    %get3A_669 = arith.constant 21 : index
    %get3A_670 = arith.constant 0 : index
    %get3A_671 = arith.constant 0 : index
    %get3A_672 = vector.load %arg6[%get3A_668, %get3A_669, %get3A_670, %get3A_671] : memref<2x32x512x128xf32, #tpu.memory_space<vmem>>, vector<1x1x512x128xf32>
    %get3A_673 = vector.shape_cast %get3A_672 : vector<1x1x512x128xf32> to vector<512x128xf32>
    %dot_general3A_674 = arith.constant dense<0.000000e+00> : vector<16x128xf32>
    %dot_general3A_675 = tpu.matmul %get3A_455, %get3A_673, %dot_general3A_674 {dimension_numbers = #tpu.dot_dimension_numbers<[1], [0], [0], [1], [0, 0, 1, 1], [], []>, transpose_lhs_hint = false} : vector<16x512xf32>, vector<512x128xf32>, vector<16x128xf32> -> vector<16x128xf32>
    %dot_general3A_676 = arith.constant dense<0.000000e+00> : vector<16x128xf32>
    %dot_general3A_677 = tpu.matmul %get3A_458, %get3A_673, %dot_general3A_676 {dimension_numbers = #tpu.dot_dimension_numbers<[1], [0], [0], [1], [0, 0, 1, 1], [], []>, transpose_lhs_hint = false} : vector<16x512xf32>, vector<512x128xf32>, vector<16x128xf32> -> vector<16x128xf32>
    %get3A_678 = arith.index_cast %rem3A_0 : i32 to index
    %get3A_679 = arith.constant 22 : index
    %get3A_680 = arith.constant 0 : index
    %get3A_681 = arith.constant 0 : index
    %get3A_682 = vector.load %arg6[%get3A_678, %get3A_679, %get3A_680, %get3A_681] : memref<2x32x512x128xf32, #tpu.memory_space<vmem>>, vector<1x1x512x128xf32>
    %get3A_683 = vector.shape_cast %get3A_682 : vector<1x1x512x128xf32> to vector<512x128xf32>
    %dot_general3A_684 = arith.constant dense<0.000000e+00> : vector<16x128xf32>
    %dot_general3A_685 = tpu.matmul %get3A_455, %get3A_683, %dot_general3A_684 {dimension_numbers = #tpu.dot_dimension_numbers<[1], [0], [0], [1], [0, 0, 1, 1], [], []>, transpose_lhs_hint = false} : vector<16x512xf32>, vector<512x128xf32>, vector<16x128xf32> -> vector<16x128xf32>
    %dot_general3A_686 = arith.constant dense<0.000000e+00> : vector<16x128xf32>
    %dot_general3A_687 = tpu.matmul %get3A_458, %get3A_683, %dot_general3A_686 {dimension_numbers = #tpu.dot_dimension_numbers<[1], [0], [0], [1], [0, 0, 1, 1], [], []>, transpose_lhs_hint = false} : vector<16x512xf32>, vector<512x128xf32>, vector<16x128xf32> -> vector<16x128xf32>
    %get3A_688 = arith.index_cast %rem3A_0 : i32 to index
    %get3A_689 = arith.constant 23 : index
    %get3A_690 = arith.constant 0 : index
    %get3A_691 = arith.constant 0 : index
    %get3A_692 = vector.load %arg6[%get3A_688, %get3A_689, %get3A_690, %get3A_691] : memref<2x32x512x128xf32, #tpu.memory_space<vmem>>, vector<1x1x512x128xf32>
    %get3A_693 = vector.shape_cast %get3A_692 : vector<1x1x512x128xf32> to vector<512x128xf32>
    %dot_general3A_694 = arith.constant dense<0.000000e+00> : vector<16x128xf32>
    %dot_general3A_695 = tpu.matmul %get3A_455, %get3A_693, %dot_general3A_694 {dimension_numbers = #tpu.dot_dimension_numbers<[1], [0], [0], [1], [0, 0, 1, 1], [], []>, transpose_lhs_hint = false} : vector<16x512xf32>, vector<512x128xf32>, vector<16x128xf32> -> vector<16x128xf32>
    %dot_general3A_696 = arith.constant dense<0.000000e+00> : vector<16x128xf32>
    %dot_general3A_697 = tpu.matmul %get3A_458, %get3A_693, %dot_general3A_696 {dimension_numbers = #tpu.dot_dimension_numbers<[1], [0], [0], [1], [0, 0, 1, 1], [], []>, transpose_lhs_hint = false} : vector<16x512xf32>, vector<512x128xf32>, vector<16x128xf32> -> vector<16x128xf32>
    %get3A_698 = arith.index_cast %rem3A_0 : i32 to index
    %get3A_699 = arith.constant 24 : index
    %get3A_700 = arith.constant 0 : index
    %get3A_701 = arith.constant 0 : index
    %get3A_702 = vector.load %arg6[%get3A_698, %get3A_699, %get3A_700, %get3A_701] : memref<2x32x512x128xf32, #tpu.memory_space<vmem>>, vector<1x1x512x128xf32>
    %get3A_703 = vector.shape_cast %get3A_702 : vector<1x1x512x128xf32> to vector<512x128xf32>
    %dot_general3A_704 = arith.constant dense<0.000000e+00> : vector<16x128xf32>
    %dot_general3A_705 = tpu.matmul %get3A_455, %get3A_703, %dot_general3A_704 {dimension_numbers = #tpu.dot_dimension_numbers<[1], [0], [0], [1], [0, 0, 1, 1], [], []>, transpose_lhs_hint = false} : vector<16x512xf32>, vector<512x128xf32>, vector<16x128xf32> -> vector<16x128xf32>
    %dot_general3A_706 = arith.constant dense<0.000000e+00> : vector<16x128xf32>
    %dot_general3A_707 = tpu.matmul %get3A_458, %get3A_703, %dot_general3A_706 {dimension_numbers = #tpu.dot_dimension_numbers<[1], [0], [0], [1], [0, 0, 1, 1], [], []>, transpose_lhs_hint = false} : vector<16x512xf32>, vector<512x128xf32>, vector<16x128xf32> -> vector<16x128xf32>
    %get3A_708 = arith.index_cast %rem3A_0 : i32 to index
    %get3A_709 = arith.constant 25 : index
    %get3A_710 = arith.constant 0 : index
    %get3A_711 = arith.constant 0 : index
    %get3A_712 = vector.load %arg6[%get3A_708, %get3A_709, %get3A_710, %get3A_711] : memref<2x32x512x128xf32, #tpu.memory_space<vmem>>, vector<1x1x512x128xf32>
    %get3A_713 = vector.shape_cast %get3A_712 : vector<1x1x512x128xf32> to vector<512x128xf32>
    %dot_general3A_714 = arith.constant dense<0.000000e+00> : vector<16x128xf32>
    %dot_general3A_715 = tpu.matmul %get3A_455, %get3A_713, %dot_general3A_714 {dimension_numbers = #tpu.dot_dimension_numbers<[1], [0], [0], [1], [0, 0, 1, 1], [], []>, transpose_lhs_hint = false} : vector<16x512xf32>, vector<512x128xf32>, vector<16x128xf32> -> vector<16x128xf32>
    %dot_general3A_716 = arith.constant dense<0.000000e+00> : vector<16x128xf32>
    %dot_general3A_717 = tpu.matmul %get3A_458, %get3A_713, %dot_general3A_716 {dimension_numbers = #tpu.dot_dimension_numbers<[1], [0], [0], [1], [0, 0, 1, 1], [], []>, transpose_lhs_hint = false} : vector<16x512xf32>, vector<512x128xf32>, vector<16x128xf32> -> vector<16x128xf32>
    %get3A_718 = arith.index_cast %rem3A_0 : i32 to index
    %get3A_719 = arith.constant 26 : index
    %get3A_720 = arith.constant 0 : index
    %get3A_721 = arith.constant 0 : index
    %get3A_722 = vector.load %arg6[%get3A_718, %get3A_719, %get3A_720, %get3A_721] : memref<2x32x512x128xf32, #tpu.memory_space<vmem>>, vector<1x1x512x128xf32>
    %get3A_723 = vector.shape_cast %get3A_722 : vector<1x1x512x128xf32> to vector<512x128xf32>
    %dot_general3A_724 = arith.constant dense<0.000000e+00> : vector<16x128xf32>
    %dot_general3A_725 = tpu.matmul %get3A_455, %get3A_723, %dot_general3A_724 {dimension_numbers = #tpu.dot_dimension_numbers<[1], [0], [0], [1], [0, 0, 1, 1], [], []>, transpose_lhs_hint = false} : vector<16x512xf32>, vector<512x128xf32>, vector<16x128xf32> -> vector<16x128xf32>
    %dot_general3A_726 = arith.constant dense<0.000000e+00> : vector<16x128xf32>
    %dot_general3A_727 = tpu.matmul %get3A_458, %get3A_723, %dot_general3A_726 {dimension_numbers = #tpu.dot_dimension_numbers<[1], [0], [0], [1], [0, 0, 1, 1], [], []>, transpose_lhs_hint = false} : vector<16x512xf32>, vector<512x128xf32>, vector<16x128xf32> -> vector<16x128xf32>
    %get3A_728 = arith.index_cast %rem3A_0 : i32 to index
    %get3A_729 = arith.constant 27 : index
    %get3A_730 = arith.constant 0 : index
    %get3A_731 = arith.constant 0 : index
    %get3A_732 = vector.load %arg6[%get3A_728, %get3A_729, %get3A_730, %get3A_731] : memref<2x32x512x128xf32, #tpu.memory_space<vmem>>, vector<1x1x512x128xf32>
    %get3A_733 = vector.shape_cast %get3A_732 : vector<1x1x512x128xf32> to vector<512x128xf32>
    %dot_general3A_734 = arith.constant dense<0.000000e+00> : vector<16x128xf32>
    %dot_general3A_735 = tpu.matmul %get3A_455, %get3A_733, %dot_general3A_734 {dimension_numbers = #tpu.dot_dimension_numbers<[1], [0], [0], [1], [0, 0, 1, 1], [], []>, transpose_lhs_hint = false} : vector<16x512xf32>, vector<512x128xf32>, vector<16x128xf32> -> vector<16x128xf32>
    %dot_general3A_736 = arith.constant dense<0.000000e+00> : vector<16x128xf32>
    %dot_general3A_737 = tpu.matmul %get3A_458, %get3A_733, %dot_general3A_736 {dimension_numbers = #tpu.dot_dimension_numbers<[1], [0], [0], [1], [0, 0, 1, 1], [], []>, transpose_lhs_hint = false} : vector<16x512xf32>, vector<512x128xf32>, vector<16x128xf32> -> vector<16x128xf32>
    %get3A_738 = arith.index_cast %rem3A_0 : i32 to index
    %get3A_739 = arith.constant 28 : index
    %get3A_740 = arith.constant 0 : index
    %get3A_741 = arith.constant 0 : index
    %get3A_742 = vector.load %arg6[%get3A_738, %get3A_739, %get3A_740, %get3A_741] : memref<2x32x512x128xf32, #tpu.memory_space<vmem>>, vector<1x1x512x128xf32>
    %get3A_743 = vector.shape_cast %get3A_742 : vector<1x1x512x128xf32> to vector<512x128xf32>
    %dot_general3A_744 = arith.constant dense<0.000000e+00> : vector<16x128xf32>
    %dot_general3A_745 = tpu.matmul %get3A_455, %get3A_743, %dot_general3A_744 {dimension_numbers = #tpu.dot_dimension_numbers<[1], [0], [0], [1], [0, 0, 1, 1], [], []>, transpose_lhs_hint = false} : vector<16x512xf32>, vector<512x128xf32>, vector<16x128xf32> -> vector<16x128xf32>
    %dot_general3A_746 = arith.constant dense<0.000000e+00> : vector<16x128xf32>
    %dot_general3A_747 = tpu.matmul %get3A_458, %get3A_743, %dot_general3A_746 {dimension_numbers = #tpu.dot_dimension_numbers<[1], [0], [0], [1], [0, 0, 1, 1], [], []>, transpose_lhs_hint = false} : vector<16x512xf32>, vector<512x128xf32>, vector<16x128xf32> -> vector<16x128xf32>
    %get3A_748 = arith.index_cast %rem3A_0 : i32 to index
    %get3A_749 = arith.constant 29 : index
    %get3A_750 = arith.constant 0 : index
    %get3A_751 = arith.constant 0 : index
    %get3A_752 = vector.load %arg6[%get3A_748, %get3A_749, %get3A_750, %get3A_751] : memref<2x32x512x128xf32, #tpu.memory_space<vmem>>, vector<1x1x512x128xf32>
    %get3A_753 = vector.shape_cast %get3A_752 : vector<1x1x512x128xf32> to vector<512x128xf32>
    %dot_general3A_754 = arith.constant dense<0.000000e+00> : vector<16x128xf32>
    %dot_general3A_755 = tpu.matmul %get3A_455, %get3A_753, %dot_general3A_754 {dimension_numbers = #tpu.dot_dimension_numbers<[1], [0], [0], [1], [0, 0, 1, 1], [], []>, transpose_lhs_hint = false} : vector<16x512xf32>, vector<512x128xf32>, vector<16x128xf32> -> vector<16x128xf32>
    %dot_general3A_756 = arith.constant dense<0.000000e+00> : vector<16x128xf32>
    %dot_general3A_757 = tpu.matmul %get3A_458, %get3A_753, %dot_general3A_756 {dimension_numbers = #tpu.dot_dimension_numbers<[1], [0], [0], [1], [0, 0, 1, 1], [], []>, transpose_lhs_hint = false} : vector<16x512xf32>, vector<512x128xf32>, vector<16x128xf32> -> vector<16x128xf32>
    %get3A_758 = arith.index_cast %rem3A_0 : i32 to index
    %get3A_759 = arith.constant 30 : index
    %get3A_760 = arith.constant 0 : index
    %get3A_761 = arith.constant 0 : index
    %get3A_762 = vector.load %arg6[%get3A_758, %get3A_759, %get3A_760, %get3A_761] : memref<2x32x512x128xf32, #tpu.memory_space<vmem>>, vector<1x1x512x128xf32>
    %get3A_763 = vector.shape_cast %get3A_762 : vector<1x1x512x128xf32> to vector<512x128xf32>
    %dot_general3A_764 = arith.constant dense<0.000000e+00> : vector<16x128xf32>
    %dot_general3A_765 = tpu.matmul %get3A_455, %get3A_763, %dot_general3A_764 {dimension_numbers = #tpu.dot_dimension_numbers<[1], [0], [0], [1], [0, 0, 1, 1], [], []>, transpose_lhs_hint = false} : vector<16x512xf32>, vector<512x128xf32>, vector<16x128xf32> -> vector<16x128xf32>
    %dot_general3A_766 = arith.constant dense<0.000000e+00> : vector<16x128xf32>
    %dot_general3A_767 = tpu.matmul %get3A_458, %get3A_763, %dot_general3A_766 {dimension_numbers = #tpu.dot_dimension_numbers<[1], [0], [0], [1], [0, 0, 1, 1], [], []>, transpose_lhs_hint = false} : vector<16x512xf32>, vector<512x128xf32>, vector<16x128xf32> -> vector<16x128xf32>
    %get3A_768 = arith.index_cast %rem3A_0 : i32 to index
    %get3A_769 = arith.constant 31 : index
    %get3A_770 = arith.constant 0 : index
    %get3A_771 = arith.constant 0 : index
    %get3A_772 = vector.load %arg6[%get3A_768, %get3A_769, %get3A_770, %get3A_771] : memref<2x32x512x128xf32, #tpu.memory_space<vmem>>, vector<1x1x512x128xf32>
    %get3A_773 = vector.shape_cast %get3A_772 : vector<1x1x512x128xf32> to vector<512x128xf32>
    %dot_general3A_774 = arith.constant dense<0.000000e+00> : vector<16x128xf32>
    %dot_general3A_775 = tpu.matmul %get3A_455, %get3A_773, %dot_general3A_774 {dimension_numbers = #tpu.dot_dimension_numbers<[1], [0], [0], [1], [0, 0, 1, 1], [], []>, transpose_lhs_hint = false} : vector<16x512xf32>, vector<512x128xf32>, vector<16x128xf32> -> vector<16x128xf32>
    %dot_general3A_776 = arith.constant dense<0.000000e+00> : vector<16x128xf32>
    %dot_general3A_777 = tpu.matmul %get3A_458, %get3A_773, %dot_general3A_776 {dimension_numbers = #tpu.dot_dimension_numbers<[1], [0], [0], [1], [0, 0, 1, 1], [], []>, transpose_lhs_hint = false} : vector<16x512xf32>, vector<512x128xf32>, vector<16x128xf32> -> vector<16x128xf32>
    %concatenate3A = tpu.concatenate %dot_general3A_465, %dot_general3A_475, %dot_general3A_485, %dot_general3A_495, %dot_general3A_505, %dot_general3A_515, %dot_general3A_525, %dot_general3A_535, %dot_general3A_545, %dot_general3A_555, %dot_general3A_565, %dot_general3A_575, %dot_general3A_585, %dot_general3A_595, %dot_general3A_605, %dot_general3A_615, %dot_general3A_625, %dot_general3A_635, %dot_general3A_645, %dot_general3A_655, %dot_general3A_665, %dot_general3A_675, %dot_general3A_685, %dot_general3A_695, %dot_general3A_705, %dot_general3A_715, %dot_general3A_725, %dot_general3A_735, %dot_general3A_745, %dot_general3A_755, %dot_general3A_765, %dot_general3A_775 in 1 : vector<16x128xf32>, vector<16x128xf32>, vector<16x128xf32>, vector<16x128xf32>, vector<16x128xf32>, vector<16x128xf32>, vector<16x128xf32>, vector<16x128xf32>, vector<16x128xf32>, vector<16x128xf32>, vector<16x128xf32>, vector<16x128xf32>, vector<16x128xf32>, vector<16x128xf32>, vector<16x128xf32>, vector<16x128xf32>, vector<16x128xf32>, vector<16x128xf32>, vector<16x128xf32>, vector<16x128xf32>, vector<16x128xf32>, vector<16x128xf32>, vector<16x128xf32>, vector<16x128xf32>, vector<16x128xf32>, vector<16x128xf32>, vector<16x128xf32>, vector<16x128xf32>, vector<16x128xf32>, vector<16x128xf32>, vector<16x128xf32>, vector<16x128xf32> -> vector<16x4096xf32>
    %concatenate3A_778 = tpu.concatenate %dot_general3A_467, %dot_general3A_477, %dot_general3A_487, %dot_general3A_497, %dot_general3A_507, %dot_general3A_517, %dot_general3A_527, %dot_general3A_537, %dot_general3A_547, %dot_general3A_557, %dot_general3A_567, %dot_general3A_577, %dot_general3A_587, %dot_general3A_597, %dot_general3A_607, %dot_general3A_617, %dot_general3A_627, %dot_general3A_637, %dot_general3A_647, %dot_general3A_657, %dot_general3A_667, %dot_general3A_677, %dot_general3A_687, %dot_general3A_697, %dot_general3A_707, %dot_general3A_717, %dot_general3A_727, %dot_general3A_737, %dot_general3A_747, %dot_general3A_757, %dot_general3A_767, %dot_general3A_777 in 1 : vector<16x128xf32>, vector<16x128xf32>, vector<16x128xf32>, vector<16x128xf32>, vector<16x128xf32>, vector<16x128xf32>, vector<16x128xf32>, vector<16x128xf32>, vector<16x128xf32>, vector<16x128xf32>, vector<16x128xf32>, vector<16x128xf32>, vector<16x128xf32>, vector<16x128xf32>, vector<16x128xf32>, vector<16x128xf32>, vector<16x128xf32>, vector<16x128xf32>, vector<16x128xf32>, vector<16x128xf32>, vector<16x128xf32>, vector<16x128xf32>, vector<16x128xf32>, vector<16x128xf32>, vector<16x128xf32>, vector<16x128xf32>, vector<16x128xf32>, vector<16x128xf32>, vector<16x128xf32>, vector<16x128xf32>, vector<16x128xf32>, vector<16x128xf32> -> vector<16x4096xf32>
    %eq3A_779 = arith.constant 0 : i32
    %eq3A_780 = arith.cmpi eq, %arg0, %eq3A_779 : i32
    %convert_element_type3A_781 = arith.extui %eq3A_780 : i1 to i32
    %cond3A_782 = arith.constant 0 : i32
    %cond3A_783 = arith.cmpi ne, %convert_element_type3A_781, %cond3A_782 : i32
    scf.if %cond3A_783 {
      %swap3A = arith.constant 0 : index
      %swap3A_793 = arith.constant 0 : index
      %swap3A_794 = vector.load %arg7[%swap3A, %swap3A_793] : memref<16x4096xf32, #tpu.memory_space<vmem>>, vector<16x4096xf32>
      tpu.vector_store %arg7[%swap3A, %swap3A_793], %concatenate3A {strides = array<i32>} : memref<16x4096xf32, #tpu.memory_space<vmem>>, vector<16x4096xf32>,
      %swap3A_795 = arith.constant 0 : index
      %swap3A_796 = arith.constant 0 : index
      %swap3A_797 = vector.load %arg8[%swap3A_795, %swap3A_796] : memref<16x4096xf32, #tpu.memory_space<vmem>>, vector<16x4096xf32>
      tpu.vector_store %arg8[%swap3A_795, %swap3A_796], %concatenate3A_778 {strides = array<i32>} : memref<16x4096xf32, #tpu.memory_space<vmem>>, vector<16x4096xf32>,
    } else {
    }
    %gt3A = arith.constant 0 : i32
    %gt3A_784 = arith.cmpi sgt, %arg0, %gt3A : i32
    %convert_element_type3A_785 = arith.extui %gt3A_784 : i1 to i32
    %cond3A_786 = arith.constant 0 : i32
    %cond3A_787 = arith.cmpi ne, %convert_element_type3A_785, %cond3A_786 : i32
    scf.if %cond3A_787 {
      %get3A_793 = arith.constant 0 : index
      %get3A_794 = arith.constant 0 : index
      %get3A_795 = vector.load %arg7[%get3A_793, %get3A_794] : memref<16x4096xf32, #tpu.memory_space<vmem>>, vector<16x4096xf32>
      %add3A_796 = arith.addf %get3A_795, %concatenate3A : vector<16x4096xf32>
      %swap3A = arith.constant 0 : index
      %swap3A_797 = arith.constant 0 : index
      %swap3A_798 = vector.load %arg7[%swap3A, %swap3A_797] : memref<16x4096xf32, #tpu.memory_space<vmem>>, vector<16x4096xf32>
      tpu.vector_store %arg7[%swap3A, %swap3A_797], %add3A_796 {strides = array<i32>} : memref<16x4096xf32, #tpu.memory_space<vmem>>, vector<16x4096xf32>,
      %get3A_799 = arith.constant 0 : index
      %get3A_800 = arith.constant 0 : index
      %get3A_801 = vector.load %arg8[%get3A_799, %get3A_800] : memref<16x4096xf32, #tpu.memory_space<vmem>>, vector<16x4096xf32>
      %add3A_802 = arith.addf %get3A_801, %concatenate3A_778 : vector<16x4096xf32>
      %swap3A_803 = arith.constant 0 : index
      %swap3A_804 = arith.constant 0 : index
      %swap3A_805 = vector.load %arg8[%swap3A_803, %swap3A_804] : memref<16x4096xf32, #tpu.memory_space<vmem>>, vector<16x4096xf32>
      tpu.vector_store %arg8[%swap3A_803, %swap3A_804], %add3A_802 {strides = array<i32>} : memref<16x4096xf32, #tpu.memory_space<vmem>>, vector<16x4096xf32>,
    } else {
    }
    %eq3A_788 = arith.constant 7 : i32
    %eq3A_789 = arith.cmpi eq, %arg0, %eq3A_788 : i32
    %convert_element_type3A_790 = arith.extui %eq3A_789 : i1 to i32
    %cond3A_791 = arith.constant 0 : i32
    %cond3A_792 = arith.cmpi ne, %convert_element_type3A_790, %cond3A_791 : i32
    scf.if %cond3A_792 {
      %get3A_793 = arith.constant 0 : index
      %get3A_794 = arith.constant 0 : index
      %get3A_795 = vector.load %arg7[%get3A_793, %get3A_794] : memref<16x4096xf32, #tpu.memory_space<vmem>>, vector<16x4096xf32>
      %get3A_796 = arith.constant 0 : index
      %get3A_797 = arith.constant 0 : index
      %get3A_798 = vector.load %arg8[%get3A_796, %get3A_797] : memref<16x4096xf32, #tpu.memory_space<vmem>>, vector<16x4096xf32>
      %mul3A_799 = arith.mulf %get3A_795, %get3A_795 : vector<16x4096xf32>
      %mul3A_800 = arith.mulf %get3A_798, %get3A_798 : vector<16x4096xf32>
      %add3A_801 = arith.addf %mul3A_799, %mul3A_800 : vector<16x4096xf32>
      %get3A_802 = arith.constant 0 : index
      %get3A_803 = arith.constant 0 : index
      %get3A_804 = vector.load %arg3[%get3A_802, %get3A_803] : memref<16x4096xf32, #tpu.memory_space<vmem>>, vector<16x4096xf32>
      %add3A_805 = arith.constant 1.000000e-10 : f32
      %add3A_806 = vector.broadcast %add3A_805 : f32 to vector<16x4096xf32>
      %add3A_807 = arith.addf %add3A_801, %add3A_806 : vector<16x4096xf32>
      %log3A = math.log %add3A_807 : vector<16x4096xf32>
      %add3A_808 = arith.addf %get3A_804, %log3A : vector<16x4096xf32>
      %argmax3A = tpu.reduce_index %add3A_808 {axis = 1 : i32, kind = #tpu.reduction_kind<arg_max>} : vector<16x4096xf32> -> vector<16xi32>
      %reshape3A = vector.shape_cast %argmax3A : vector<16xi32> to vector<16x1xi32>
      %swap3A = arith.constant 0 : index
      %swap3A_809 = arith.constant 0 : index
      %swap3A_810 = vector.load %arg5[%swap3A, %swap3A_809] : memref<16x1xi32, #tpu.memory_space<vmem>>, vector<16x1xi32>
      tpu.vector_store %arg5[%swap3A, %swap3A_809], %reshape3A {strides = array<i32>} : memref<16x1xi32, #tpu.memory_space<vmem>>, vector<16x1xi32>,
    } else {
    }
    return
  }
  func.func @transform_0(%arg0: i32) -> (i32, i32) {
    %c0_i32 = arith.constant 0 : i32
    %c0_i32_0 = arith.constant 0 : i32
    return %c0_i32, %arg0 : i32, i32
  }
  func.func @transform_1(%arg0: i32) -> (i32, i32) {
    %c0_i32 = arith.constant 0 : i32
    %c0_i32_0 = arith.constant 0 : i32
    return %c0_i32, %arg0 : i32, i32
  }
  func.func @transform_2(%arg0: i32) -> (i32, i32) {
    %c0_i32 = arith.constant 0 : i32
    %c0_i32_0 = arith.constant 0 : i32
    %c0_i32_1 = arith.constant 0 : i32
    return %c0_i32, %c0_i32_0 : i32, i32
  }
  func.func @transform_4(%arg0: i32) -> (i32, i32) {
    %c0_i32 = arith.constant 0 : i32
    %c0_i32_0 = arith.constant 0 : i32
    %c0_i32_1 = arith.constant 0 : i32
    return %c0_i32, %c0_i32_0 : i32, i32
  }
}

</mosaic_0001>

<sc_bundles>
// kernel: kernel.4.cloned.1.call-start
scs
__scs_entry_jumppad:
0x0: {  	(pc) =	sbr.rel $0x88, $3  }
0x1: {  	(tag) =	ssettag $0x0;
	lr =	simm.s32 $0x1  }
0x2: {  	[smem:$0x3F9F] =	sst lr;
	_ =	strace $0xD0000000  }
0x3: {  	_ = 	snop  }
0x4: {  	_ = 	snop  }
0x5: {  	_ = 	snop  }
0x6: {  	_ = 	snop  }
0x7: {  	_ = 	snop  }
__scs_overlays_trampoline_lowered:
0x8: {  	[smem:$0x3FAE] =	sst s0  }
0x9: {  	[smem:$0x3FAF] =	sst s1  }
0xa: {  	[smem:$0x3FB0] =	sst s2  }
0xb: {  	[smem:$0x3FB1] =	sst s3  }
0xc: {  	[smem:$0x3FB2] =	sst s4  }
0xd: {  	[smem:$0x3FB3] =	sst s5  }
0xe: {  	[smem:$0x3FB4] =	sst s6  }
0xf: {  	[smem:$0x3FB5] =	sst s7  }
0x10: {  	[smem:$0x3FB6] =	sst s8  }
0x11: {  	[smem:$0x3FB7] =	sst s9;
	s0 =	simm.s32 @!p0 $0x0  }
0x12: {  	s1 =	sld [smem:$0x3F9D];
	s0 =	simm.s32 @p0 $0x1  }
0x13: {  	[smem:$0x3FB8] =	sst s0;
	s0 =	simm.s32 @!p1 $0x0  }
0x14: {  	s2 =	sld [smem:$0x3F9C];
	s0 =	simm.s32 @p1 $0x1  }
0x15: {  	[smem:$0x3FB9] =	sst s0;
	s0 =	simm.s32 @!p2 $0x0  }
0x16: {  	s3 =	sld [smem:$0x3FDB];
	s0 =	simm.s32 @p2 $0x1  }
0x17: {  	s4 =	simm.s32 $0x1BF5;
	[smem:$0x3FBB] =	sst s0  }
0x18: {  	s0 =	sld [smem:$0x3F9E];
	_ =	swait.ge [sflag:s4], $0x0  }
0x19: {  	s7 =	sld [smem:$0x3F9F]  }
0x1a: {  	s8 =	sadd.s32 $0xFFFFE003, lr  }
0x1b: {  	s9 =	sadd.s32 $0xFFFFFEF7, lr;
	s5 =	simm.s32 $0xFFFFFFFF;
	p2 =	slt.u32 s8, $0xFFFFF086  }
0x1c: {  	p1 =	slt.u32 s9, $0xF7A;
	s5 =	simm.s32 @!p2 $0x0  }
0x1d: {  	s5 =	simm.s32 @p1 $0x1;
	p0 =	seq.s32 s7, s2  }
0x1e: {  	s7 =	smul.u32 @!p0 $0xF7A, s2;
	p2 =	seq.s32 @!p0 s5, $0x0  }
0x1f: {  	s9 =	smul.u32 $0xF7A, s1;
	s8 =	simm.s32 @!p0 $0x1BF5;
	p2 =	por !p2, p0  }
0x20: {  	[sflag:s8] =	ssyncset.s32 @!p0 $0xFFFFF086;
	s6 =	sadd.s32 @!p0 s3, s7;
	s7 =	simm.s32 @!p0 $0x108  }
0x21: {  	s3 =	sadd.s32 s3, s9;
	s6 =	sadd.s32 @!p0 $0x88, s6;
	s7 =	simm.s32 @p2 $0x1082  }
0x22: {  	[simem:s7], [sflag:s8] =	dma.local @!p0 [hbm:s6], $0xF7A  }
0x23: {  	s9 =	sor.u32 $0xD0000000, s2;
	s6 =	simm.s32 $0x108;
	_ =	swait.ge @!p0 [sflag:s8], $0x0  }
0x24: {  	s3 =	sadd.s32 $0x88, s3;
	s6 =	simm.s32 @!p1 $0x1082;
	[sflag:s4] =	ssyncset.s32 $0xFFFFF086  }
0x25: {  	[simem:s6], [sflag:s4] =	dma.local [hbm:s3], $0xF7A  }
0x26: {  	[smem:$0x3F9F] =	sst s1;
	(tag) =	ssettag s2;
	_ =	strace s9  }
0x27: {  	s1 =	sld [smem:$0x3FAF]  }
0x28: {  	s2 =	sld [smem:$0x3FB0]  }
0x29: {  	s4 =	sld [smem:$0x3FB2]  }
0x2a: {  	p0 =	seq.s32 s5, $0x0;
	s5 =	sld [smem:$0x3FB3]  }
0x2b: {  	s6 =	sld [smem:$0x3FB4]  }
0x2c: {  	s7 =	sld [smem:$0x3FB5]  }
0x2d: {  	s3 =	simm.s32 $0x108;
	s8 =	sld [smem:$0x3FB6]  }
0x2e: {  	s3 =	simm.s32 @!p0 $0x1082;
	s9 =	sld [smem:$0x3FB7]  }
0x2f: {  	lr =	sadd.s32 s0, s3;
	s0 =	sld [smem:$0x3FAE]  }
0x30: {  	s3 =	sld [smem:$0x3FB1]  }
0x31: {  	[smem:$0x3FBA] =	sst s10  }
0x32: {  	s10 =	sld [smem:$0x3FB8];
	_ =	sdelay $0x3  }
0x33: {  	p0 =	seq.s32 s10, $0x1;
	s10 =	sld [smem:$0x3FBA];
	_ =	sdelay $0x3  }
0x34: {  	[smem:$0x3FBA] =	sst s10  }
0x35: {  	s10 =	sld [smem:$0x3FB9];
	_ =	sdelay $0x3  }
0x36: {  	p1 =	seq.s32 s10, $0x1;
	s10 =	sld [smem:$0x3FBA];
	_ =	sdelay $0x3  }
0x37: {  	[smem:$0x3FBA] =	sst s10  }
0x38: {  	s10 =	sld [smem:$0x3FBB]  }
0x39: {  	_ = 	snop;
	(pc) =	sbr.ind lr, $3  }
0x3a: {  	_ = 	snop  }
0x3b: {  	_ = 	snop  }
0x3c: {  	p2 =	seq.s32 s10, $0x1;
	s10 =	sld [smem:$0x3FBA]  }
0x3d: {  	_ =	shalt  }
0x3e: {  	_ =	shalt  }
0x3f: {  	_ =	shalt  }
0x40: {  	_ =	shalt  }
0x41: {  	_ =	shalt  }
0x42: {  	_ =	shalt  }
0x43: {  	_ =	shalt  }
0x44: {  	_ =	shalt  }
0x45: {  	_ =	shalt  }
0x46: {  	_ =	shalt  }
0x47: {  	_ =	shalt  }
0x48: {  	_ =	shalt  }
0x49: {  	_ =	shalt  }
0x4a: {  	_ =	shalt  }
0x4b: {  	_ =	shalt  }
0x4c: {  	_ =	shalt  }
0x4d: {  	_ =	shalt  }
0x4e: {  	_ =	shalt  }
0x4f: {  	_ =	shalt  }
0x50: {  	_ =	shalt  }
0x51: {  	_ =	shalt  }
0x52: {  	_ =	shalt  }
0x53: {  	_ =	shalt  }
0x54: {  	_ =	shalt  }
0x55: {  	_ =	shalt  }
0x56: {  	_ =	shalt  }
0x57: {  	_ =	shalt  }
0x58: {  	_ =	shalt  }
0x59: {  	_ =	shalt  }
0x5a: {  	_ =	shalt  }
0x5b: {  	_ =	shalt  }
0x5c: {  	_ =	shalt  }
0x5d: {  	_ =	shalt  }
0x5e: {  	_ =	shalt  }
0x5f: {  	_ =	shalt  }
0x60: {  	_ =	shalt  }
0x61: {  	_ =	shalt  }
0x62: {  	_ =	shalt  }
0x63: {  	_ =	shalt  }
0x64: {  	_ =	shalt  }
0x65: {  	_ =	shalt  }
0x66: {  	_ =	shalt  }
0x67: {  	_ =	shalt  }
0x68: {  	_ =	shalt  }
0x69: {  	_ =	shalt  }
0x6a: {  	_ =	shalt  }
0x6b: {  	_ =	shalt  }
0x6c: {  	_ =	shalt  }
0x6d: {  	_ =	shalt  }
0x6e: {  	_ =	shalt  }
0x6f: {  	_ =	shalt  }
0x70: {  	_ =	shalt  }
0x71: {  	_ =	shalt  }
0x72: {  	_ =	shalt  }
0x73: {  	_ =	shalt  }
0x74: {  	_ =	shalt  }
0x75: {  	_ =	shalt  }
0x76: {  	_ =	shalt  }
0x77: {  	_ =	shalt  }
0x78: {  	_ =	shalt  }
0x79: {  	_ =	shalt  }
0x7a: {  	_ =	shalt  }
0x7b: {  	_ =	shalt  }
0x7c: {  	_ =	shalt  }
0x7d: {  	_ =	shalt  }
0x7e: {  	_ =	shalt  }
0x7f: {  	_ =	shalt  }
0x80: {  	_ =	shalt  }
0x81: {  	_ =	shalt  }
0x82: {  	_ =	shalt  }
0x83: {  	_ =	shalt  }
0x84: {  	_ =	shalt  }
0x85: {  	_ =	shalt  }
0x86: {  	_ =	shalt  }
0x87: {  	_ =	shalt  }
.Lfunc_end0:
.L_simem_size_0:
called_computation_lowered:
.L_overlay_start_0:
0x88: {  	s2 =	sld [smem:$0x3FD9]  }
0x89: {  	s3 =	sld [smem:$0x3FFE];
	_ =	sdelay $0x1  }
0x8a: {  	s1 =	srdreg.scid  }
0x8b: {  	s0 =	sand.u32 $0x1, s1  }
0x8c: {  	s15 =	sshll.u32 s0, $0xA;
	s2 =	sadd.s32 s3, s2  }
0x8d: {  	s2 =	sadd.s32 s2, s15  }
0x8e: {  	[smem:$0x3FC6] =	sst s2  }
0x8f: {  	_ = 	snop  }
0x90: {  	s2 =	sld [smem:$0x3FD0];
	_ =	sdelay $0x2  }
0x91: {  	s4 =	simm.s32 $0xA;
	s5 =	simm.s32 $0x10;
	s16 =	sld [smem:$0x3FC8]  }
0x92: {  	[smem:s5], [sflag:s4] =	dma.local [hbm:s2], $0x1  }
0x93: {  	_ =	swait.eq [sflag:s4], $0x1  }
0x94: {  	[sflag:s4] =	ssyncset.done $0x0  }
0x95: {  	s17 =	sld [smem:$0x10];
	[sflag:s4] =	ssyncadd.s32 $0xFFFFFFFF  }
0x96: {  	s18 =	sld [smem:$0x11];
	(tm) =	ssettm $0x1  }
0x97: {  	s19 =	sld [smem:$0x3FFB];
	_ =	sdelay $0x3  }
0x98: {  	_ =	strace s19  }
0x99: {  	s5 =	sld [smem:$0x3FFC];
	_ =	sdelay $0x3  }
0x9a: {  	_ =	strace s5  }
0x9b: {  	s5 =	sld [smem:$0x3FFD];
	_ =	sdelay $0x3  }
0x9c: {  	_ =	strace s5  }
0x9d: {  	_ =	strace $0x8FFFFFFF  }
0x9e: {  	s20 =	sld [smem:$0x3FDB];
	_ =	sdelay $0x1  }
0x9f: {  	s6 =	simm.s32 $_scs_section_size  }
0xa0: {  	s7 =	simm.s32 $_size__tile_overlayer_lowered;
	s8 =	simm.s32 $_tile_overlayer_lowered  }
0xa1: {  	s23 =	simm.s32 $0x1BFF;
	s22 =	sshll.u32 s8, $0x1;
	s5 =	sadd.s32 s6, s20  }
0xa2: {  	s9 =	simm.s32 $0x0;
	s21 =	sshll.u32 s7, $0x1;
	s7 =	sadd.s32 s22, s5  }
0xa3: {  	[timem:s9], [sflag:s23] =	dma.local [hbm:s7], s21  }
0xa4: {  	_ =	swait.ge [sflag:s23], s21  }
0xa5: {  	s6 =	ssub.s32 $0x0, s21;
	[sflag:s23] =	ssyncset.done $0x0  }
0xa6: {  	[sflag:s23] =	ssyncadd.s32 s6;
	_ =	sdelay $0x1  }
0xa7: {  	s24 =	simm.s32 $0x1B8B  }
0xa8: {  	_ =	swait.ge [sflag:s24], $0x1  }
0xa9: {  	[sflag:s24] =	ssyncset.done $0x0  }
0xaa: {  	s25 =	simm.s32 $0x1B8E;
	[sflag:s24] =	ssyncadd.s32 $0xFFFFFFFF  }
0xab: {  	s26 =	simm.s32 $execute0_lowered;
	[smem:$0x3FD2] =	sst s25  }
0xac: {  	s6 =	sshll.u32 s26, $0x1;
	_ =	strace $0x80000046;
	[dreg:$0x1] =	wrdreg $0xFFFFFFFF  }
0xad: {  	s28 =	simm.s32 $_size_execute0_lowered;
	s5 =	sadd.s32 s5, s6;
	[dreg:$0x0] =	wrdreg $0x0  }
0xae: {  	s6 =	sshll.u32 s28, $0x1;
	[dreg:$0x2] =	wrdreg s5  }
0xaf: {  	[dreg:$0x3] =	wrdreg s6  }
0xb0: {  	[dreg:$0x4] =	wrdreg $0xC0  }
0xb1: {  	_ =	task [dreg:s9], $0x5FFFF  }
0xb2: {  	[dreg:$0x1] =	wrdreg $0xFFFFFFFF  }
0xb3: {  	[dreg:$0x0] =	wrdreg $0x60  }
0xb4: {  	[dreg:$0x2] =	wrdreg s16  }
0xb5: {  	[dreg:$0x3] =	wrdreg s17  }
0xb6: {  	[dreg:$0x4] =	wrdreg s18  }
0xb7: {  	[dreg:$0x5] =	wrdreg $0x9  }
0xb8: {  	_ =	task.clear_ibuf [dreg:s9], $0x6FFFF;
	_ =	strace $0x90000046  }
0xb9: {  	s29 =	simm.s32 $0x9;
	_ =	strace $0x80000048  }
0xba: {  	_ =	swait.ge [sflag:s29], $0x1  }
0xbb: {  	[sflag:s29] =	ssyncadd.s32 $0xFFFFFFFF  }
0xbc: {  	_ =	strace $0x90000048  }
0xbd: {  	_ =	sfence  }
0xbe: {  	s30 =	sld [smem:$0x0];
	_ =	sdelay $0x2  }
0xbf: {  	s31 =	sshll.u32 s1, $0xD;
	s1 =	sshrl.u32 s1, $0x2  }
0xc0: {  	s3 =	sand.u32 $0x4000, s31;
	s1 =	sadd.s32 s1, s30  }
0xc1: {  	s0 =	sor.u32 s3, s0;
	s1 =	sshll.u32 s1, $0x11  }
0xc2: {  	s0 =	sor.u32 s1, s0  }
0xc3: {  	s0 =	sadd.s32 $0x8F2B, s0  }
0xc4: {  	[sflag:s0] =	ssyncadd.remote.s32 $0x1  }
0xc5: {  	_ =	sfence.sel $0xFFFF  }
0xc6: {  	[dreg:$0x0] =	wrdreg $0xFFFFFFFF;
	(pc) =	sbr.abs _section_cstart, $3  }
0xc7: {  	[dreg:$0x1] =	wrdreg $0xFFFFFFFF  }
0xc8: {  	_ =	task.clear_ibuf [dreg:s9], $0x2FFFF;
	_ =	strace $0x9FFFFFFF  }
0xc9: {  	(tm) =	ssettm $0x7FFFFFFF  }
tec
execute0_lowered:
.L_overlay_start_1:
0x0: {  	(tag) =	ssettag $0x1  }
0x1: {  	s0 =	srdreg.scid;
	s4 =	stileid.u32;
	s2 =	simm.s32 $0x1  }
0x2: {  	s3 =	rddreg [dreg:$0x2];
	s5 =	simm.s32 $0x0;
	s9 =	simm.s32 $0x2  }
0x3: {  	s10 =	simm.s32 $0x80;
	s11 =	simm.s32 $0x880;
	s28 =	simm.s32 $0xC80  }
0x4: {  	s29 =	simm.s32 $0x500;
	s30 =	simm.s32 $0xD00;
	s31 =	simm.s32 $0x580  }
0x5: {  	s12 =	simm.s32 $0xE80;
	s13 =	simm.s32 $0x700;
	s14 =	simm.s32 $0xF00  }
0x6: {  	s15 =	simm.s32 $0x780;
	s16 =	simm.s32 $0xF80;
	s0 =	sand.u32 $0x1, s0  }
0x7: {  	s17 =	simm.s32 $0x800;
	s18 =	simm.s32 $0x1000;
	s1 =	sor.u32 s0, s4  }
0x8: {  	s19 =	simm.s32 $0x0;
	p1 =	seq.s32 s0, $0x1;
	p0 =	seq.s32 s1, $0x0  }
0x9: {  	[smem:$0x7FF] =	sst s5;
	s5 =	simm.s32 $0x1;
	p0 =	por !p0, !p1  }
0xa: {  	s23 =	ssub.s32 $0x2, s0;
	s24 =	sshll.u32 s0, $0xE;
	p0 =	por !p0, !p0  }
0xb: {  	s21 =	sshll.u32 s0, $0xB;
	s0 =	simm.s32 $0x600;
	s2 =	simm.s32 @!p0 $0x0  }
0xc: {  	s1 =	rddreg [dreg:$0x0];
	s8 =	sshrl.u32 s23, $0x1;
	s6 =	ssub.s32 s4, s2  }
0xd: {  	_ =	strace $0x80000047;
	s2 =	ssub.s32 s23, s8;
	s4 =	sshll.u32 s6, $0xC  }
0xe: {  	s23 =	simm.s32 $0xB80;
	s7 =	sshll.u32 s6, $0x7;
	s4 =	sand.u32 $0xFFFF8000, s4  }
0xf: {  	s8 =	smax.u32 s2, $0x1;
	s25 =	sand.u32 $0x380, s7;
	s4 =	sor.u32 s24, s4  }
0x10: {  	s2 =	simm.s32 $0xD80;
	s24 =	simm.s32 $0x400;
	s4 =	sor.u32 s25, s4  }
0x11: {  	v1 =	vlaneseq.u32;
	v0 =	vmov s6;
	s25 =	simm.s32 $0xC00;
	s26 =	sshrl.u32 s4, $0x3;
	s4 =	simm.s32 $0x680  }
0x12: {  	vm0 =	veq.s32 v0, v1;
	v0 =	vmul.u32 $0x2000, v1;
	s7 =	sadd.s32 s3, s26;
	s26 =	simm.s32 $0x480;
	s3 =	simm.s32 $0xE00  }
.LBB2_1:
0x13: {  	s6 =	rddreg [dreg:$0x1];
	s20 =	simm.s32 $0x0  }
0x14: {  	[tilespmem:s20], [sflag:$0x2] =	stream.linear.gather [hbm4b:s6+s20], $0x80, $0x38;
	[tilespmem:$0x1080] =	vst v63  }
0x15: {  	_ =	swait.ge [sflag:s9], $0x80  }
0x16: {  	[sflag:s9] =	ssyncset.done $0x0  }
0x17: {  	[sflag:s9] =	ssyncadd.s32 $0xFFFFFF80  }
0x18: {  	v1 =	vld [tilespmem:$0x0];
	_ =	sdelay $0x4  }
0x19: {  	v1 =	vnsel vm0, $0x0, v1  }
0x1a: {  	(xrf0) =	vadd.scan.msk.s32 $0xffff, v1;
	_ =	sdelay $0x5  }
0x1b: {  	v1, _, _ =	vpop (xrf0)  }
0x1c: {  	(v2sf) =	vpush v1, $0xF;
	_ =	sdelay $0xe  }
0x1d: {  	s6 =	spop (v2sf)  }
0x1e: {  	s22 =	sshra.s32 s6, $0x1F  }
0x1f: {  	s20 =	sshrl.u32 s22, $0x19  }
0x20: {  	s20 =	sadd.s32 s20, s6  }
0x21: {  	s22 =	sand.u32 $0xFFFFFF80, s20  }
0x22: {  	p0 =	slt.s32 s6, $0x1;
	p1 =	sne.s32 s6, s22  }
0x23: {  	p0 =	por !p0, !p1  }
0x24: {  	s22 =	simm.s32 $0x1;
	p0 =	por !p0, !p0  }
0x25: {  	s20 =	sshrl.u32 s20, $0x7;
	s22 =	simm.s32 @!p0 $0x0  }
0x26: {  	s20 =	ssub.s32 s20, s22  }
0x27: {  	v1 =	vmov s21;
	s6 =	sand.u32 $0x7F, s6;
	s20 =	sshll.u32 s20, $0x8  }
0x28: {  	v2 =	vshll.u32 v1, $0xD;
	s6 =	sor.u32 s6, s20  }
0x29: {  	v2 =	vor.u32 v0, v2;
	v1 =	vmov s6  }
0x2a: {  	s22 =	simm.s32 $0x0;
	s20 =	simm.s32 $0x40;
	s6 =	smov.u32 s21;
	v2 =	vadd.s32 v1, v2  }
.LBB2_2:
0x2b: {  	p0 =	sne.s32 s20, $0x1FC0  }
0x2c: {  	[tilespmem:s22+$0x80] =	vst v2;
	s6 =	sadd.s32 $0x10, s6;
	s22 =	smov.u32 s20;
	s20 =	sadd.s32 $0x40, s20  }
.Ltmp0:
0x2d: {  	(pc) =	sbr.rel @p0 .LBB2_2-.Ltmp0, $4  }
0x2e: {  	v2 =	vmov s6  }
0x2f: {  	v2 =	vshll.u32 v2, $0xD  }
0x30: {  	v2 =	vor.u32 v0, v2  }
0x31: {  	s22 =	sshra.s32 s22, $0x2;
	v2 =	vadd.s32 v1, v2  }
0x32: {  	[tilespmem:s22+$0x80] =	vst v2  }
0x33: {  	[tilespmem:s11], [sflag:$0x1] =	stream.indirect.gather [hbm4b:s1+s10], $0x1, s10, s10, $0xb8;
	[tilespmem:$0x1080] =	vst v63  }
0x34: {  	s6 =	simm.s32 $0x100;
	s20 =	simm.s32 $0x900  }
0x35: {  	[tilespmem:s20], [sflag:$0x1] =	stream.indirect.gather [hbm4b:s1+s10], $0x1, s6, s10, $0xb8;
	[tilespmem:$0x1080] =	vst v63  }
0x36: {  	s22 =	simm.s32 $0x980;
	s20 =	simm.s32 $0x180  }
0x37: {  	[tilespmem:s22], [sflag:$0x1] =	stream.indirect.gather [hbm4b:s1+s10], $0x1, s20, s10, $0xb8;
	[tilespmem:$0x1080] =	vst v63  }
0x38: {  	s20 =	simm.s32 $0x200;
	s22 =	simm.s32 $0xA00  }
0x39: {  	[tilespmem:s22], [sflag:$0x1] =	stream.indirect.gather [hbm4b:s1+s10], $0x1, s20, s10, $0xb8;
	[tilespmem:$0x1080] =	vst v63  }
0x3a: {  	s20 =	simm.s32 $0x280;
	s22 =	simm.s32 $0xA80  }
0x3b: {  	[tilespmem:s22], [sflag:$0x1] =	stream.indirect.gather [hbm4b:s1+s10], $0x1, s20, s10, $0xb8;
	[tilespmem:$0x1080] =	vst v63  }
0x3c: {  	s20 =	simm.s32 $0x300;
	s22 =	simm.s32 $0xB00  }
0x3d: {  	[tilespmem:s22], [sflag:$0x1] =	stream.indirect.gather [hbm4b:s1+s10], $0x1, s20, s10, $0xb8;
	[tilespmem:$0x1080] =	vst v63  }
0x3e: {  	s22 =	simm.s32 $0x380  }
0x3f: {  	[tilespmem:s23], [sflag:$0x1] =	stream.indirect.gather [hbm4b:s1+s10], $0x1, s22, s10, $0xb8;
	[tilespmem:$0x1080] =	vst v63  }
0x40: {  	_ = 	snop  }
0x41: {  	[tilespmem:s25], [sflag:$0x1] =	stream.indirect.gather [hbm4b:s1+s10], $0x1, s24, s10, $0xb8;
	[tilespmem:$0x1080] =	vst v63  }
0x42: {  	_ = 	snop  }
0x43: {  	[tilespmem:s28], [sflag:$0x1] =	stream.indirect.gather [hbm4b:s1+s10], $0x1, s26, s10, $0xb8;
	[tilespmem:$0x1080] =	vst v63  }
0x44: {  	_ = 	snop  }
0x45: {  	[tilespmem:s30], [sflag:$0x1] =	stream.indirect.gather [hbm4b:s1+s10], $0x1, s29, s10, $0xb8;
	[tilespmem:$0x1080] =	vst v63  }
0x46: {  	_ = 	snop  }
0x47: {  	[tilespmem:s2], [sflag:$0x1] =	stream.indirect.gather [hbm4b:s1+s10], $0x1, s31, s10, $0xb8;
	[tilespmem:$0x1080] =	vst v63  }
0x48: {  	_ = 	snop  }
0x49: {  	[tilespmem:s3], [sflag:$0x1] =	stream.indirect.gather [hbm4b:s1+s10], $0x1, s0, s10, $0xb8;
	[tilespmem:$0x1080] =	vst v63  }
0x4a: {  	_ = 	snop  }
0x4b: {  	[tilespmem:s12], [sflag:$0x1] =	stream.indirect.gather [hbm4b:s1+s10], $0x1, s4, s10, $0xb8;
	[tilespmem:$0x1080] =	vst v63  }
0x4c: {  	_ = 	snop  }
0x4d: {  	[tilespmem:s14], [sflag:$0x1] =	stream.indirect.gather [hbm4b:s1+s10], $0x1, s13, s10, $0xb8;
	[tilespmem:$0x1080] =	vst v63  }
0x4e: {  	_ = 	snop  }
0x4f: {  	[tilespmem:s16], [sflag:$0x1] =	stream.indirect.gather [hbm4b:s1+s10], $0x1, s15, s10, $0xb8;
	[tilespmem:$0x1080] =	vst v63  }
0x50: {  	_ = 	snop  }
0x51: {  	[tilespmem:s18], [sflag:$0x1] =	stream.indirect.gather [hbm4b:s1+s10], $0x1, s17, s10, $0xb8;
	[tilespmem:$0x1080] =	vst v63  }
0x52: {  	_ =	swait.ge [sflag:s5], $0x80  }
0x53: {  	[sflag:s5] =	ssyncset.done $0x0  }
0x54: {  	[sflag:s5] =	ssyncadd.s32 $0xFFFFFF80  }
0x55: {  	_ =	swait.ge [sflag:s5], $0x80  }
0x56: {  	[sflag:s5] =	ssyncset.done $0x0  }
0x57: {  	[sflag:s5] =	ssyncadd.s32 $0xFFFFFF80  }
0x58: {  	_ =	swait.ge [sflag:s5], $0x80  }
0x59: {  	[sflag:s5] =	ssyncset.done $0x0  }
0x5a: {  	[sflag:s5] =	ssyncadd.s32 $0xFFFFFF80  }
0x5b: {  	_ =	swait.ge [sflag:s5], $0x80  }
0x5c: {  	[sflag:s5] =	ssyncset.done $0x0  }
0x5d: {  	[sflag:s5] =	ssyncadd.s32 $0xFFFFFF80  }
0x5e: {  	_ =	swait.ge [sflag:s5], $0x80  }
0x5f: {  	[sflag:s5] =	ssyncset.done $0x0  }
0x60: {  	[sflag:s5] =	ssyncadd.s32 $0xFFFFFF80  }
0x61: {  	_ =	swait.ge [sflag:s5], $0x80  }
0x62: {  	[sflag:s5] =	ssyncset.done $0x0  }
0x63: {  	[sflag:s5] =	ssyncadd.s32 $0xFFFFFF80  }
0x64: {  	_ =	swait.ge [sflag:s5], $0x80  }
0x65: {  	[sflag:s5] =	ssyncset.done $0x0  }
0x66: {  	[sflag:s5] =	ssyncadd.s32 $0xFFFFFF80  }
0x67: {  	_ =	swait.ge [sflag:s5], $0x80  }
0x68: {  	[sflag:s5] =	ssyncset.done $0x0  }
0x69: {  	[sflag:s5] =	ssyncadd.s32 $0xFFFFFF80  }
0x6a: {  	_ =	swait.ge [sflag:s5], $0x80  }
0x6b: {  	[sflag:s5] =	ssyncset.done $0x0  }
0x6c: {  	[sflag:s5] =	ssyncadd.s32 $0xFFFFFF80  }
0x6d: {  	_ =	swait.ge [sflag:s5], $0x80  }
0x6e: {  	[sflag:s5] =	ssyncset.done $0x0  }
0x6f: {  	[sflag:s5] =	ssyncadd.s32 $0xFFFFFF80  }
0x70: {  	_ =	swait.ge [sflag:s5], $0x80  }
0x71: {  	[sflag:s5] =	ssyncset.done $0x0  }
0x72: {  	[sflag:s5] =	ssyncadd.s32 $0xFFFFFF80  }
0x73: {  	_ =	swait.ge [sflag:s5], $0x80  }
0x74: {  	[sflag:s5] =	ssyncset.done $0x0  }
0x75: {  	[sflag:s5] =	ssyncadd.s32 $0xFFFFFF80  }
0x76: {  	_ =	swait.ge [sflag:s5], $0x80  }
0x77: {  	[sflag:s5] =	ssyncset.done $0x0  }
0x78: {  	[sflag:s5] =	ssyncadd.s32 $0xFFFFFF80  }
0x79: {  	_ =	swait.ge [sflag:s5], $0x80  }
0x7a: {  	[sflag:s5] =	ssyncset.done $0x0  }
0x7b: {  	[sflag:s5] =	ssyncadd.s32 $0xFFFFFF80  }
0x7c: {  	_ =	swait.ge [sflag:s5], $0x80  }
0x7d: {  	[sflag:s5] =	ssyncset.done $0x0  }
0x7e: {  	[sflag:s5] =	ssyncadd.s32 $0xFFFFFF80  }
0x7f: {  	s19 =	sadd.s32 $0x1, s19;
	_ =	swait.ge [sflag:s5], $0x80  }
0x80: {  	p0 =	sne.s32 s19, s8;
	[sflag:s5] =	ssyncset.done $0x0  }
.Ltmp1:
0x81: {  	[sflag:s5] =	ssyncadd.s32 $0xFFFFFF80;
	(pc) =	sbr.rel @p0 .LBB2_1-.Ltmp1, $4  }
0x82: {  	[hbm4b:s7+s10] =	stream.strided.scatter [tilespmem:s11], [sflag:$0x2], $0x800, s24, s10, $0x38;
	[tilespmem:$0x1080] =	vst v63  }
0x83: {  	_ =	swait.ge [sflag:s9], $0x800  }
0x84: {  	[sflag:s9] =	ssyncset.done $0x0  }
0x85: {  	[sflag:s9] =	ssyncadd.s32 $0xFFFFF800  }
0x86: {  	_ =	sfence.sel $0x180000  }
0x87: {  	[bflag:$0x0] =	sbarrier.arrive $0xFFFF  }
0x88: {  	_ =	strace $0x90000047  }
0x89: {  	s0 =	stileid.u32;
	[bflag:$0x2] =	sbarrier.arrive $0xFFFF  }
0x8a: {  	p0 =	sne.s32 s0, $0x0;
	s0 =	rddreg [dreg:$0x3]  }
0x8b: {  	s0 =	sadd.s32 @!p0 $0x100000, s0  }
0x8c: {  	[sflag:s0] =	ssyncadd.tile.s32 @!p0 $0x1;
	_ =	shalt  }
.Lfunc_end2:
_tile_overlayer_lowered:
.L_overlay_start_2:
0x8d: {  	(tag) =	ssettag $0x2  }
0x8e: {  	s0 =	rddreg [dreg:$0x0];
	s2 =	stileid.u32  }
0x8f: {  	s1 =	rddreg [dreg:$0x1];
	p0 =	sne.s32 s2, $0x0  }
0x90: {  	s3 =	rddreg [dreg:$0x2];
	[bflag:$0x3] =	sbarrier.arrive $0xFFFF;
	s2 =	simm.s32 @!p0 $0x1C02  }
0x91: {  	[timem:s3], [sflag:s2] =	dma.local @!p0 [hbm:s0], s1  }
0x92: {  	s0 =	simm.s32 @!p0 $0x2  }
0x93: {  	_ =	swait.ge @!p0 [sflag:s0], s1  }
0x94: {  	s1 =	ssub.s32 @!p0 $0x0, s1;
	[sflag:s0] =	ssyncset.done @!p0 $0x0  }
0x95: {  	[sflag:s0] =	ssyncadd.s32 @!p0 s1  }
0x96: {  	[bflag:$0x3] =	sbarrier.arrive $0xFFFF  }
0x97: {  	_ =	shalt  }

</sc_bundles>
